<compile_context>
chip_gen: v7x
topology: tpu7x:2x2x1
jax: 0.10.2.dev20260603
libtpu: 0.0.44.dev20260713+nightly
codegen_flags: <defaults>
</compile_context>

<pallas_src>
import functools

import jax
import jax.numpy as jnp
from jax import lax
from jax.experimental import pallas as pl
from jax.experimental.pallas import tpu as pltpu
from jax.experimental.pallas import tpu_sc as plsc

B, S1, S2, K = 1024, 1, 32, 17
D = 128
N = B * S1 * S2
NNEI = K - 1

NC, NS = 2, 16
NW = NC * NS
PPW = N // NW
P = 8
NCH = PPW // P
SCHUNK = 128
NSCH = PPW // SCHUNK
LANES = 16


def _sc_body(emb_h, idxn_h, idxs_h, self_out, nei_out,
             idxn_v, idxs_v, rows, nbuf, srows, gsem, osem, ssem, sosem):
    cid = lax.axis_index("c")
    sid = lax.axis_index("s")
    w = sid * NC + cid
    base = w * PPW

    pltpu.sync_copy(idxn_h.at[pl.ds(w * NCH, NCH)], idxn_v)
    pltpu.sync_copy(idxs_h.at[pl.ds(w * NSCH, NSCH)], idxs_v)

    def fire_nei(c, slot):
        pltpu.async_copy(emb_h.at[idxn_v.at[c]], rows.at[slot], gsem.at[slot])

    def wait_nei(c, slot):
        pltpu.make_async_copy(emb_h.at[idxn_v.at[c]], rows.at[slot],
                              gsem.at[slot]).wait()

    def fire_self(j):
        pltpu.async_copy(emb_h.at[idxs_v.at[j]], srows, ssem)

    def harvest_self(j):
        pltpu.make_async_copy(emb_h.at[idxs_v.at[j]], srows, ssem).wait()
        dst = self_out.at[pl.ds(base + j * SCHUNK, SCHUNK)]
        pltpu.async_copy(srows, dst, sosem)
        pltpu.make_async_copy(srows, dst, sosem).wait()

    def reduce_chunk(slot, c):
        def pos(p, carry):
            for d in range(D // LANES):
                acc = rows[slot, p * NNEI, pl.ds(d * LANES, LANES)]
                for r in range(1, NNEI):
                    acc = acc + rows[slot, p * NNEI + r, pl.ds(d * LANES, LANES)]
                nbuf[slot, p, pl.ds(d * LANES, LANES)] = acc
            return carry
        lax.fori_loop(0, P, pos, 0)

    fire_nei(0, 0)
    fire_nei(1, 1)
    fire_self(0)

    def process(i, c, slot):
        wait_nei(c, slot)

        @pl.when(i > 0)
        def _():
            pltpu.make_async_copy(nbuf.at[slot],
                                  nei_out.at[pl.ds(base, P)],
                                  osem.at[slot]).wait()

        reduce_chunk(slot, c)
        pltpu.async_copy(nbuf.at[slot],
                         nei_out.at[pl.ds(base + c * P, P)],
                         osem.at[slot])

        @pl.when(i < NCH // 2 - 1)
        def _():
            fire_nei(c + 2, slot)

    def pair_body(i, carry):
        @pl.when(i % 8 == 4)
        def _():
            j = i // 8
            harvest_self(j)

            @pl.when(j + 1 < NSCH)
            def _():
                fire_self(j + 1)

        process(i, 2 * i, 0)
        process(i, 2 * i + 1, 1)
        return carry

    lax.fori_loop(0, NCH // 2, pair_body, 0)

    pltpu.make_async_copy(nbuf.at[0], nei_out.at[pl.ds(base, P)],
                          osem.at[0]).wait()
    pltpu.make_async_copy(nbuf.at[1], nei_out.at[pl.ds(base, P)],
                          osem.at[1]).wait()


_sc_gather_reduce = functools.partial(
    pl.kernel,
    out_type=(jax.ShapeDtypeStruct((N, D), jnp.float32),
              jax.ShapeDtypeStruct((N, D), jnp.float32)),
    mesh=plsc.VectorSubcoreMesh(core_axis_name="c", subcore_axis_name="s"),
    scratch_types=[
        pltpu.VMEM((NCH, 128), jnp.int32),
        pltpu.VMEM((NSCH, 128), jnp.int32),
        pltpu.VMEM((2, P * NNEI, D), jnp.float32),
        pltpu.VMEM((2, P, D), jnp.float32),
        pltpu.VMEM((SCHUNK, D), jnp.float32),
        pltpu.SemaphoreType.DMA((2,)),
        pltpu.SemaphoreType.DMA((2,)),
        pltpu.SemaphoreType.DMA,
        pltpu.SemaphoreType.DMA,
    ],
)(_sc_body)


def _mm_body(self_ref, nei_ref, w0a, w0s, w1a, w1s, out_ref):
    aggr = nei_ref[...] * (1.0 / NNEI)
    h = jnp.maximum(
        jnp.dot(self_ref[...], w0s[...], preferred_element_type=jnp.float32)
        + jnp.dot(aggr, w0a[...], preferred_element_type=jnp.float32), 0.0)
    out_ref[...] = jnp.maximum(
        jnp.dot(h, w1s[...], preferred_element_type=jnp.float32)
        + jnp.dot(aggr, w1a[...], preferred_element_type=jnp.float32), 0.0)


_MM_R = 4096
_mm = pl.pallas_call(
    _mm_body,
    out_shape=jax.ShapeDtypeStruct((N, D), jnp.float32),
    grid=(N // _MM_R,),
    in_specs=[
        pl.BlockSpec((_MM_R, D), lambda i: (i, 0)),
        pl.BlockSpec((_MM_R, D), lambda i: (i, 0)),
        pl.BlockSpec((D, D), lambda i: (0, 0)),
        pl.BlockSpec((D, D), lambda i: (0, 0)),
        pl.BlockSpec((D, D), lambda i: (0, 0)),
        pl.BlockSpec((D, D), lambda i: (0, 0)),
    ],
    out_specs=pl.BlockSpec((_MM_R, D), lambda i: (i, 0)),
)


def kernel(adj_org, Emb, W0_agg, W0_self, W1_agg, W1_self):
    adj = adj_org.reshape(N, K).astype(jnp.int32)
    idx_self = adj[:, 0].reshape(N // 128, 128)
    idx_nei = adj[:, 1:].reshape(N * NNEI // 128, 128)
    self_rows, nei_sum = _sc_gather_reduce(Emb, idx_nei, idx_self)
    out = _mm(self_rows, nei_sum, W0_agg, W0_self, W1_agg, W1_self)
    return out.reshape(B, S1, S2, D)

# --- scband reference (transcript-rebuilt; emitter-appended) ---
"""Pipeline reference for scband-graph-sage-27212912787602 (READ-ONLY COPY).

The authoritative reference and input builder live on the scoring server;
editing this copy changes nothing except your own understanding.
"""

import jax, jax.numpy as jnp
import numpy as np

B, S1, S2, K = 1024, 1, 32, 17
D = 128
NUM_NODE = 100000
VOCAB = NUM_NODE + 1


def setup_inputs(seed: int = 0) -> dict:
    key = jax.random.key(seed)
    ks = jax.random.split(key, 6)
    adj_org = jax.random.randint(ks[0], (B, S1, S2, K), 0, VOCAB, dtype=jnp.int64 if jax.config.jax_enable_x64 else jnp.int32)
    Emb = jax.random.normal(ks[1], (VOCAB, D), dtype=jnp.float32) * 0.05
    Emb = Emb.at[0].set(0.0)  # padding row zeroed as in reset_parameters
    W0_agg = jax.random.normal(ks[2], (D, D), dtype=jnp.float32) * 0.05
    W0_self = jax.random.normal(ks[3], (D, D), dtype=jnp.float32) * 0.05
    W1_agg = jax.random.normal(ks[4], (D, D), dtype=jnp.float32) * 0.05
    W1_self = jax.random.normal(ks[5], (D, D), dtype=jnp.float32) * 0.05
    return {"adj_org": adj_org, "Emb": Emb, "W0_agg": W0_agg, "W0_self": W0_self, "W1_agg": W1_agg, "W1_self": W1_self}


def reference(adj_org, Emb, W0_agg, W0_self, W1_agg, W1_self):
    # embedding gather over all (B,S1,S2,K) indices
    flat = adj_org.reshape(-1)
    input_x = jnp.take(Emb, flat, axis=0).reshape(B, S1, S2, K, D)
    input_self = input_x[:, :, :, 0, :]          # [B,S1,S2,D]
    input_nei = input_x[:, :, :, 1:, :]          # [B,S1,S2,K-1,D]

    hidden_self = input_self
    # layer 0: SageGCN with relu activation, then extra relu in GraphSage loop
    aggr0 = input_nei.mean(axis=3)               # mean over neighbors
    neighbor_hidden0 = jnp.matmul(aggr0, W0_agg)
    self_hidden0 = jnp.matmul(hidden_self, W0_self)
    h = jax.nn.relu(self_hidden0 + neighbor_hidden0)  # SageGCN activation
    h = jax.nn.relu(h)                                # loop relu

    # layer 1: SageGCN with activation=None, then loop relu
    # NOTE: hidden_nei is never updated in the original forward; it stays input_nei
    aggr1 = input_nei.mean(axis=3)
    neighbor_hidden1 = jnp.matmul(aggr1, W1_agg)
    self_hidden1 = jnp.matmul(h, W1_self)
    h = self_hidden1 + neighbor_hidden1
    h = jax.nn.relu(h)
    return h

if __name__ == "__main__":
    import jax
    _d = setup_inputs()
    print(jax.jit(kernel)(*tuple(_d.values())))

</pallas_src>

<mosaic_0001>
#map = affine_map<(d0, d1) -> (0, 0)>
module attributes {stable_mosaic.version = 14 : i64} {
  func.func @_sc_body(%arg0: i32, %arg1: i32, %arg2: memref<100001x128xf32, #tpu.memory_space<hbm>>, %arg3: memref<4096x128xi32, #tpu.memory_space<hbm>>, %arg4: memref<256x128xi32, #tpu.memory_space<hbm>>, %arg5: memref<32768x128xf32, #tpu.memory_space<hbm>>, %arg6: memref<32768x128xf32, #tpu.memory_space<hbm>>, %arg7: memref<128x128xi32, #tpu.memory_space<vmem>>, %arg8: memref<8x128xi32, #tpu.memory_space<vmem>>, %arg9: memref<2x128x128xf32, #tpu.memory_space<vmem>>, %arg10: memref<2x8x128xf32, #tpu.memory_space<vmem>>, %arg11: memref<128x128xf32, #tpu.memory_space<vmem>>, %arg12: memref<2x!tpu.dma_semaphore, #tpu.memory_space<semaphore_mem>>, %arg13: memref<2x!tpu.dma_semaphore, #tpu.memory_space<semaphore_mem>>, %arg14: memref<!tpu.dma_semaphore, #tpu.memory_space<semaphore_mem>>, %arg15: memref<!tpu.dma_semaphore, #tpu.memory_space<semaphore_mem>>) attributes {dimension_semantics = [#tpu.dimension_semantics<core_parallel>, #tpu.dimension_semantics<subcore_parallel>], iteration_bounds = array<i64: 2, 16>, scalar_prefetch = 0 : i64, scratch_operands = 9 : i64, tpu.core_type = #tpu.core_type<sc_vector_subcore>, window_params = [{transform_indices = #map}, {transform_indices = #map}, {transform_indices = #map}, {transform_indices = #map}, {transform_indices = #map}]} {
    %mul3A = arith.constant 2 : i32
    %mul3A_0 = arith.muli %arg1, %mul3A : i32
    %add3A = arith.addi %mul3A_0, %arg0 : i32
    %mul3A_1 = arith.constant 1024 : i32
    %mul3A_2 = arith.muli %add3A, %mul3A_1 : i32
    %mul3A_3 = arith.constant 128 : i32
    %mul3A_4 = arith.muli %add3A, %mul3A_3 : i32
    "tpu.region"() ({
      %run_scoped3A = tpu.sem_alloc : memref<!tpu.dma_semaphore, #tpu.memory_space<semaphore_mem>>
      %dma_start3A_79 = arith.constant 0 : i32
      %dma_start3A_80 = tpu.memref_slice %arg3[%mul3A_4, %dma_start3A_79] : memref<4096x128xi32, #tpu.memory_space<hbm>> -> memref<128x128xi32, #tpu.memory_space<hbm>>
      %dma_start3A_81 = arith.constant 0 : i32
      %dma_start3A_82 = tpu.memref_slice %arg3[%mul3A_4, %dma_start3A_81] : memref<4096x128xi32, #tpu.memory_space<hbm>> -> memref<128x128xi32, #tpu.memory_space<hbm>>
      tpu.enqueue_dma source(%dma_start3A_82 : memref<128x128xi32, #tpu.memory_space<hbm>>) target(%arg7 : memref<128x128xi32, #tpu.memory_space<vmem>>) target_semaphore(%run_scoped3A : memref<!tpu.dma_semaphore, #tpu.memory_space<semaphore_mem>>)
      %dma_wait3A_83 = arith.constant 0 : i32
      %dma_wait3A_84 = tpu.memref_slice %arg3[%mul3A_4, %dma_wait3A_83] : memref<4096x128xi32, #tpu.memory_space<hbm>> -> memref<128x128xi32, #tpu.memory_space<hbm>>
      %dma_wait3A_85 = arith.constant 0 : i32
      %dma_wait3A_86 = tpu.memref_slice %arg3[%mul3A_4, %dma_wait3A_85] : memref<4096x128xi32, #tpu.memory_space<hbm>> -> memref<128x128xi32, #tpu.memory_space<hbm>>
      tpu.wait_dma2 semaphore(%run_scoped3A : memref<!tpu.dma_semaphore, #tpu.memory_space<semaphore_mem>>) src(%dma_wait3A_86 : memref<128x128xi32, #tpu.memory_space<hbm>>) dst(%arg7 : memref<128x128xi32, #tpu.memory_space<vmem>>)
      tpu.yield
    }) : () -> ()
    %mul3A_5 = arith.constant 8 : i32
    %mul3A_6 = arith.muli %add3A, %mul3A_5 : i32
    "tpu.region"() ({
      %run_scoped3A = tpu.sem_alloc : memref<!tpu.dma_semaphore, #tpu.memory_space<semaphore_mem>>
      %dma_start3A_79 = arith.constant 0 : i32
      %dma_start3A_80 = tpu.memref_slice %arg4[%mul3A_6, %dma_start3A_79] : memref<256x128xi32, #tpu.memory_space<hbm>> -> memref<8x128xi32, #tpu.memory_space<hbm>>
      %dma_start3A_81 = arith.constant 0 : i32
      %dma_start3A_82 = tpu.memref_slice %arg4[%mul3A_6, %dma_start3A_81] : memref<256x128xi32, #tpu.memory_space<hbm>> -> memref<8x128xi32, #tpu.memory_space<hbm>>
      tpu.enqueue_dma source(%dma_start3A_82 : memref<8x128xi32, #tpu.memory_space<hbm>>) target(%arg8 : memref<8x128xi32, #tpu.memory_space<vmem>>) target_semaphore(%run_scoped3A : memref<!tpu.dma_semaphore, #tpu.memory_space<semaphore_mem>>)
      %dma_wait3A_83 = arith.constant 0 : i32
      %dma_wait3A_84 = tpu.memref_slice %arg4[%mul3A_6, %dma_wait3A_83] : memref<256x128xi32, #tpu.memory_space<hbm>> -> memref<8x128xi32, #tpu.memory_space<hbm>>
      %dma_wait3A_85 = arith.constant 0 : i32
      %dma_wait3A_86 = tpu.memref_slice %arg4[%mul3A_6, %dma_wait3A_85] : memref<256x128xi32, #tpu.memory_space<hbm>> -> memref<8x128xi32, #tpu.memory_space<hbm>>
      tpu.wait_dma2 semaphore(%run_scoped3A : memref<!tpu.dma_semaphore, #tpu.memory_space<semaphore_mem>>) src(%dma_wait3A_86 : memref<8x128xi32, #tpu.memory_space<hbm>>) dst(%arg8 : memref<8x128xi32, #tpu.memory_space<vmem>>)
      tpu.yield
    }) : () -> ()
    %dma_start3A = arith.constant 0 : i32
    %dma_start3A_7 = arith.constant 0 : i32
    %dma_start3A_8 = arith.constant 0 : i32
    %dma_start3A_9 = arith.constant 0 : i32
    %dma_start3A_10 = arith.constant 0 : i32
    %dma_start3A_11 = tpu.memref_slice %arg9[%dma_start3A_7, %dma_start3A_9, %dma_start3A_10] : memref<2x128x128xf32, #tpu.memory_space<vmem>> -> memref<1x128x128xf32, #tpu.memory_space<vmem>>
    %dma_start3A_12 = tpu.memref_squeeze %dma_start3A_11 : memref<1x128x128xf32, #tpu.memory_space<vmem>> -> memref<128x128xf32, #tpu.memory_space<vmem>>
    %dma_start3A_13 = arith.constant 0 : i32
    %dma_start3A_14 = tpu.memref_slice %arg7[%dma_start3A, %dma_start3A_13] : memref<128x128xi32, #tpu.memory_space<vmem>> -> memref<1x128xi32, #tpu.memory_space<vmem>>
    %dma_start3A_15 = tpu.memref_squeeze %dma_start3A_14 : memref<1x128xi32, #tpu.memory_space<vmem>> -> memref<128xi32, #tpu.memory_space<vmem>>
    %dma_start3A_16 = arith.constant 0 : i32
    %dma_start3A_17 = arith.constant 0 : i32
    %dma_start3A_18 = tpu.memref_slice %arg2[%dma_start3A_16, %dma_start3A_17] : memref<100001x128xf32, #tpu.memory_space<hbm>> -> memref<100001x128xf32, #tpu.memory_space<hbm>>
    %dma_start3A_19 = tpu.memref_slice %arg12[%dma_start3A_8] : memref<2x!tpu.dma_semaphore, #tpu.memory_space<semaphore_mem>> -> memref<1x!tpu.dma_semaphore, #tpu.memory_space<semaphore_mem>>
    %dma_start3A_20 = tpu.memref_squeeze %dma_start3A_19 : memref<1x!tpu.dma_semaphore, #tpu.memory_space<semaphore_mem>> -> memref<!tpu.dma_semaphore, #tpu.memory_space<semaphore_mem>>
    tpu.enqueue_indirect_dma source(%dma_start3A_18 : memref<100001x128xf32, #tpu.memory_space<hbm>>) target(%dma_start3A_12 : memref<128x128xf32, #tpu.memory_space<vmem>>) offsets(%dma_start3A_15 : memref<128xi32, #tpu.memory_space<vmem>>) semaphore(%dma_start3A_20 : memref<!tpu.dma_semaphore, #tpu.memory_space<semaphore_mem>>)
    %dma_start3A_21 = arith.constant 1 : i32
    %dma_start3A_22 = arith.constant 1 : i32
    %dma_start3A_23 = arith.constant 1 : i32
    %dma_start3A_24 = arith.constant 0 : i32
    %dma_start3A_25 = arith.constant 0 : i32
    %dma_start3A_26 = tpu.memref_slice %arg9[%dma_start3A_22, %dma_start3A_24, %dma_start3A_25] : memref<2x128x128xf32, #tpu.memory_space<vmem>> -> memref<1x128x128xf32, #tpu.memory_space<vmem>>
    %dma_start3A_27 = tpu.memref_squeeze %dma_start3A_26 : memref<1x128x128xf32, #tpu.memory_space<vmem>> -> memref<128x128xf32, #tpu.memory_space<vmem>>
    %dma_start3A_28 = arith.constant 0 : i32
    %dma_start3A_29 = tpu.memref_slice %arg7[%dma_start3A_21, %dma_start3A_28] : memref<128x128xi32, #tpu.memory_space<vmem>> -> memref<1x128xi32, #tpu.memory_space<vmem>>
    %dma_start3A_30 = tpu.memref_squeeze %dma_start3A_29 : memref<1x128xi32, #tpu.memory_space<vmem>> -> memref<128xi32, #tpu.memory_space<vmem>>
    %dma_start3A_31 = arith.constant 0 : i32
    %dma_start3A_32 = arith.constant 0 : i32
    %dma_start3A_33 = tpu.memref_slice %arg2[%dma_start3A_31, %dma_start3A_32] : memref<100001x128xf32, #tpu.memory_space<hbm>> -> memref<100001x128xf32, #tpu.memory_space<hbm>>
    %dma_start3A_34 = tpu.memref_slice %arg12[%dma_start3A_23] : memref<2x!tpu.dma_semaphore, #tpu.memory_space<semaphore_mem>> -> memref<1x!tpu.dma_semaphore, #tpu.memory_space<semaphore_mem>>
    %dma_start3A_35 = tpu.memref_squeeze %dma_start3A_34 : memref<1x!tpu.dma_semaphore, #tpu.memory_space<semaphore_mem>> -> memref<!tpu.dma_semaphore, #tpu.memory_space<semaphore_mem>>
    tpu.enqueue_indirect_dma source(%dma_start3A_33 : memref<100001x128xf32, #tpu.memory_space<hbm>>) target(%dma_start3A_27 : memref<128x128xf32, #tpu.memory_space<vmem>>) offsets(%dma_start3A_30 : memref<128xi32, #tpu.memory_space<vmem>>) semaphore(%dma_start3A_35 : memref<!tpu.dma_semaphore, #tpu.memory_space<semaphore_mem>>)
    %dma_start3A_36 = arith.constant 0 : i32
    %dma_start3A_37 = arith.constant 0 : i32
    %dma_start3A_38 = tpu.memref_slice %arg8[%dma_start3A_36, %dma_start3A_37] : memref<8x128xi32, #tpu.memory_space<vmem>> -> memref<1x128xi32, #tpu.memory_space<vmem>>
    %dma_start3A_39 = tpu.memref_squeeze %dma_start3A_38 : memref<1x128xi32, #tpu.memory_space<vmem>> -> memref<128xi32, #tpu.memory_space<vmem>>
    %dma_start3A_40 = arith.constant 0 : i32
    %dma_start3A_41 = arith.constant 0 : i32
    %dma_start3A_42 = tpu.memref_slice %arg2[%dma_start3A_40, %dma_start3A_41] : memref<100001x128xf32, #tpu.memory_space<hbm>> -> memref<100001x128xf32, #tpu.memory_space<hbm>>
    tpu.enqueue_indirect_dma source(%dma_start3A_42 : memref<100001x128xf32, #tpu.memory_space<hbm>>) target(%arg11 : memref<128x128xf32, #tpu.memory_space<vmem>>) offsets(%dma_start3A_39 : memref<128xi32, #tpu.memory_space<vmem>>) semaphore(%arg14 : memref<!tpu.dma_semaphore, #tpu.memory_space<semaphore_mem>>)
    %scan3A = arith.constant 0 : i32
    %scan3A_43 = arith.constant 0 : i32
    %scan3A_44 = arith.constant 64 : i32
    %scan3A_45 = arith.addi %scan3A_43, %scan3A_44 : i32
    %scan3A_46 = arith.constant 1 : i32
    scf.for %scan3A_79 = %scan3A_43 to %scan3A_45 step %scan3A_46  : i32 {
      %jit3A = arith.constant 8 : i32
      %eq3A = arith.constant 0 : i32
      %eq3A_80 = arith.cmpi eq, %jit3A, %eq3A : i32
      %jit3A_81 = arith.constant 1 : i32
      %select_n3A = arith.select %eq3A_80, %jit3A_81, %jit3A : i32
      %rem3A = arith.remsi %scan3A_79, %select_n3A : i32
      %ne3A = arith.constant 0 : i32
      %ne3A_82 = arith.cmpi ne, %rem3A, %ne3A : i32
      %lt3A = arith.constant 0 : i32
      %lt3A_83 = arith.cmpi slt, %rem3A, %lt3A : i32
      %lt3A_84 = arith.constant 0 : i32
      %lt3A_85 = arith.cmpi slt, %select_n3A, %lt3A_84 : i32
      %ne3A_86 = arith.xori %lt3A_83, %lt3A_85 : i1
      %and3A = arith.andi %ne3A_86, %ne3A_82 : i1
      %add3A_87 = arith.addi %rem3A, %select_n3A : i32
      %select_n3A_88 = arith.select %and3A, %add3A_87, %rem3A : i32
      %eq3A_89 = arith.constant 4 : i32
      %eq3A_90 = arith.cmpi eq, %select_n3A_88, %eq3A_89 : i32
      %convert_element_type3A = arith.extui %eq3A_90 : i1 to i32
      %cond3A = arith.constant 0 : i32
      %cond3A_91 = arith.cmpi ne, %convert_element_type3A, %cond3A : i32
      scf.if %cond3A_91 {
        %jit3A_195 = arith.constant 8 : i32
        %div3A = arith.divsi %scan3A_79, %jit3A_195 : i32
        %sign3A = arith.constant 0 : i32
        %sign3A_196 = arith.cmpi sgt, %scan3A_79, %sign3A : i32
        %sign3A_197 = arith.extui %sign3A_196 : i1 to i32
        %sign3A_198 = arith.constant 0 : i32
        %sign3A_199 = arith.cmpi slt, %scan3A_79, %sign3A_198 : i32
        %sign3A_200 = arith.extui %sign3A_199 : i1 to i32
        %sign3A_201 = arith.subi %sign3A_197, %sign3A_200 : i32
        %sign3A_202 = arith.constant 0 : i32
        %sign3A_203 = arith.cmpi sgt, %jit3A_195, %sign3A_202 : i32
        %sign3A_204 = arith.extui %sign3A_203 : i1 to i32
        %sign3A_205 = arith.constant 0 : i32
        %sign3A_206 = arith.cmpi slt, %jit3A_195, %sign3A_205 : i32
        %sign3A_207 = arith.extui %sign3A_206 : i1 to i32
        %sign3A_208 = arith.subi %sign3A_204, %sign3A_207 : i32
        %ne3A_209 = arith.cmpi ne, %sign3A_201, %sign3A_208 : i32
        %rem3A_210 = arith.remsi %scan3A_79, %jit3A_195 : i32
        %ne3A_211 = arith.constant 0 : i32
        %ne3A_212 = arith.cmpi ne, %rem3A_210, %ne3A_211 : i32
        %and3A_213 = arith.andi %ne3A_209, %ne3A_212 : i1
        %sub3A = arith.constant 1 : i32
        %sub3A_214 = arith.subi %div3A, %sub3A : i32
        %select_n3A_215 = arith.select %and3A_213, %sub3A_214, %div3A : i32
        %dma_wait3A_216 = arith.constant 0 : i32
        %dma_wait3A_217 = tpu.memref_slice %arg8[%select_n3A_215, %dma_wait3A_216] : memref<8x128xi32, #tpu.memory_space<vmem>> -> memref<1x128xi32, #tpu.memory_space<vmem>>
        %dma_wait3A_218 = tpu.memref_squeeze %dma_wait3A_217 : memref<1x128xi32, #tpu.memory_space<vmem>> -> memref<128xi32, #tpu.memory_space<vmem>>
        %dma_wait3A_219 = arith.constant 0 : i32
        %dma_wait3A_220 = arith.constant 0 : i32
        %dma_wait3A_221 = tpu.memref_slice %arg2[%dma_wait3A_219, %dma_wait3A_220] : memref<100001x128xf32, #tpu.memory_space<hbm>> -> memref<100001x128xf32, #tpu.memory_space<hbm>>
        tpu.wait_indirect_dma semaphore(%arg14 : memref<!tpu.dma_semaphore, #tpu.memory_space<semaphore_mem>>) src(%dma_wait3A_221 : memref<100001x128xf32, #tpu.memory_space<hbm>>) dst(%arg11 : memref<128x128xf32, #tpu.memory_space<vmem>>)
        %mul3A_222 = arith.constant 128 : i32
        %mul3A_223 = arith.muli %select_n3A_215, %mul3A_222 : i32
        %add3A_224 = arith.addi %mul3A_2, %mul3A_223 : i32
        %dma_start3A_225 = arith.constant 0 : i32
        %dma_start3A_226 = tpu.memref_slice %arg5[%add3A_224, %dma_start3A_225] : memref<32768x128xf32, #tpu.memory_space<hbm>> -> memref<128x128xf32, #tpu.memory_space<hbm>>
        %dma_start3A_227 = arith.constant 0 : i32
        %dma_start3A_228 = tpu.memref_slice %arg5[%add3A_224, %dma_start3A_227] : memref<32768x128xf32, #tpu.memory_space<hbm>> -> memref<128x128xf32, #tpu.memory_space<hbm>>
        tpu.enqueue_dma source(%arg11 : memref<128x128xf32, #tpu.memory_space<vmem>>) target(%dma_start3A_228 : memref<128x128xf32, #tpu.memory_space<hbm>>) target_semaphore(%arg15 : memref<!tpu.dma_semaphore, #tpu.memory_space<semaphore_mem>>)
        %dma_wait3A_229 = arith.constant 0 : i32
        %dma_wait3A_230 = tpu.memref_slice %arg5[%add3A_224, %dma_wait3A_229] : memref<32768x128xf32, #tpu.memory_space<hbm>> -> memref<128x128xf32, #tpu.memory_space<hbm>>
        %dma_wait3A_231 = arith.constant 0 : i32
        %dma_wait3A_232 = tpu.memref_slice %arg5[%add3A_224, %dma_wait3A_231] : memref<32768x128xf32, #tpu.memory_space<hbm>> -> memref<128x128xf32, #tpu.memory_space<hbm>>
        tpu.wait_dma2 semaphore(%arg15 : memref<!tpu.dma_semaphore, #tpu.memory_space<semaphore_mem>>) src(%arg11 : memref<128x128xf32, #tpu.memory_space<vmem>>) dst(%dma_wait3A_232 : memref<128x128xf32, #tpu.memory_space<hbm>>)
        %add3A_233 = arith.constant 1 : i32
        %add3A_234 = arith.addi %select_n3A_215, %add3A_233 : i32
        %lt3A_235 = arith.constant 8 : i32
        %lt3A_236 = arith.cmpi slt, %add3A_234, %lt3A_235 : i32
        %convert_element_type3A_237 = arith.extui %lt3A_236 : i1 to i32
        %cond3A_238 = arith.constant 0 : i32
        %cond3A_239 = arith.cmpi ne, %convert_element_type3A_237, %cond3A_238 : i32
        scf.if %cond3A_239 {
          %add3A_240 = arith.constant 1 : i32
          %add3A_241 = arith.addi %select_n3A_215, %add3A_240 : i32
          %dma_start3A_242 = arith.constant 0 : i32
          %dma_start3A_243 = tpu.memref_slice %arg8[%add3A_241, %dma_start3A_242] : memref<8x128xi32, #tpu.memory_space<vmem>> -> memref<1x128xi32, #tpu.memory_space<vmem>>
          %dma_start3A_244 = tpu.memref_squeeze %dma_start3A_243 : memref<1x128xi32, #tpu.memory_space<vmem>> -> memref<128xi32, #tpu.memory_space<vmem>>
          %dma_start3A_245 = arith.constant 0 : i32
          %dma_start3A_246 = arith.constant 0 : i32
          %dma_start3A_247 = tpu.memref_slice %arg2[%dma_start3A_245, %dma_start3A_246] : memref<100001x128xf32, #tpu.memory_space<hbm>> -> memref<100001x128xf32, #tpu.memory_space<hbm>>
          tpu.enqueue_indirect_dma source(%dma_start3A_247 : memref<100001x128xf32, #tpu.memory_space<hbm>>) target(%arg11 : memref<128x128xf32, #tpu.memory_space<vmem>>) offsets(%dma_start3A_244 : memref<128xi32, #tpu.memory_space<vmem>>) semaphore(%arg14 : memref<!tpu.dma_semaphore, #tpu.memory_space<semaphore_mem>>)
        } else {
        }
      } else {
      }
      %mul3A_92 = arith.constant 2 : i32
      %mul3A_93 = arith.muli %mul3A_92, %scan3A_79 : i32
      %dma_wait3A_94 = arith.constant 0 : i32
      %dma_wait3A_95 = arith.constant 0 : i32
      %dma_wait3A_96 = arith.constant 0 : i32
      %dma_wait3A_97 = arith.constant 0 : i32
      %dma_wait3A_98 = tpu.memref_slice %arg9[%dma_wait3A_94, %dma_wait3A_96, %dma_wait3A_97] : memref<2x128x128xf32, #tpu.memory_space<vmem>> -> memref<1x128x128xf32, #tpu.memory_space<vmem>>
      %dma_wait3A_99 = tpu.memref_squeeze %dma_wait3A_98 : memref<1x128x128xf32, #tpu.memory_space<vmem>> -> memref<128x128xf32, #tpu.memory_space<vmem>>
      %dma_wait3A_100 = arith.constant 0 : i32
      %dma_wait3A_101 = tpu.memref_slice %arg7[%mul3A_93, %dma_wait3A_100] : memref<128x128xi32, #tpu.memory_space<vmem>> -> memref<1x128xi32, #tpu.memory_space<vmem>>
      %dma_wait3A_102 = tpu.memref_squeeze %dma_wait3A_101 : memref<1x128xi32, #tpu.memory_space<vmem>> -> memref<128xi32, #tpu.memory_space<vmem>>
      %dma_wait3A_103 = arith.constant 0 : i32
      %dma_wait3A_104 = arith.constant 0 : i32
      %dma_wait3A_105 = tpu.memref_slice %arg2[%dma_wait3A_103, %dma_wait3A_104] : memref<100001x128xf32, #tpu.memory_space<hbm>> -> memref<100001x128xf32, #tpu.memory_space<hbm>>
      %dma_wait3A_106 = tpu.memref_slice %arg12[%dma_wait3A_95] : memref<2x!tpu.dma_semaphore, #tpu.memory_space<semaphore_mem>> -> memref<1x!tpu.dma_semaphore, #tpu.memory_space<semaphore_mem>>
      %dma_wait3A_107 = tpu.memref_squeeze %dma_wait3A_106 : memref<1x!tpu.dma_semaphore, #tpu.memory_space<semaphore_mem>> -> memref<!tpu.dma_semaphore, #tpu.memory_space<semaphore_mem>>
      tpu.wait_indirect_dma semaphore(%dma_wait3A_107 : memref<!tpu.dma_semaphore, #tpu.memory_space<semaphore_mem>>) src(%dma_wait3A_105 : memref<100001x128xf32, #tpu.memory_space<hbm>>) dst(%dma_wait3A_99 : memref<128x128xf32, #tpu.memory_space<vmem>>)
      %gt3A = arith.constant 0 : i32
      %gt3A_108 = arith.cmpi sgt, %scan3A_79, %gt3A : i32
      %convert_element_type3A_109 = arith.extui %gt3A_108 : i1 to i32
      %cond3A_110 = arith.constant 0 : i32
      %cond3A_111 = arith.cmpi ne, %convert_element_type3A_109, %cond3A_110 : i32
      scf.if %cond3A_111 {
        %dma_wait3A_195 = arith.constant 0 : i32
        %dma_wait3A_196 = arith.constant 0 : i32
        %dma_wait3A_197 = arith.constant 0 : i32
        %dma_wait3A_198 = arith.constant 0 : i32
        %dma_wait3A_199 = tpu.memref_slice %arg10[%dma_wait3A_195, %dma_wait3A_197, %dma_wait3A_198] : memref<2x8x128xf32, #tpu.memory_space<vmem>> -> memref<1x8x128xf32, #tpu.memory_space<vmem>>
        %dma_wait3A_200 = tpu.memref_squeeze %dma_wait3A_199 : memref<1x8x128xf32, #tpu.memory_space<vmem>> -> memref<8x128xf32, #tpu.memory_space<vmem>>
        %dma_wait3A_201 = arith.constant 0 : i32
        %dma_wait3A_202 = tpu.memref_slice %arg6[%mul3A_2, %dma_wait3A_201] : memref<32768x128xf32, #tpu.memory_space<hbm>> -> memref<8x128xf32, #tpu.memory_space<hbm>>
        %dma_wait3A_203 = tpu.memref_slice %arg13[%dma_wait3A_196] : memref<2x!tpu.dma_semaphore, #tpu.memory_space<semaphore_mem>> -> memref<1x!tpu.dma_semaphore, #tpu.memory_space<semaphore_mem>>
        %dma_wait3A_204 = tpu.memref_squeeze %dma_wait3A_203 : memref<1x!tpu.dma_semaphore, #tpu.memory_space<semaphore_mem>> -> memref<!tpu.dma_semaphore, #tpu.memory_space<semaphore_mem>>
        %dma_wait3A_205 = arith.constant 0 : i32
        %dma_wait3A_206 = tpu.memref_slice %arg6[%mul3A_2, %dma_wait3A_205] : memref<32768x128xf32, #tpu.memory_space<hbm>> -> memref<8x128xf32, #tpu.memory_space<hbm>>
        %dma_wait3A_207 = arith.constant 0 : i32
        %dma_wait3A_208 = arith.constant 0 : i32
        %dma_wait3A_209 = tpu.memref_slice %arg10[%dma_wait3A_195, %dma_wait3A_207, %dma_wait3A_208] : memref<2x8x128xf32, #tpu.memory_space<vmem>> -> memref<1x8x128xf32, #tpu.memory_space<vmem>>
        %dma_wait3A_210 = tpu.memref_squeeze %dma_wait3A_209 : memref<1x8x128xf32, #tpu.memory_space<vmem>> -> memref<8x128xf32, #tpu.memory_space<vmem>>
        tpu.wait_dma2 semaphore(%dma_wait3A_204 : memref<!tpu.dma_semaphore, #tpu.memory_space<semaphore_mem>>) src(%dma_wait3A_210 : memref<8x128xf32, #tpu.memory_space<vmem>>) dst(%dma_wait3A_206 : memref<8x128xf32, #tpu.memory_space<hbm>>)
      } else {
      }
      %scan3A_112 = arith.constant 0 : i32
      %scan3A_113 = arith.constant 0 : i32
      %scan3A_114 = arith.constant 8 : i32
      %scan3A_115 = arith.addi %scan3A_113, %scan3A_114 : i32
      %scan3A_116 = arith.constant 1 : i32
      scf.for %scan3A_195 = %scan3A_113 to %scan3A_115 step %scan3A_116  : i32 {
        %mul3A_196 = arith.constant 16 : i32
        %mul3A_197 = arith.muli %scan3A_195, %mul3A_196 : i32
        %get3A = arith.constant 0 : i32
        %get3A_198 = arith.index_cast %get3A : i32 to index
        %get3A_199 = arith.index_cast %mul3A_197 : i32 to index
        %get3A_200 = arith.constant 0 : index
        %get3A_201 = tpu.vector_load %arg9[%get3A_198, %get3A_199, %get3A_200] {strides = array<i32>} : memref<2x128x128xf32, #tpu.memory_space<vmem>>, vector<1x1x16xf32>,
        %get3A_202 = vector.shape_cast %get3A_201 : vector<1x1x16xf32> to vector<16xf32>
        %mul3A_203 = arith.constant 16 : i32
        %mul3A_204 = arith.muli %scan3A_195, %mul3A_203 : i32
        %add3A_205 = arith.constant 1 : i32
        %add3A_206 = arith.addi %mul3A_204, %add3A_205 : i32
        %get3A_207 = arith.constant 0 : i32
        %get3A_208 = arith.index_cast %get3A_207 : i32 to index
        %get3A_209 = arith.index_cast %add3A_206 : i32 to index
        %get3A_210 = arith.constant 0 : index
        %get3A_211 = tpu.vector_load %arg9[%get3A_208, %get3A_209, %get3A_210] {strides = array<i32>} : memref<2x128x128xf32, #tpu.memory_space<vmem>>, vector<1x1x16xf32>,
        %get3A_212 = vector.shape_cast %get3A_211 : vector<1x1x16xf32> to vector<16xf32>
        %add3A_213 = arith.addf %get3A_202, %get3A_212 : vector<16xf32>
        %mul3A_214 = arith.constant 16 : i32
        %mul3A_215 = arith.muli %scan3A_195, %mul3A_214 : i32
        %add3A_216 = arith.constant 2 : i32
        %add3A_217 = arith.addi %mul3A_215, %add3A_216 : i32
        %get3A_218 = arith.constant 0 : i32
        %get3A_219 = arith.index_cast %get3A_218 : i32 to index
        %get3A_220 = arith.index_cast %add3A_217 : i32 to index
        %get3A_221 = arith.constant 0 : index
        %get3A_222 = tpu.vector_load %arg9[%get3A_219, %get3A_220, %get3A_221] {strides = array<i32>} : memref<2x128x128xf32, #tpu.memory_space<vmem>>, vector<1x1x16xf32>,
        %get3A_223 = vector.shape_cast %get3A_222 : vector<1x1x16xf32> to vector<16xf32>
        %add3A_224 = arith.addf %add3A_213, %get3A_223 : vector<16xf32>
        %mul3A_225 = arith.constant 16 : i32
        %mul3A_226 = arith.muli %scan3A_195, %mul3A_225 : i32
        %add3A_227 = arith.constant 3 : i32
        %add3A_228 = arith.addi %mul3A_226, %add3A_227 : i32
        %get3A_229 = arith.constant 0 : i32
        %get3A_230 = arith.index_cast %get3A_229 : i32 to index
        %get3A_231 = arith.index_cast %add3A_228 : i32 to index
        %get3A_232 = arith.constant 0 : index
        %get3A_233 = tpu.vector_load %arg9[%get3A_230, %get3A_231, %get3A_232] {strides = array<i32>} : memref<2x128x128xf32, #tpu.memory_space<vmem>>, vector<1x1x16xf32>,
        %get3A_234 = vector.shape_cast %get3A_233 : vector<1x1x16xf32> to vector<16xf32>
        %add3A_235 = arith.addf %add3A_224, %get3A_234 : vector<16xf32>
        %mul3A_236 = arith.constant 16 : i32
        %mul3A_237 = arith.muli %scan3A_195, %mul3A_236 : i32
        %add3A_238 = arith.constant 4 : i32
        %add3A_239 = arith.addi %mul3A_237, %add3A_238 : i32
        %get3A_240 = arith.constant 0 : i32
        %get3A_241 = arith.index_cast %get3A_240 : i32 to index
        %get3A_242 = arith.index_cast %add3A_239 : i32 to index
        %get3A_243 = arith.constant 0 : index
        %get3A_244 = tpu.vector_load %arg9[%get3A_241, %get3A_242, %get3A_243] {strides = array<i32>} : memref<2x128x128xf32, #tpu.memory_space<vmem>>, vector<1x1x16xf32>,
        %get3A_245 = vector.shape_cast %get3A_244 : vector<1x1x16xf32> to vector<16xf32>
        %add3A_246 = arith.addf %add3A_235, %get3A_245 : vector<16xf32>
        %mul3A_247 = arith.constant 16 : i32
        %mul3A_248 = arith.muli %scan3A_195, %mul3A_247 : i32
        %add3A_249 = arith.constant 5 : i32
        %add3A_250 = arith.addi %mul3A_248, %add3A_249 : i32
        %get3A_251 = arith.constant 0 : i32
        %get3A_252 = arith.index_cast %get3A_251 : i32 to index
        %get3A_253 = arith.index_cast %add3A_250 : i32 to index
        %get3A_254 = arith.constant 0 : index
        %get3A_255 = tpu.vector_load %arg9[%get3A_252, %get3A_253, %get3A_254] {strides = array<i32>} : memref<2x128x128xf32, #tpu.memory_space<vmem>>, vector<1x1x16xf32>,
        %get3A_256 = vector.shape_cast %get3A_255 : vector<1x1x16xf32> to vector<16xf32>
        %add3A_257 = arith.addf %add3A_246, %get3A_256 : vector<16xf32>
        %mul3A_258 = arith.constant 16 : i32
        %mul3A_259 = arith.muli %scan3A_195, %mul3A_258 : i32
        %add3A_260 = arith.constant 6 : i32
        %add3A_261 = arith.addi %mul3A_259, %add3A_260 : i32
        %get3A_262 = arith.constant 0 : i32
        %get3A_263 = arith.index_cast %get3A_262 : i32 to index
        %get3A_264 = arith.index_cast %add3A_261 : i32 to index
        %get3A_265 = arith.constant 0 : index
        %get3A_266 = tpu.vector_load %arg9[%get3A_263, %get3A_264, %get3A_265] {strides = array<i32>} : memref<2x128x128xf32, #tpu.memory_space<vmem>>, vector<1x1x16xf32>,
        %get3A_267 = vector.shape_cast %get3A_266 : vector<1x1x16xf32> to vector<16xf32>
        %add3A_268 = arith.addf %add3A_257, %get3A_267 : vector<16xf32>
        %mul3A_269 = arith.constant 16 : i32
        %mul3A_270 = arith.muli %scan3A_195, %mul3A_269 : i32
        %add3A_271 = arith.constant 7 : i32
        %add3A_272 = arith.addi %mul3A_270, %add3A_271 : i32
        %get3A_273 = arith.constant 0 : i32
        %get3A_274 = arith.index_cast %get3A_273 : i32 to index
        %get3A_275 = arith.index_cast %add3A_272 : i32 to index
        %get3A_276 = arith.constant 0 : index
        %get3A_277 = tpu.vector_load %arg9[%get3A_274, %get3A_275, %get3A_276] {strides = array<i32>} : memref<2x128x128xf32, #tpu.memory_space<vmem>>, vector<1x1x16xf32>,
        %get3A_278 = vector.shape_cast %get3A_277 : vector<1x1x16xf32> to vector<16xf32>
        %add3A_279 = arith.addf %add3A_268, %get3A_278 : vector<16xf32>
        %mul3A_280 = arith.constant 16 : i32
        %mul3A_281 = arith.muli %scan3A_195, %mul3A_280 : i32
        %add3A_282 = arith.constant 8 : i32
        %add3A_283 = arith.addi %mul3A_281, %add3A_282 : i32
        %get3A_284 = arith.constant 0 : i32
        %get3A_285 = arith.index_cast %get3A_284 : i32 to index
        %get3A_286 = arith.index_cast %add3A_283 : i32 to index
        %get3A_287 = arith.constant 0 : index
        %get3A_288 = tpu.vector_load %arg9[%get3A_285, %get3A_286, %get3A_287] {strides = array<i32>} : memref<2x128x128xf32, #tpu.memory_space<vmem>>, vector<1x1x16xf32>,
        %get3A_289 = vector.shape_cast %get3A_288 : vector<1x1x16xf32> to vector<16xf32>
        %add3A_290 = arith.addf %add3A_279, %get3A_289 : vector<16xf32>
        %mul3A_291 = arith.constant 16 : i32
        %mul3A_292 = arith.muli %scan3A_195, %mul3A_291 : i32
        %add3A_293 = arith.constant 9 : i32
        %add3A_294 = arith.addi %mul3A_292, %add3A_293 : i32
        %get3A_295 = arith.constant 0 : i32
        %get3A_296 = arith.index_cast %get3A_295 : i32 to index
        %get3A_297 = arith.index_cast %add3A_294 : i32 to index
        %get3A_298 = arith.constant 0 : index
        %get3A_299 = tpu.vector_load %arg9[%get3A_296, %get3A_297, %get3A_298] {strides = array<i32>} : memref<2x128x128xf32, #tpu.memory_space<vmem>>, vector<1x1x16xf32>,
        %get3A_300 = vector.shape_cast %get3A_299 : vector<1x1x16xf32> to vector<16xf32>
        %add3A_301 = arith.addf %add3A_290, %get3A_300 : vector<16xf32>
        %mul3A_302 = arith.constant 16 : i32
        %mul3A_303 = arith.muli %scan3A_195, %mul3A_302 : i32
        %add3A_304 = arith.constant 10 : i32
        %add3A_305 = arith.addi %mul3A_303, %add3A_304 : i32
        %get3A_306 = arith.constant 0 : i32
        %get3A_307 = arith.index_cast %get3A_306 : i32 to index
        %get3A_308 = arith.index_cast %add3A_305 : i32 to index
        %get3A_309 = arith.constant 0 : index
        %get3A_310 = tpu.vector_load %arg9[%get3A_307, %get3A_308, %get3A_309] {strides = array<i32>} : memref<2x128x128xf32, #tpu.memory_space<vmem>>, vector<1x1x16xf32>,
        %get3A_311 = vector.shape_cast %get3A_310 : vector<1x1x16xf32> to vector<16xf32>
        %add3A_312 = arith.addf %add3A_301, %get3A_311 : vector<16xf32>
        %mul3A_313 = arith.constant 16 : i32
        %mul3A_314 = arith.muli %scan3A_195, %mul3A_313 : i32
        %add3A_315 = arith.constant 11 : i32
        %add3A_316 = arith.addi %mul3A_314, %add3A_315 : i32
        %get3A_317 = arith.constant 0 : i32
        %get3A_318 = arith.index_cast %get3A_317 : i32 to index
        %get3A_319 = arith.index_cast %add3A_316 : i32 to index
        %get3A_320 = arith.constant 0 : index
        %get3A_321 = tpu.vector_load %arg9[%get3A_318, %get3A_319, %get3A_320] {strides = array<i32>} : memref<2x128x128xf32, #tpu.memory_space<vmem>>, vector<1x1x16xf32>,
        %get3A_322 = vector.shape_cast %get3A_321 : vector<1x1x16xf32> to vector<16xf32>
        %add3A_323 = arith.addf %add3A_312, %get3A_322 : vector<16xf32>
        %mul3A_324 = arith.constant 16 : i32
        %mul3A_325 = arith.muli %scan3A_195, %mul3A_324 : i32
        %add3A_326 = arith.constant 12 : i32
        %add3A_327 = arith.addi %mul3A_325, %add3A_326 : i32
        %get3A_328 = arith.constant 0 : i32
        %get3A_329 = arith.index_cast %get3A_328 : i32 to index
        %get3A_330 = arith.index_cast %add3A_327 : i32 to index
        %get3A_331 = arith.constant 0 : index
        %get3A_332 = tpu.vector_load %arg9[%get3A_329, %get3A_330, %get3A_331] {strides = array<i32>} : memref<2x128x128xf32, #tpu.memory_space<vmem>>, vector<1x1x16xf32>,
        %get3A_333 = vector.shape_cast %get3A_332 : vector<1x1x16xf32> to vector<16xf32>
        %add3A_334 = arith.addf %add3A_323, %get3A_333 : vector<16xf32>
        %mul3A_335 = arith.constant 16 : i32
        %mul3A_336 = arith.muli %scan3A_195, %mul3A_335 : i32
        %add3A_337 = arith.constant 13 : i32
        %add3A_338 = arith.addi %mul3A_336, %add3A_337 : i32
        %get3A_339 = arith.constant 0 : i32
        %get3A_340 = arith.index_cast %get3A_339 : i32 to index
        %get3A_341 = arith.index_cast %add3A_338 : i32 to index
        %get3A_342 = arith.constant 0 : index
        %get3A_343 = tpu.vector_load %arg9[%get3A_340, %get3A_341, %get3A_342] {strides = array<i32>} : memref<2x128x128xf32, #tpu.memory_space<vmem>>, vector<1x1x16xf32>,
        %get3A_344 = vector.shape_cast %get3A_343 : vector<1x1x16xf32> to vector<16xf32>
        %add3A_345 = arith.addf %add3A_334, %get3A_344 : vector<16xf32>
        %mul3A_346 = arith.constant 16 : i32
        %mul3A_347 = arith.muli %scan3A_195, %mul3A_346 : i32
        %add3A_348 = arith.constant 14 : i32
        %add3A_349 = arith.addi %mul3A_347, %add3A_348 : i32
        %get3A_350 = arith.constant 0 : i32
        %get3A_351 = arith.index_cast %get3A_350 : i32 to index
        %get3A_352 = arith.index_cast %add3A_349 : i32 to index
        %get3A_353 = arith.constant 0 : index
        %get3A_354 = tpu.vector_load %arg9[%get3A_351, %get3A_352, %get3A_353] {strides = array<i32>} : memref<2x128x128xf32, #tpu.memory_space<vmem>>, vector<1x1x16xf32>,
        %get3A_355 = vector.shape_cast %get3A_354 : vector<1x1x16xf32> to vector<16xf32>
        %add3A_356 = arith.addf %add3A_345, %get3A_355 : vector<16xf32>
        %mul3A_357 = arith.constant 16 : i32
        %mul3A_358 = arith.muli %scan3A_195, %mul3A_357 : i32
        %add3A_359 = arith.constant 15 : i32
        %add3A_360 = arith.addi %mul3A_358, %add3A_359 : i32
        %get3A_361 = arith.constant 0 : i32
        %get3A_362 = arith.index_cast %get3A_361 : i32 to index
        %get3A_363 = arith.index_cast %add3A_360 : i32 to index
        %get3A_364 = arith.constant 0 : index
        %get3A_365 = tpu.vector_load %arg9[%get3A_362, %get3A_363, %get3A_364] {strides = array<i32>} : memref<2x128x128xf32, #tpu.memory_space<vmem>>, vector<1x1x16xf32>,
        %get3A_366 = vector.shape_cast %get3A_365 : vector<1x1x16xf32> to vector<16xf32>
        %add3A_367 = arith.addf %add3A_356, %get3A_366 : vector<16xf32>
        %swap3A = arith.constant 0 : i32
        %swap3A_368 = arith.index_cast %swap3A : i32 to index
        %swap3A_369 = arith.index_cast %scan3A_195 : i32 to index
        %swap3A_370 = arith.constant 0 : index
        %swap3A_371 = tpu.vector_load %arg10[%swap3A_368, %swap3A_369, %swap3A_370] {strides = array<i32>} : memref<2x8x128xf32, #tpu.memory_space<vmem>>, vector<1x1x16xf32>,
        %swap3A_372 = vector.shape_cast %swap3A_371 : vector<1x1x16xf32> to vector<16xf32>
        %swap3A_373 = vector.shape_cast %add3A_367 : vector<16xf32> to vector<1x1x16xf32>
        tpu.vector_store %arg10[%swap3A_368, %swap3A_369, %swap3A_370], %swap3A_373 {strides = array<i32>} : memref<2x8x128xf32, #tpu.memory_space<vmem>>, vector<1x1x16xf32>,
        %mul3A_374 = arith.constant 16 : i32
        %mul3A_375 = arith.muli %scan3A_195, %mul3A_374 : i32
        %get3A_376 = arith.constant 0 : i32
        %get3A_377 = arith.index_cast %get3A_376 : i32 to index
        %get3A_378 = arith.index_cast %mul3A_375 : i32 to index
        %get3A_379 = arith.constant 16 : index
        %get3A_380 = tpu.vector_load %arg9[%get3A_377, %get3A_378, %get3A_379] {strides = array<i32>} : memref<2x128x128xf32, #tpu.memory_space<vmem>>, vector<1x1x16xf32>,
        %get3A_381 = vector.shape_cast %get3A_380 : vector<1x1x16xf32> to vector<16xf32>
        %mul3A_382 = arith.constant 16 : i32
        %mul3A_383 = arith.muli %scan3A_195, %mul3A_382 : i32
        %add3A_384 = arith.constant 1 : i32
        %add3A_385 = arith.addi %mul3A_383, %add3A_384 : i32
        %get3A_386 = arith.constant 0 : i32
        %get3A_387 = arith.index_cast %get3A_386 : i32 to index
        %get3A_388 = arith.index_cast %add3A_385 : i32 to index
        %get3A_389 = arith.constant 16 : index
        %get3A_390 = tpu.vector_load %arg9[%get3A_387, %get3A_388, %get3A_389] {strides = array<i32>} : memref<2x128x128xf32, #tpu.memory_space<vmem>>, vector<1x1x16xf32>,
        %get3A_391 = vector.shape_cast %get3A_390 : vector<1x1x16xf32> to vector<16xf32>
        %add3A_392 = arith.addf %get3A_381, %get3A_391 : vector<16xf32>
        %mul3A_393 = arith.constant 16 : i32
        %mul3A_394 = arith.muli %scan3A_195, %mul3A_393 : i32
        %add3A_395 = arith.constant 2 : i32
        %add3A_396 = arith.addi %mul3A_394, %add3A_395 : i32
        %get3A_397 = arith.constant 0 : i32
        %get3A_398 = arith.index_cast %get3A_397 : i32 to index
        %get3A_399 = arith.index_cast %add3A_396 : i32 to index
        %get3A_400 = arith.constant 16 : index
        %get3A_401 = tpu.vector_load %arg9[%get3A_398, %get3A_399, %get3A_400] {strides = array<i32>} : memref<2x128x128xf32, #tpu.memory_space<vmem>>, vector<1x1x16xf32>,
        %get3A_402 = vector.shape_cast %get3A_401 : vector<1x1x16xf32> to vector<16xf32>
        %add3A_403 = arith.addf %add3A_392, %get3A_402 : vector<16xf32>
        %mul3A_404 = arith.constant 16 : i32
        %mul3A_405 = arith.muli %scan3A_195, %mul3A_404 : i32
        %add3A_406 = arith.constant 3 : i32
        %add3A_407 = arith.addi %mul3A_405, %add3A_406 : i32
        %get3A_408 = arith.constant 0 : i32
        %get3A_409 = arith.index_cast %get3A_408 : i32 to index
        %get3A_410 = arith.index_cast %add3A_407 : i32 to index
        %get3A_411 = arith.constant 16 : index
        %get3A_412 = tpu.vector_load %arg9[%get3A_409, %get3A_410, %get3A_411] {strides = array<i32>} : memref<2x128x128xf32, #tpu.memory_space<vmem>>, vector<1x1x16xf32>,
        %get3A_413 = vector.shape_cast %get3A_412 : vector<1x1x16xf32> to vector<16xf32>
        %add3A_414 = arith.addf %add3A_403, %get3A_413 : vector<16xf32>
        %mul3A_415 = arith.constant 16 : i32
        %mul3A_416 = arith.muli %scan3A_195, %mul3A_415 : i32
        %add3A_417 = arith.constant 4 : i32
        %add3A_418 = arith.addi %mul3A_416, %add3A_417 : i32
        %get3A_419 = arith.constant 0 : i32
        %get3A_420 = arith.index_cast %get3A_419 : i32 to index
        %get3A_421 = arith.index_cast %add3A_418 : i32 to index
        %get3A_422 = arith.constant 16 : index
        %get3A_423 = tpu.vector_load %arg9[%get3A_420, %get3A_421, %get3A_422] {strides = array<i32>} : memref<2x128x128xf32, #tpu.memory_space<vmem>>, vector<1x1x16xf32>,
        %get3A_424 = vector.shape_cast %get3A_423 : vector<1x1x16xf32> to vector<16xf32>
        %add3A_425 = arith.addf %add3A_414, %get3A_424 : vector<16xf32>
        %mul3A_426 = arith.constant 16 : i32
        %mul3A_427 = arith.muli %scan3A_195, %mul3A_426 : i32
        %add3A_428 = arith.constant 5 : i32
        %add3A_429 = arith.addi %mul3A_427, %add3A_428 : i32
        %get3A_430 = arith.constant 0 : i32
        %get3A_431 = arith.index_cast %get3A_430 : i32 to index
        %get3A_432 = arith.index_cast %add3A_429 : i32 to index
        %get3A_433 = arith.constant 16 : index
        %get3A_434 = tpu.vector_load %arg9[%get3A_431, %get3A_432, %get3A_433] {strides = array<i32>} : memref<2x128x128xf32, #tpu.memory_space<vmem>>, vector<1x1x16xf32>,
        %get3A_435 = vector.shape_cast %get3A_434 : vector<1x1x16xf32> to vector<16xf32>
        %add3A_436 = arith.addf %add3A_425, %get3A_435 : vector<16xf32>
        %mul3A_437 = arith.constant 16 : i32
        %mul3A_438 = arith.muli %scan3A_195, %mul3A_437 : i32
        %add3A_439 = arith.constant 6 : i32
        %add3A_440 = arith.addi %mul3A_438, %add3A_439 : i32
        %get3A_441 = arith.constant 0 : i32
        %get3A_442 = arith.index_cast %get3A_441 : i32 to index
        %get3A_443 = arith.index_cast %add3A_440 : i32 to index
        %get3A_444 = arith.constant 16 : index
        %get3A_445 = tpu.vector_load %arg9[%get3A_442, %get3A_443, %get3A_444] {strides = array<i32>} : memref<2x128x128xf32, #tpu.memory_space<vmem>>, vector<1x1x16xf32>,
        %get3A_446 = vector.shape_cast %get3A_445 : vector<1x1x16xf32> to vector<16xf32>
        %add3A_447 = arith.addf %add3A_436, %get3A_446 : vector<16xf32>
        %mul3A_448 = arith.constant 16 : i32
        %mul3A_449 = arith.muli %scan3A_195, %mul3A_448 : i32
        %add3A_450 = arith.constant 7 : i32
        %add3A_451 = arith.addi %mul3A_449, %add3A_450 : i32
        %get3A_452 = arith.constant 0 : i32
        %get3A_453 = arith.index_cast %get3A_452 : i32 to index
        %get3A_454 = arith.index_cast %add3A_451 : i32 to index
        %get3A_455 = arith.constant 16 : index
        %get3A_456 = tpu.vector_load %arg9[%get3A_453, %get3A_454, %get3A_455] {strides = array<i32>} : memref<2x128x128xf32, #tpu.memory_space<vmem>>, vector<1x1x16xf32>,
        %get3A_457 = vector.shape_cast %get3A_456 : vector<1x1x16xf32> to vector<16xf32>
        %add3A_458 = arith.addf %add3A_447, %get3A_457 : vector<16xf32>
        %mul3A_459 = arith.constant 16 : i32
        %mul3A_460 = arith.muli %scan3A_195, %mul3A_459 : i32
        %add3A_461 = arith.constant 8 : i32
        %add3A_462 = arith.addi %mul3A_460, %add3A_461 : i32
        %get3A_463 = arith.constant 0 : i32
        %get3A_464 = arith.index_cast %get3A_463 : i32 to index
        %get3A_465 = arith.index_cast %add3A_462 : i32 to index
        %get3A_466 = arith.constant 16 : index
        %get3A_467 = tpu.vector_load %arg9[%get3A_464, %get3A_465, %get3A_466] {strides = array<i32>} : memref<2x128x128xf32, #tpu.memory_space<vmem>>, vector<1x1x16xf32>,
        %get3A_468 = vector.shape_cast %get3A_467 : vector<1x1x16xf32> to vector<16xf32>
        %add3A_469 = arith.addf %add3A_458, %get3A_468 : vector<16xf32>
        %mul3A_470 = arith.constant 16 : i32
        %mul3A_471 = arith.muli %scan3A_195, %mul3A_470 : i32
        %add3A_472 = arith.constant 9 : i32
        %add3A_473 = arith.addi %mul3A_471, %add3A_472 : i32
        %get3A_474 = arith.constant 0 : i32
        %get3A_475 = arith.index_cast %get3A_474 : i32 to index
        %get3A_476 = arith.index_cast %add3A_473 : i32 to index
        %get3A_477 = arith.constant 16 : index
        %get3A_478 = tpu.vector_load %arg9[%get3A_475, %get3A_476, %get3A_477] {strides = array<i32>} : memref<2x128x128xf32, #tpu.memory_space<vmem>>, vector<1x1x16xf32>,
        %get3A_479 = vector.shape_cast %get3A_478 : vector<1x1x16xf32> to vector<16xf32>
        %add3A_480 = arith.addf %add3A_469, %get3A_479 : vector<16xf32>
        %mul3A_481 = arith.constant 16 : i32
        %mul3A_482 = arith.muli %scan3A_195, %mul3A_481 : i32
        %add3A_483 = arith.constant 10 : i32
        %add3A_484 = arith.addi %mul3A_482, %add3A_483 : i32
        %get3A_485 = arith.constant 0 : i32
        %get3A_486 = arith.index_cast %get3A_485 : i32 to index
        %get3A_487 = arith.index_cast %add3A_484 : i32 to index
        %get3A_488 = arith.constant 16 : index
        %get3A_489 = tpu.vector_load %arg9[%get3A_486, %get3A_487, %get3A_488] {strides = array<i32>} : memref<2x128x128xf32, #tpu.memory_space<vmem>>, vector<1x1x16xf32>,
        %get3A_490 = vector.shape_cast %get3A_489 : vector<1x1x16xf32> to vector<16xf32>
        %add3A_491 = arith.addf %add3A_480, %get3A_490 : vector<16xf32>
        %mul3A_492 = arith.constant 16 : i32
        %mul3A_493 = arith.muli %scan3A_195, %mul3A_492 : i32
        %add3A_494 = arith.constant 11 : i32
        %add3A_495 = arith.addi %mul3A_493, %add3A_494 : i32
        %get3A_496 = arith.constant 0 : i32
        %get3A_497 = arith.index_cast %get3A_496 : i32 to index
        %get3A_498 = arith.index_cast %add3A_495 : i32 to index
        %get3A_499 = arith.constant 16 : index
        %get3A_500 = tpu.vector_load %arg9[%get3A_497, %get3A_498, %get3A_499] {strides = array<i32>} : memref<2x128x128xf32, #tpu.memory_space<vmem>>, vector<1x1x16xf32>,
        %get3A_501 = vector.shape_cast %get3A_500 : vector<1x1x16xf32> to vector<16xf32>
        %add3A_502 = arith.addf %add3A_491, %get3A_501 : vector<16xf32>
        %mul3A_503 = arith.constant 16 : i32
        %mul3A_504 = arith.muli %scan3A_195, %mul3A_503 : i32
        %add3A_505 = arith.constant 12 : i32
        %add3A_506 = arith.addi %mul3A_504, %add3A_505 : i32
        %get3A_507 = arith.constant 0 : i32
        %get3A_508 = arith.index_cast %get3A_507 : i32 to index
        %get3A_509 = arith.index_cast %add3A_506 : i32 to index
        %get3A_510 = arith.constant 16 : index
        %get3A_511 = tpu.vector_load %arg9[%get3A_508, %get3A_509, %get3A_510] {strides = array<i32>} : memref<2x128x128xf32, #tpu.memory_space<vmem>>, vector<1x1x16xf32>,
        %get3A_512 = vector.shape_cast %get3A_511 : vector<1x1x16xf32> to vector<16xf32>
        %add3A_513 = arith.addf %add3A_502, %get3A_512 : vector<16xf32>
        %mul3A_514 = arith.constant 16 : i32
        %mul3A_515 = arith.muli %scan3A_195, %mul3A_514 : i32
        %add3A_516 = arith.constant 13 : i32
        %add3A_517 = arith.addi %mul3A_515, %add3A_516 : i32
        %get3A_518 = arith.constant 0 : i32
        %get3A_519 = arith.index_cast %get3A_518 : i32 to index
        %get3A_520 = arith.index_cast %add3A_517 : i32 to index
        %get3A_521 = arith.constant 16 : index
        %get3A_522 = tpu.vector_load %arg9[%get3A_519, %get3A_520, %get3A_521] {strides = array<i32>} : memref<2x128x128xf32, #tpu.memory_space<vmem>>, vector<1x1x16xf32>,
        %get3A_523 = vector.shape_cast %get3A_522 : vector<1x1x16xf32> to vector<16xf32>
        %add3A_524 = arith.addf %add3A_513, %get3A_523 : vector<16xf32>
        %mul3A_525 = arith.constant 16 : i32
        %mul3A_526 = arith.muli %scan3A_195, %mul3A_525 : i32
        %add3A_527 = arith.constant 14 : i32
        %add3A_528 = arith.addi %mul3A_526, %add3A_527 : i32
        %get3A_529 = arith.constant 0 : i32
        %get3A_530 = arith.index_cast %get3A_529 : i32 to index
        %get3A_531 = arith.index_cast %add3A_528 : i32 to index
        %get3A_532 = arith.constant 16 : index
        %get3A_533 = tpu.vector_load %arg9[%get3A_530, %get3A_531, %get3A_532] {strides = array<i32>} : memref<2x128x128xf32, #tpu.memory_space<vmem>>, vector<1x1x16xf32>,
        %get3A_534 = vector.shape_cast %get3A_533 : vector<1x1x16xf32> to vector<16xf32>
        %add3A_535 = arith.addf %add3A_524, %get3A_534 : vector<16xf32>
        %mul3A_536 = arith.constant 16 : i32
        %mul3A_537 = arith.muli %scan3A_195, %mul3A_536 : i32
        %add3A_538 = arith.constant 15 : i32
        %add3A_539 = arith.addi %mul3A_537, %add3A_538 : i32
        %get3A_540 = arith.constant 0 : i32
        %get3A_541 = arith.index_cast %get3A_540 : i32 to index
        %get3A_542 = arith.index_cast %add3A_539 : i32 to index
        %get3A_543 = arith.constant 16 : index
        %get3A_544 = tpu.vector_load %arg9[%get3A_541, %get3A_542, %get3A_543] {strides = array<i32>} : memref<2x128x128xf32, #tpu.memory_space<vmem>>, vector<1x1x16xf32>,
        %get3A_545 = vector.shape_cast %get3A_544 : vector<1x1x16xf32> to vector<16xf32>
        %add3A_546 = arith.addf %add3A_535, %get3A_545 : vector<16xf32>
        %swap3A_547 = arith.constant 0 : i32
        %swap3A_548 = arith.index_cast %swap3A_547 : i32 to index
        %swap3A_549 = arith.index_cast %scan3A_195 : i32 to index
        %swap3A_550 = arith.constant 16 : index
        %swap3A_551 = tpu.vector_load %arg10[%swap3A_548, %swap3A_549, %swap3A_550] {strides = array<i32>} : memref<2x8x128xf32, #tpu.memory_space<vmem>>, vector<1x1x16xf32>,
        %swap3A_552 = vector.shape_cast %swap3A_551 : vector<1x1x16xf32> to vector<16xf32>
        %swap3A_553 = vector.shape_cast %add3A_546 : vector<16xf32> to vector<1x1x16xf32>
        tpu.vector_store %arg10[%swap3A_548, %swap3A_549, %swap3A_550], %swap3A_553 {strides = array<i32>} : memref<2x8x128xf32, #tpu.memory_space<vmem>>, vector<1x1x16xf32>,
        %mul3A_554 = arith.constant 16 : i32
        %mul3A_555 = arith.muli %scan3A_195, %mul3A_554 : i32
        %get3A_556 = arith.constant 0 : i32
        %get3A_557 = arith.index_cast %get3A_556 : i32 to index
        %get3A_558 = arith.index_cast %mul3A_555 : i32 to index
        %get3A_559 = arith.constant 32 : index
        %get3A_560 = tpu.vector_load %arg9[%get3A_557, %get3A_558, %get3A_559] {strides = array<i32>} : memref<2x128x128xf32, #tpu.memory_space<vmem>>, vector<1x1x16xf32>,
        %get3A_561 = vector.shape_cast %get3A_560 : vector<1x1x16xf32> to vector<16xf32>
        %mul3A_562 = arith.constant 16 : i32
        %mul3A_563 = arith.muli %scan3A_195, %mul3A_562 : i32
        %add3A_564 = arith.constant 1 : i32
        %add3A_565 = arith.addi %mul3A_563, %add3A_564 : i32
        %get3A_566 = arith.constant 0 : i32
        %get3A_567 = arith.index_cast %get3A_566 : i32 to index
        %get3A_568 = arith.index_cast %add3A_565 : i32 to index
        %get3A_569 = arith.constant 32 : index
        %get3A_570 = tpu.vector_load %arg9[%get3A_567, %get3A_568, %get3A_569] {strides = array<i32>} : memref<2x128x128xf32, #tpu.memory_space<vmem>>, vector<1x1x16xf32>,
        %get3A_571 = vector.shape_cast %get3A_570 : vector<1x1x16xf32> to vector<16xf32>
        %add3A_572 = arith.addf %get3A_561, %get3A_571 : vector<16xf32>
        %mul3A_573 = arith.constant 16 : i32
        %mul3A_574 = arith.muli %scan3A_195, %mul3A_573 : i32
        %add3A_575 = arith.constant 2 : i32
        %add3A_576 = arith.addi %mul3A_574, %add3A_575 : i32
        %get3A_577 = arith.constant 0 : i32
        %get3A_578 = arith.index_cast %get3A_577 : i32 to index
        %get3A_579 = arith.index_cast %add3A_576 : i32 to index
        %get3A_580 = arith.constant 32 : index
        %get3A_581 = tpu.vector_load %arg9[%get3A_578, %get3A_579, %get3A_580] {strides = array<i32>} : memref<2x128x128xf32, #tpu.memory_space<vmem>>, vector<1x1x16xf32>,
        %get3A_582 = vector.shape_cast %get3A_581 : vector<1x1x16xf32> to vector<16xf32>
        %add3A_583 = arith.addf %add3A_572, %get3A_582 : vector<16xf32>
        %mul3A_584 = arith.constant 16 : i32
        %mul3A_585 = arith.muli %scan3A_195, %mul3A_584 : i32
        %add3A_586 = arith.constant 3 : i32
        %add3A_587 = arith.addi %mul3A_585, %add3A_586 : i32
        %get3A_588 = arith.constant 0 : i32
        %get3A_589 = arith.index_cast %get3A_588 : i32 to index
        %get3A_590 = arith.index_cast %add3A_587 : i32 to index
        %get3A_591 = arith.constant 32 : index
        %get3A_592 = tpu.vector_load %arg9[%get3A_589, %get3A_590, %get3A_591] {strides = array<i32>} : memref<2x128x128xf32, #tpu.memory_space<vmem>>, vector<1x1x16xf32>,
        %get3A_593 = vector.shape_cast %get3A_592 : vector<1x1x16xf32> to vector<16xf32>
        %add3A_594 = arith.addf %add3A_583, %get3A_593 : vector<16xf32>
        %mul3A_595 = arith.constant 16 : i32
        %mul3A_596 = arith.muli %scan3A_195, %mul3A_595 : i32
        %add3A_597 = arith.constant 4 : i32
        %add3A_598 = arith.addi %mul3A_596, %add3A_597 : i32
        %get3A_599 = arith.constant 0 : i32
        %get3A_600 = arith.index_cast %get3A_599 : i32 to index
        %get3A_601 = arith.index_cast %add3A_598 : i32 to index
        %get3A_602 = arith.constant 32 : index
        %get3A_603 = tpu.vector_load %arg9[%get3A_600, %get3A_601, %get3A_602] {strides = array<i32>} : memref<2x128x128xf32, #tpu.memory_space<vmem>>, vector<1x1x16xf32>,
        %get3A_604 = vector.shape_cast %get3A_603 : vector<1x1x16xf32> to vector<16xf32>
        %add3A_605 = arith.addf %add3A_594, %get3A_604 : vector<16xf32>
        %mul3A_606 = arith.constant 16 : i32
        %mul3A_607 = arith.muli %scan3A_195, %mul3A_606 : i32
        %add3A_608 = arith.constant 5 : i32
        %add3A_609 = arith.addi %mul3A_607, %add3A_608 : i32
        %get3A_610 = arith.constant 0 : i32
        %get3A_611 = arith.index_cast %get3A_610 : i32 to index
        %get3A_612 = arith.index_cast %add3A_609 : i32 to index
        %get3A_613 = arith.constant 32 : index
        %get3A_614 = tpu.vector_load %arg9[%get3A_611, %get3A_612, %get3A_613] {strides = array<i32>} : memref<2x128x128xf32, #tpu.memory_space<vmem>>, vector<1x1x16xf32>,
        %get3A_615 = vector.shape_cast %get3A_614 : vector<1x1x16xf32> to vector<16xf32>
        %add3A_616 = arith.addf %add3A_605, %get3A_615 : vector<16xf32>
        %mul3A_617 = arith.constant 16 : i32
        %mul3A_618 = arith.muli %scan3A_195, %mul3A_617 : i32
        %add3A_619 = arith.constant 6 : i32
        %add3A_620 = arith.addi %mul3A_618, %add3A_619 : i32
        %get3A_621 = arith.constant 0 : i32
        %get3A_622 = arith.index_cast %get3A_621 : i32 to index
        %get3A_623 = arith.index_cast %add3A_620 : i32 to index
        %get3A_624 = arith.constant 32 : index
        %get3A_625 = tpu.vector_load %arg9[%get3A_622, %get3A_623, %get3A_624] {strides = array<i32>} : memref<2x128x128xf32, #tpu.memory_space<vmem>>, vector<1x1x16xf32>,
        %get3A_626 = vector.shape_cast %get3A_625 : vector<1x1x16xf32> to vector<16xf32>
        %add3A_627 = arith.addf %add3A_616, %get3A_626 : vector<16xf32>
        %mul3A_628 = arith.constant 16 : i32
        %mul3A_629 = arith.muli %scan3A_195, %mul3A_628 : i32
        %add3A_630 = arith.constant 7 : i32
        %add3A_631 = arith.addi %mul3A_629, %add3A_630 : i32
        %get3A_632 = arith.constant 0 : i32
        %get3A_633 = arith.index_cast %get3A_632 : i32 to index
        %get3A_634 = arith.index_cast %add3A_631 : i32 to index
        %get3A_635 = arith.constant 32 : index
        %get3A_636 = tpu.vector_load %arg9[%get3A_633, %get3A_634, %get3A_635] {strides = array<i32>} : memref<2x128x128xf32, #tpu.memory_space<vmem>>, vector<1x1x16xf32>,
        %get3A_637 = vector.shape_cast %get3A_636 : vector<1x1x16xf32> to vector<16xf32>
        %add3A_638 = arith.addf %add3A_627, %get3A_637 : vector<16xf32>
        %mul3A_639 = arith.constant 16 : i32
        %mul3A_640 = arith.muli %scan3A_195, %mul3A_639 : i32
        %add3A_641 = arith.constant 8 : i32
        %add3A_642 = arith.addi %mul3A_640, %add3A_641 : i32
        %get3A_643 = arith.constant 0 : i32
        %get3A_644 = arith.index_cast %get3A_643 : i32 to index
        %get3A_645 = arith.index_cast %add3A_642 : i32 to index
        %get3A_646 = arith.constant 32 : index
        %get3A_647 = tpu.vector_load %arg9[%get3A_644, %get3A_645, %get3A_646] {strides = array<i32>} : memref<2x128x128xf32, #tpu.memory_space<vmem>>, vector<1x1x16xf32>,
        %get3A_648 = vector.shape_cast %get3A_647 : vector<1x1x16xf32> to vector<16xf32>
        %add3A_649 = arith.addf %add3A_638, %get3A_648 : vector<16xf32>
        %mul3A_650 = arith.constant 16 : i32
        %mul3A_651 = arith.muli %scan3A_195, %mul3A_650 : i32
        %add3A_652 = arith.constant 9 : i32
        %add3A_653 = arith.addi %mul3A_651, %add3A_652 : i32
        %get3A_654 = arith.constant 0 : i32
        %get3A_655 = arith.index_cast %get3A_654 : i32 to index
        %get3A_656 = arith.index_cast %add3A_653 : i32 to index
        %get3A_657 = arith.constant 32 : index
        %get3A_658 = tpu.vector_load %arg9[%get3A_655, %get3A_656, %get3A_657] {strides = array<i32>} : memref<2x128x128xf32, #tpu.memory_space<vmem>>, vector<1x1x16xf32>,
        %get3A_659 = vector.shape_cast %get3A_658 : vector<1x1x16xf32> to vector<16xf32>
        %add3A_660 = arith.addf %add3A_649, %get3A_659 : vector<16xf32>
        %mul3A_661 = arith.constant 16 : i32
        %mul3A_662 = arith.muli %scan3A_195, %mul3A_661 : i32
        %add3A_663 = arith.constant 10 : i32
        %add3A_664 = arith.addi %mul3A_662, %add3A_663 : i32
        %get3A_665 = arith.constant 0 : i32
        %get3A_666 = arith.index_cast %get3A_665 : i32 to index
        %get3A_667 = arith.index_cast %add3A_664 : i32 to index
        %get3A_668 = arith.constant 32 : index
        %get3A_669 = tpu.vector_load %arg9[%get3A_666, %get3A_667, %get3A_668] {strides = array<i32>} : memref<2x128x128xf32, #tpu.memory_space<vmem>>, vector<1x1x16xf32>,
        %get3A_670 = vector.shape_cast %get3A_669 : vector<1x1x16xf32> to vector<16xf32>
        %add3A_671 = arith.addf %add3A_660, %get3A_670 : vector<16xf32>
        %mul3A_672 = arith.constant 16 : i32
        %mul3A_673 = arith.muli %scan3A_195, %mul3A_672 : i32
        %add3A_674 = arith.constant 11 : i32
        %add3A_675 = arith.addi %mul3A_673, %add3A_674 : i32
        %get3A_676 = arith.constant 0 : i32
        %get3A_677 = arith.index_cast %get3A_676 : i32 to index
        %get3A_678 = arith.index_cast %add3A_675 : i32 to index
        %get3A_679 = arith.constant 32 : index
        %get3A_680 = tpu.vector_load %arg9[%get3A_677, %get3A_678, %get3A_679] {strides = array<i32>} : memref<2x128x128xf32, #tpu.memory_space<vmem>>, vector<1x1x16xf32>,
        %get3A_681 = vector.shape_cast %get3A_680 : vector<1x1x16xf32> to vector<16xf32>
        %add3A_682 = arith.addf %add3A_671, %get3A_681 : vector<16xf32>
        %mul3A_683 = arith.constant 16 : i32
        %mul3A_684 = arith.muli %scan3A_195, %mul3A_683 : i32
        %add3A_685 = arith.constant 12 : i32
        %add3A_686 = arith.addi %mul3A_684, %add3A_685 : i32
        %get3A_687 = arith.constant 0 : i32
        %get3A_688 = arith.index_cast %get3A_687 : i32 to index
        %get3A_689 = arith.index_cast %add3A_686 : i32 to index
        %get3A_690 = arith.constant 32 : index
        %get3A_691 = tpu.vector_load %arg9[%get3A_688, %get3A_689, %get3A_690] {strides = array<i32>} : memref<2x128x128xf32, #tpu.memory_space<vmem>>, vector<1x1x16xf32>,
        %get3A_692 = vector.shape_cast %get3A_691 : vector<1x1x16xf32> to vector<16xf32>
        %add3A_693 = arith.addf %add3A_682, %get3A_692 : vector<16xf32>
        %mul3A_694 = arith.constant 16 : i32
        %mul3A_695 = arith.muli %scan3A_195, %mul3A_694 : i32
        %add3A_696 = arith.constant 13 : i32
        %add3A_697 = arith.addi %mul3A_695, %add3A_696 : i32
        %get3A_698 = arith.constant 0 : i32
        %get3A_699 = arith.index_cast %get3A_698 : i32 to index
        %get3A_700 = arith.index_cast %add3A_697 : i32 to index
        %get3A_701 = arith.constant 32 : index
        %get3A_702 = tpu.vector_load %arg9[%get3A_699, %get3A_700, %get3A_701] {strides = array<i32>} : memref<2x128x128xf32, #tpu.memory_space<vmem>>, vector<1x1x16xf32>,
        %get3A_703 = vector.shape_cast %get3A_702 : vector<1x1x16xf32> to vector<16xf32>
        %add3A_704 = arith.addf %add3A_693, %get3A_703 : vector<16xf32>
        %mul3A_705 = arith.constant 16 : i32
        %mul3A_706 = arith.muli %scan3A_195, %mul3A_705 : i32
        %add3A_707 = arith.constant 14 : i32
        %add3A_708 = arith.addi %mul3A_706, %add3A_707 : i32
        %get3A_709 = arith.constant 0 : i32
        %get3A_710 = arith.index_cast %get3A_709 : i32 to index
        %get3A_711 = arith.index_cast %add3A_708 : i32 to index
        %get3A_712 = arith.constant 32 : index
        %get3A_713 = tpu.vector_load %arg9[%get3A_710, %get3A_711, %get3A_712] {strides = array<i32>} : memref<2x128x128xf32, #tpu.memory_space<vmem>>, vector<1x1x16xf32>,
        %get3A_714 = vector.shape_cast %get3A_713 : vector<1x1x16xf32> to vector<16xf32>
        %add3A_715 = arith.addf %add3A_704, %get3A_714 : vector<16xf32>
        %mul3A_716 = arith.constant 16 : i32
        %mul3A_717 = arith.muli %scan3A_195, %mul3A_716 : i32
        %add3A_718 = arith.constant 15 : i32
        %add3A_719 = arith.addi %mul3A_717, %add3A_718 : i32
        %get3A_720 = arith.constant 0 : i32
        %get3A_721 = arith.index_cast %get3A_720 : i32 to index
        %get3A_722 = arith.index_cast %add3A_719 : i32 to index
        %get3A_723 = arith.constant 32 : index
        %get3A_724 = tpu.vector_load %arg9[%get3A_721, %get3A_722, %get3A_723] {strides = array<i32>} : memref<2x128x128xf32, #tpu.memory_space<vmem>>, vector<1x1x16xf32>,
        %get3A_725 = vector.shape_cast %get3A_724 : vector<1x1x16xf32> to vector<16xf32>
        %add3A_726 = arith.addf %add3A_715, %get3A_725 : vector<16xf32>
        %swap3A_727 = arith.constant 0 : i32
        %swap3A_728 = arith.index_cast %swap3A_727 : i32 to index
        %swap3A_729 = arith.index_cast %scan3A_195 : i32 to index
        %swap3A_730 = arith.constant 32 : index
        %swap3A_731 = tpu.vector_load %arg10[%swap3A_728, %swap3A_729, %swap3A_730] {strides = array<i32>} : memref<2x8x128xf32, #tpu.memory_space<vmem>>, vector<1x1x16xf32>,
        %swap3A_732 = vector.shape_cast %swap3A_731 : vector<1x1x16xf32> to vector<16xf32>
        %swap3A_733 = vector.shape_cast %add3A_726 : vector<16xf32> to vector<1x1x16xf32>
        tpu.vector_store %arg10[%swap3A_728, %swap3A_729, %swap3A_730], %swap3A_733 {strides = array<i32>} : memref<2x8x128xf32, #tpu.memory_space<vmem>>, vector<1x1x16xf32>,
        %mul3A_734 = arith.constant 16 : i32
        %mul3A_735 = arith.muli %scan3A_195, %mul3A_734 : i32
        %get3A_736 = arith.constant 0 : i32
        %get3A_737 = arith.index_cast %get3A_736 : i32 to index
        %get3A_738 = arith.index_cast %mul3A_735 : i32 to index
        %get3A_739 = arith.constant 48 : index
        %get3A_740 = tpu.vector_load %arg9[%get3A_737, %get3A_738, %get3A_739] {strides = array<i32>} : memref<2x128x128xf32, #tpu.memory_space<vmem>>, vector<1x1x16xf32>,
        %get3A_741 = vector.shape_cast %get3A_740 : vector<1x1x16xf32> to vector<16xf32>
        %mul3A_742 = arith.constant 16 : i32
        %mul3A_743 = arith.muli %scan3A_195, %mul3A_742 : i32
        %add3A_744 = arith.constant 1 : i32
        %add3A_745 = arith.addi %mul3A_743, %add3A_744 : i32
        %get3A_746 = arith.constant 0 : i32
        %get3A_747 = arith.index_cast %get3A_746 : i32 to index
        %get3A_748 = arith.index_cast %add3A_745 : i32 to index
        %get3A_749 = arith.constant 48 : index
        %get3A_750 = tpu.vector_load %arg9[%get3A_747, %get3A_748, %get3A_749] {strides = array<i32>} : memref<2x128x128xf32, #tpu.memory_space<vmem>>, vector<1x1x16xf32>,
        %get3A_751 = vector.shape_cast %get3A_750 : vector<1x1x16xf32> to vector<16xf32>
        %add3A_752 = arith.addf %get3A_741, %get3A_751 : vector<16xf32>
        %mul3A_753 = arith.constant 16 : i32
        %mul3A_754 = arith.muli %scan3A_195, %mul3A_753 : i32
        %add3A_755 = arith.constant 2 : i32
        %add3A_756 = arith.addi %mul3A_754, %add3A_755 : i32
        %get3A_757 = arith.constant 0 : i32
        %get3A_758 = arith.index_cast %get3A_757 : i32 to index
        %get3A_759 = arith.index_cast %add3A_756 : i32 to index
        %get3A_760 = arith.constant 48 : index
        %get3A_761 = tpu.vector_load %arg9[%get3A_758, %get3A_759, %get3A_760] {strides = array<i32>} : memref<2x128x128xf32, #tpu.memory_space<vmem>>, vector<1x1x16xf32>,
        %get3A_762 = vector.shape_cast %get3A_761 : vector<1x1x16xf32> to vector<16xf32>
        %add3A_763 = arith.addf %add3A_752, %get3A_762 : vector<16xf32>
        %mul3A_764 = arith.constant 16 : i32
        %mul3A_765 = arith.muli %scan3A_195, %mul3A_764 : i32
        %add3A_766 = arith.constant 3 : i32
        %add3A_767 = arith.addi %mul3A_765, %add3A_766 : i32
        %get3A_768 = arith.constant 0 : i32
        %get3A_769 = arith.index_cast %get3A_768 : i32 to index
        %get3A_770 = arith.index_cast %add3A_767 : i32 to index
        %get3A_771 = arith.constant 48 : index
        %get3A_772 = tpu.vector_load %arg9[%get3A_769, %get3A_770, %get3A_771] {strides = array<i32>} : memref<2x128x128xf32, #tpu.memory_space<vmem>>, vector<1x1x16xf32>,
        %get3A_773 = vector.shape_cast %get3A_772 : vector<1x1x16xf32> to vector<16xf32>
        %add3A_774 = arith.addf %add3A_763, %get3A_773 : vector<16xf32>
        %mul3A_775 = arith.constant 16 : i32
        %mul3A_776 = arith.muli %scan3A_195, %mul3A_775 : i32
        %add3A_777 = arith.constant 4 : i32
        %add3A_778 = arith.addi %mul3A_776, %add3A_777 : i32
        %get3A_779 = arith.constant 0 : i32
        %get3A_780 = arith.index_cast %get3A_779 : i32 to index
        %get3A_781 = arith.index_cast %add3A_778 : i32 to index
        %get3A_782 = arith.constant 48 : index
        %get3A_783 = tpu.vector_load %arg9[%get3A_780, %get3A_781, %get3A_782] {strides = array<i32>} : memref<2x128x128xf32, #tpu.memory_space<vmem>>, vector<1x1x16xf32>,
        %get3A_784 = vector.shape_cast %get3A_783 : vector<1x1x16xf32> to vector<16xf32>
        %add3A_785 = arith.addf %add3A_774, %get3A_784 : vector<16xf32>
        %mul3A_786 = arith.constant 16 : i32
        %mul3A_787 = arith.muli %scan3A_195, %mul3A_786 : i32
        %add3A_788 = arith.constant 5 : i32
        %add3A_789 = arith.addi %mul3A_787, %add3A_788 : i32
        %get3A_790 = arith.constant 0 : i32
        %get3A_791 = arith.index_cast %get3A_790 : i32 to index
        %get3A_792 = arith.index_cast %add3A_789 : i32 to index
        %get3A_793 = arith.constant 48 : index
        %get3A_794 = tpu.vector_load %arg9[%get3A_791, %get3A_792, %get3A_793] {strides = array<i32>} : memref<2x128x128xf32, #tpu.memory_space<vmem>>, vector<1x1x16xf32>,
        %get3A_795 = vector.shape_cast %get3A_794 : vector<1x1x16xf32> to vector<16xf32>
        %add3A_796 = arith.addf %add3A_785, %get3A_795 : vector<16xf32>
        %mul3A_797 = arith.constant 16 : i32
        %mul3A_798 = arith.muli %scan3A_195, %mul3A_797 : i32
        %add3A_799 = arith.constant 6 : i32
        %add3A_800 = arith.addi %mul3A_798, %add3A_799 : i32
        %get3A_801 = arith.constant 0 : i32
        %get3A_802 = arith.index_cast %get3A_801 : i32 to index
        %get3A_803 = arith.index_cast %add3A_800 : i32 to index
        %get3A_804 = arith.constant 48 : index
        %get3A_805 = tpu.vector_load %arg9[%get3A_802, %get3A_803, %get3A_804] {strides = array<i32>} : memref<2x128x128xf32, #tpu.memory_space<vmem>>, vector<1x1x16xf32>,
        %get3A_806 = vector.shape_cast %get3A_805 : vector<1x1x16xf32> to vector<16xf32>
        %add3A_807 = arith.addf %add3A_796, %get3A_806 : vector<16xf32>
        %mul3A_808 = arith.constant 16 : i32
        %mul3A_809 = arith.muli %scan3A_195, %mul3A_808 : i32
        %add3A_810 = arith.constant 7 : i32
        %add3A_811 = arith.addi %mul3A_809, %add3A_810 : i32
        %get3A_812 = arith.constant 0 : i32
        %get3A_813 = arith.index_cast %get3A_812 : i32 to index
        %get3A_814 = arith.index_cast %add3A_811 : i32 to index
        %get3A_815 = arith.constant 48 : index
        %get3A_816 = tpu.vector_load %arg9[%get3A_813, %get3A_814, %get3A_815] {strides = array<i32>} : memref<2x128x128xf32, #tpu.memory_space<vmem>>, vector<1x1x16xf32>,
        %get3A_817 = vector.shape_cast %get3A_816 : vector<1x1x16xf32> to vector<16xf32>
        %add3A_818 = arith.addf %add3A_807, %get3A_817 : vector<16xf32>
        %mul3A_819 = arith.constant 16 : i32
        %mul3A_820 = arith.muli %scan3A_195, %mul3A_819 : i32
        %add3A_821 = arith.constant 8 : i32
        %add3A_822 = arith.addi %mul3A_820, %add3A_821 : i32
        %get3A_823 = arith.constant 0 : i32
        %get3A_824 = arith.index_cast %get3A_823 : i32 to index
        %get3A_825 = arith.index_cast %add3A_822 : i32 to index
        %get3A_826 = arith.constant 48 : index
        %get3A_827 = tpu.vector_load %arg9[%get3A_824, %get3A_825, %get3A_826] {strides = array<i32>} : memref<2x128x128xf32, #tpu.memory_space<vmem>>, vector<1x1x16xf32>,
        %get3A_828 = vector.shape_cast %get3A_827 : vector<1x1x16xf32> to vector<16xf32>
        %add3A_829 = arith.addf %add3A_818, %get3A_828 : vector<16xf32>
        %mul3A_830 = arith.constant 16 : i32
        %mul3A_831 = arith.muli %scan3A_195, %mul3A_830 : i32
        %add3A_832 = arith.constant 9 : i32
        %add3A_833 = arith.addi %mul3A_831, %add3A_832 : i32
        %get3A_834 = arith.constant 0 : i32
        %get3A_835 = arith.index_cast %get3A_834 : i32 to index
        %get3A_836 = arith.index_cast %add3A_833 : i32 to index
        %get3A_837 = arith.constant 48 : index
        %get3A_838 = tpu.vector_load %arg9[%get3A_835, %get3A_836, %get3A_837] {strides = array<i32>} : memref<2x128x128xf32, #tpu.memory_space<vmem>>, vector<1x1x16xf32>,
        %get3A_839 = vector.shape_cast %get3A_838 : vector<1x1x16xf32> to vector<16xf32>
        %add3A_840 = arith.addf %add3A_829, %get3A_839 : vector<16xf32>
        %mul3A_841 = arith.constant 16 : i32
        %mul3A_842 = arith.muli %scan3A_195, %mul3A_841 : i32
        %add3A_843 = arith.constant 10 : i32
        %add3A_844 = arith.addi %mul3A_842, %add3A_843 : i32
        %get3A_845 = arith.constant 0 : i32
        %get3A_846 = arith.index_cast %get3A_845 : i32 to index
        %get3A_847 = arith.index_cast %add3A_844 : i32 to index
        %get3A_848 = arith.constant 48 : index
        %get3A_849 = tpu.vector_load %arg9[%get3A_846, %get3A_847, %get3A_848] {strides = array<i32>} : memref<2x128x128xf32, #tpu.memory_space<vmem>>, vector<1x1x16xf32>,
        %get3A_850 = vector.shape_cast %get3A_849 : vector<1x1x16xf32> to vector<16xf32>
        %add3A_851 = arith.addf %add3A_840, %get3A_850 : vector<16xf32>
        %mul3A_852 = arith.constant 16 : i32
        %mul3A_853 = arith.muli %scan3A_195, %mul3A_852 : i32
        %add3A_854 = arith.constant 11 : i32
        %add3A_855 = arith.addi %mul3A_853, %add3A_854 : i32
        %get3A_856 = arith.constant 0 : i32
        %get3A_857 = arith.index_cast %get3A_856 : i32 to index
        %get3A_858 = arith.index_cast %add3A_855 : i32 to index
        %get3A_859 = arith.constant 48 : index
        %get3A_860 = tpu.vector_load %arg9[%get3A_857, %get3A_858, %get3A_859] {strides = array<i32>} : memref<2x128x128xf32, #tpu.memory_space<vmem>>, vector<1x1x16xf32>,
        %get3A_861 = vector.shape_cast %get3A_860 : vector<1x1x16xf32> to vector<16xf32>
        %add3A_862 = arith.addf %add3A_851, %get3A_861 : vector<16xf32>
        %mul3A_863 = arith.constant 16 : i32
        %mul3A_864 = arith.muli %scan3A_195, %mul3A_863 : i32
        %add3A_865 = arith.constant 12 : i32
        %add3A_866 = arith.addi %mul3A_864, %add3A_865 : i32
        %get3A_867 = arith.constant 0 : i32
        %get3A_868 = arith.index_cast %get3A_867 : i32 to index
        %get3A_869 = arith.index_cast %add3A_866 : i32 to index
        %get3A_870 = arith.constant 48 : index
        %get3A_871 = tpu.vector_load %arg9[%get3A_868, %get3A_869, %get3A_870] {strides = array<i32>} : memref<2x128x128xf32, #tpu.memory_space<vmem>>, vector<1x1x16xf32>,
        %get3A_872 = vector.shape_cast %get3A_871 : vector<1x1x16xf32> to vector<16xf32>
        %add3A_873 = arith.addf %add3A_862, %get3A_872 : vector<16xf32>
        %mul3A_874 = arith.constant 16 : i32
        %mul3A_875 = arith.muli %scan3A_195, %mul3A_874 : i32
        %add3A_876 = arith.constant 13 : i32
        %add3A_877 = arith.addi %mul3A_875, %add3A_876 : i32
        %get3A_878 = arith.constant 0 : i32
        %get3A_879 = arith.index_cast %get3A_878 : i32 to index
        %get3A_880 = arith.index_cast %add3A_877 : i32 to index
        %get3A_881 = arith.constant 48 : index
        %get3A_882 = tpu.vector_load %arg9[%get3A_879, %get3A_880, %get3A_881] {strides = array<i32>} : memref<2x128x128xf32, #tpu.memory_space<vmem>>, vector<1x1x16xf32>,
        %get3A_883 = vector.shape_cast %get3A_882 : vector<1x1x16xf32> to vector<16xf32>
        %add3A_884 = arith.addf %add3A_873, %get3A_883 : vector<16xf32>
        %mul3A_885 = arith.constant 16 : i32
        %mul3A_886 = arith.muli %scan3A_195, %mul3A_885 : i32
        %add3A_887 = arith.constant 14 : i32
        %add3A_888 = arith.addi %mul3A_886, %add3A_887 : i32
        %get3A_889 = arith.constant 0 : i32
        %get3A_890 = arith.index_cast %get3A_889 : i32 to index
        %get3A_891 = arith.index_cast %add3A_888 : i32 to index
        %get3A_892 = arith.constant 48 : index
        %get3A_893 = tpu.vector_load %arg9[%get3A_890, %get3A_891, %get3A_892] {strides = array<i32>} : memref<2x128x128xf32, #tpu.memory_space<vmem>>, vector<1x1x16xf32>,
        %get3A_894 = vector.shape_cast %get3A_893 : vector<1x1x16xf32> to vector<16xf32>
        %add3A_895 = arith.addf %add3A_884, %get3A_894 : vector<16xf32>
        %mul3A_896 = arith.constant 16 : i32
        %mul3A_897 = arith.muli %scan3A_195, %mul3A_896 : i32
        %add3A_898 = arith.constant 15 : i32
        %add3A_899 = arith.addi %mul3A_897, %add3A_898 : i32
        %get3A_900 = arith.constant 0 : i32
        %get3A_901 = arith.index_cast %get3A_900 : i32 to index
        %get3A_902 = arith.index_cast %add3A_899 : i32 to index
        %get3A_903 = arith.constant 48 : index
        %get3A_904 = tpu.vector_load %arg9[%get3A_901, %get3A_902, %get3A_903] {strides = array<i32>} : memref<2x128x128xf32, #tpu.memory_space<vmem>>, vector<1x1x16xf32>,
        %get3A_905 = vector.shape_cast %get3A_904 : vector<1x1x16xf32> to vector<16xf32>
        %add3A_906 = arith.addf %add3A_895, %get3A_905 : vector<16xf32>
        %swap3A_907 = arith.constant 0 : i32
        %swap3A_908 = arith.index_cast %swap3A_907 : i32 to index
        %swap3A_909 = arith.index_cast %scan3A_195 : i32 to index
        %swap3A_910 = arith.constant 48 : index
        %swap3A_911 = tpu.vector_load %arg10[%swap3A_908, %swap3A_909, %swap3A_910] {strides = array<i32>} : memref<2x8x128xf32, #tpu.memory_space<vmem>>, vector<1x1x16xf32>,
        %swap3A_912 = vector.shape_cast %swap3A_911 : vector<1x1x16xf32> to vector<16xf32>
        %swap3A_913 = vector.shape_cast %add3A_906 : vector<16xf32> to vector<1x1x16xf32>
        tpu.vector_store %arg10[%swap3A_908, %swap3A_909, %swap3A_910], %swap3A_913 {strides = array<i32>} : memref<2x8x128xf32, #tpu.memory_space<vmem>>, vector<1x1x16xf32>,
        %mul3A_914 = arith.constant 16 : i32
        %mul3A_915 = arith.muli %scan3A_195, %mul3A_914 : i32
        %get3A_916 = arith.constant 0 : i32
        %get3A_917 = arith.index_cast %get3A_916 : i32 to index
        %get3A_918 = arith.index_cast %mul3A_915 : i32 to index
        %get3A_919 = arith.constant 64 : index
        %get3A_920 = tpu.vector_load %arg9[%get3A_917, %get3A_918, %get3A_919] {strides = array<i32>} : memref<2x128x128xf32, #tpu.memory_space<vmem>>, vector<1x1x16xf32>,
        %get3A_921 = vector.shape_cast %get3A_920 : vector<1x1x16xf32> to vector<16xf32>
        %mul3A_922 = arith.constant 16 : i32
        %mul3A_923 = arith.muli %scan3A_195, %mul3A_922 : i32
        %add3A_924 = arith.constant 1 : i32
        %add3A_925 = arith.addi %mul3A_923, %add3A_924 : i32
        %get3A_926 = arith.constant 0 : i32
        %get3A_927 = arith.index_cast %get3A_926 : i32 to index
        %get3A_928 = arith.index_cast %add3A_925 : i32 to index
        %get3A_929 = arith.constant 64 : index
        %get3A_930 = tpu.vector_load %arg9[%get3A_927, %get3A_928, %get3A_929] {strides = array<i32>} : memref<2x128x128xf32, #tpu.memory_space<vmem>>, vector<1x1x16xf32>,
        %get3A_931 = vector.shape_cast %get3A_930 : vector<1x1x16xf32> to vector<16xf32>
        %add3A_932 = arith.addf %get3A_921, %get3A_931 : vector<16xf32>
        %mul3A_933 = arith.constant 16 : i32
        %mul3A_934 = arith.muli %scan3A_195, %mul3A_933 : i32
        %add3A_935 = arith.constant 2 : i32
        %add3A_936 = arith.addi %mul3A_934, %add3A_935 : i32
        %get3A_937 = arith.constant 0 : i32
        %get3A_938 = arith.index_cast %get3A_937 : i32 to index
        %get3A_939 = arith.index_cast %add3A_936 : i32 to index
        %get3A_940 = arith.constant 64 : index
        %get3A_941 = tpu.vector_load %arg9[%get3A_938, %get3A_939, %get3A_940] {strides = array<i32>} : memref<2x128x128xf32, #tpu.memory_space<vmem>>, vector<1x1x16xf32>,
        %get3A_942 = vector.shape_cast %get3A_941 : vector<1x1x16xf32> to vector<16xf32>
        %add3A_943 = arith.addf %add3A_932, %get3A_942 : vector<16xf32>
        %mul3A_944 = arith.constant 16 : i32
        %mul3A_945 = arith.muli %scan3A_195, %mul3A_944 : i32
        %add3A_946 = arith.constant 3 : i32
        %add3A_947 = arith.addi %mul3A_945, %add3A_946 : i32
        %get3A_948 = arith.constant 0 : i32
        %get3A_949 = arith.index_cast %get3A_948 : i32 to index
        %get3A_950 = arith.index_cast %add3A_947 : i32 to index
        %get3A_951 = arith.constant 64 : index
        %get3A_952 = tpu.vector_load %arg9[%get3A_949, %get3A_950, %get3A_951] {strides = array<i32>} : memref<2x128x128xf32, #tpu.memory_space<vmem>>, vector<1x1x16xf32>,
        %get3A_953 = vector.shape_cast %get3A_952 : vector<1x1x16xf32> to vector<16xf32>
        %add3A_954 = arith.addf %add3A_943, %get3A_953 : vector<16xf32>
        %mul3A_955 = arith.constant 16 : i32
        %mul3A_956 = arith.muli %scan3A_195, %mul3A_955 : i32
        %add3A_957 = arith.constant 4 : i32
        %add3A_958 = arith.addi %mul3A_956, %add3A_957 : i32
        %get3A_959 = arith.constant 0 : i32
        %get3A_960 = arith.index_cast %get3A_959 : i32 to index
        %get3A_961 = arith.index_cast %add3A_958 : i32 to index
        %get3A_962 = arith.constant 64 : index
        %get3A_963 = tpu.vector_load %arg9[%get3A_960, %get3A_961, %get3A_962] {strides = array<i32>} : memref<2x128x128xf32, #tpu.memory_space<vmem>>, vector<1x1x16xf32>,
        %get3A_964 = vector.shape_cast %get3A_963 : vector<1x1x16xf32> to vector<16xf32>
        %add3A_965 = arith.addf %add3A_954, %get3A_964 : vector<16xf32>
        %mul3A_966 = arith.constant 16 : i32
        %mul3A_967 = arith.muli %scan3A_195, %mul3A_966 : i32
        %add3A_968 = arith.constant 5 : i32
        %add3A_969 = arith.addi %mul3A_967, %add3A_968 : i32
        %get3A_970 = arith.constant 0 : i32
        %get3A_971 = arith.index_cast %get3A_970 : i32 to index
        %get3A_972 = arith.index_cast %add3A_969 : i32 to index
        %get3A_973 = arith.constant 64 : index
        %get3A_974 = tpu.vector_load %arg9[%get3A_971, %get3A_972, %get3A_973] {strides = array<i32>} : memref<2x128x128xf32, #tpu.memory_space<vmem>>, vector<1x1x16xf32>,
        %get3A_975 = vector.shape_cast %get3A_974 : vector<1x1x16xf32> to vector<16xf32>
        %add3A_976 = arith.addf %add3A_965, %get3A_975 : vector<16xf32>
        %mul3A_977 = arith.constant 16 : i32
        %mul3A_978 = arith.muli %scan3A_195, %mul3A_977 : i32
        %add3A_979 = arith.constant 6 : i32
        %add3A_980 = arith.addi %mul3A_978, %add3A_979 : i32
        %get3A_981 = arith.constant 0 : i32
        %get3A_982 = arith.index_cast %get3A_981 : i32 to index
        %get3A_983 = arith.index_cast %add3A_980 : i32 to index
        %get3A_984 = arith.constant 64 : index
        %get3A_985 = tpu.vector_load %arg9[%get3A_982, %get3A_983, %get3A_984] {strides = array<i32>} : memref<2x128x128xf32, #tpu.memory_space<vmem>>, vector<1x1x16xf32>,
        %get3A_986 = vector.shape_cast %get3A_985 : vector<1x1x16xf32> to vector<16xf32>
        %add3A_987 = arith.addf %add3A_976, %get3A_986 : vector<16xf32>
        %mul3A_988 = arith.constant 16 : i32
        %mul3A_989 = arith.muli %scan3A_195, %mul3A_988 : i32
        %add3A_990 = arith.constant 7 : i32
        %add3A_991 = arith.addi %mul3A_989, %add3A_990 : i32
        %get3A_992 = arith.constant 0 : i32
        %get3A_993 = arith.index_cast %get3A_992 : i32 to index
        %get3A_994 = arith.index_cast %add3A_991 : i32 to index
        %get3A_995 = arith.constant 64 : index
        %get3A_996 = tpu.vector_load %arg9[%get3A_993, %get3A_994, %get3A_995] {strides = array<i32>} : memref<2x128x128xf32, #tpu.memory_space<vmem>>, vector<1x1x16xf32>,
        %get3A_997 = vector.shape_cast %get3A_996 : vector<1x1x16xf32> to vector<16xf32>
        %add3A_998 = arith.addf %add3A_987, %get3A_997 : vector<16xf32>
        %mul3A_999 = arith.constant 16 : i32
        %mul3A_1000 = arith.muli %scan3A_195, %mul3A_999 : i32
        %add3A_1001 = arith.constant 8 : i32
        %add3A_1002 = arith.addi %mul3A_1000, %add3A_1001 : i32
        %get3A_1003 = arith.constant 0 : i32
        %get3A_1004 = arith.index_cast %get3A_1003 : i32 to index
        %get3A_1005 = arith.index_cast %add3A_1002 : i32 to index
        %get3A_1006 = arith.constant 64 : index
        %get3A_1007 = tpu.vector_load %arg9[%get3A_1004, %get3A_1005, %get3A_1006] {strides = array<i32>} : memref<2x128x128xf32, #tpu.memory_space<vmem>>, vector<1x1x16xf32>,
        %get3A_1008 = vector.shape_cast %get3A_1007 : vector<1x1x16xf32> to vector<16xf32>
        %add3A_1009 = arith.addf %add3A_998, %get3A_1008 : vector<16xf32>
        %mul3A_1010 = arith.constant 16 : i32
        %mul3A_1011 = arith.muli %scan3A_195, %mul3A_1010 : i32
        %add3A_1012 = arith.constant 9 : i32
        %add3A_1013 = arith.addi %mul3A_1011, %add3A_1012 : i32
        %get3A_1014 = arith.constant 0 : i32
        %get3A_1015 = arith.index_cast %get3A_1014 : i32 to index
        %get3A_1016 = arith.index_cast %add3A_1013 : i32 to index
        %get3A_1017 = arith.constant 64 : index
        %get3A_1018 = tpu.vector_load %arg9[%get3A_1015, %get3A_1016, %get3A_1017] {strides = array<i32>} : memref<2x128x128xf32, #tpu.memory_space<vmem>>, vector<1x1x16xf32>,
        %get3A_1019 = vector.shape_cast %get3A_1018 : vector<1x1x16xf32> to vector<16xf32>
        %add3A_1020 = arith.addf %add3A_1009, %get3A_1019 : vector<16xf32>
        %mul3A_1021 = arith.constant 16 : i32
        %mul3A_1022 = arith.muli %scan3A_195, %mul3A_1021 : i32
        %add3A_1023 = arith.constant 10 : i32
        %add3A_1024 = arith.addi %mul3A_1022, %add3A_1023 : i32
        %get3A_1025 = arith.constant 0 : i32
        %get3A_1026 = arith.index_cast %get3A_1025 : i32 to index
        %get3A_1027 = arith.index_cast %add3A_1024 : i32 to index
        %get3A_1028 = arith.constant 64 : index
        %get3A_1029 = tpu.vector_load %arg9[%get3A_1026, %get3A_1027, %get3A_1028] {strides = array<i32>} : memref<2x128x128xf32, #tpu.memory_space<vmem>>, vector<1x1x16xf32>,
        %get3A_1030 = vector.shape_cast %get3A_1029 : vector<1x1x16xf32> to vector<16xf32>
        %add3A_1031 = arith.addf %add3A_1020, %get3A_1030 : vector<16xf32>
        %mul3A_1032 = arith.constant 16 : i32
        %mul3A_1033 = arith.muli %scan3A_195, %mul3A_1032 : i32
        %add3A_1034 = arith.constant 11 : i32
        %add3A_1035 = arith.addi %mul3A_1033, %add3A_1034 : i32
        %get3A_1036 = arith.constant 0 : i32
        %get3A_1037 = arith.index_cast %get3A_1036 : i32 to index
        %get3A_1038 = arith.index_cast %add3A_1035 : i32 to index
        %get3A_1039 = arith.constant 64 : index
        %get3A_1040 = tpu.vector_load %arg9[%get3A_1037, %get3A_1038, %get3A_1039] {strides = array<i32>} : memref<2x128x128xf32, #tpu.memory_space<vmem>>, vector<1x1x16xf32>,
        %get3A_1041 = vector.shape_cast %get3A_1040 : vector<1x1x16xf32> to vector<16xf32>
        %add3A_1042 = arith.addf %add3A_1031, %get3A_1041 : vector<16xf32>
        %mul3A_1043 = arith.constant 16 : i32
        %mul3A_1044 = arith.muli %scan3A_195, %mul3A_1043 : i32
        %add3A_1045 = arith.constant 12 : i32
        %add3A_1046 = arith.addi %mul3A_1044, %add3A_1045 : i32
        %get3A_1047 = arith.constant 0 : i32
        %get3A_1048 = arith.index_cast %get3A_1047 : i32 to index
        %get3A_1049 = arith.index_cast %add3A_1046 : i32 to index
        %get3A_1050 = arith.constant 64 : index
        %get3A_1051 = tpu.vector_load %arg9[%get3A_1048, %get3A_1049, %get3A_1050] {strides = array<i32>} : memref<2x128x128xf32, #tpu.memory_space<vmem>>, vector<1x1x16xf32>,
        %get3A_1052 = vector.shape_cast %get3A_1051 : vector<1x1x16xf32> to vector<16xf32>
        %add3A_1053 = arith.addf %add3A_1042, %get3A_1052 : vector<16xf32>
        %mul3A_1054 = arith.constant 16 : i32
        %mul3A_1055 = arith.muli %scan3A_195, %mul3A_1054 : i32
        %add3A_1056 = arith.constant 13 : i32
        %add3A_1057 = arith.addi %mul3A_1055, %add3A_1056 : i32
        %get3A_1058 = arith.constant 0 : i32
        %get3A_1059 = arith.index_cast %get3A_1058 : i32 to index
        %get3A_1060 = arith.index_cast %add3A_1057 : i32 to index
        %get3A_1061 = arith.constant 64 : index
        %get3A_1062 = tpu.vector_load %arg9[%get3A_1059, %get3A_1060, %get3A_1061] {strides = array<i32>} : memref<2x128x128xf32, #tpu.memory_space<vmem>>, vector<1x1x16xf32>,
        %get3A_1063 = vector.shape_cast %get3A_1062 : vector<1x1x16xf32> to vector<16xf32>
        %add3A_1064 = arith.addf %add3A_1053, %get3A_1063 : vector<16xf32>
        %mul3A_1065 = arith.constant 16 : i32
        %mul3A_1066 = arith.muli %scan3A_195, %mul3A_1065 : i32
        %add3A_1067 = arith.constant 14 : i32
        %add3A_1068 = arith.addi %mul3A_1066, %add3A_1067 : i32
        %get3A_1069 = arith.constant 0 : i32
        %get3A_1070 = arith.index_cast %get3A_1069 : i32 to index
        %get3A_1071 = arith.index_cast %add3A_1068 : i32 to index
        %get3A_1072 = arith.constant 64 : index
        %get3A_1073 = tpu.vector_load %arg9[%get3A_1070, %get3A_1071, %get3A_1072] {strides = array<i32>} : memref<2x128x128xf32, #tpu.memory_space<vmem>>, vector<1x1x16xf32>,
        %get3A_1074 = vector.shape_cast %get3A_1073 : vector<1x1x16xf32> to vector<16xf32>
        %add3A_1075 = arith.addf %add3A_1064, %get3A_1074 : vector<16xf32>
        %mul3A_1076 = arith.constant 16 : i32
        %mul3A_1077 = arith.muli %scan3A_195, %mul3A_1076 : i32
        %add3A_1078 = arith.constant 15 : i32
        %add3A_1079 = arith.addi %mul3A_1077, %add3A_1078 : i32
        %get3A_1080 = arith.constant 0 : i32
        %get3A_1081 = arith.index_cast %get3A_1080 : i32 to index
        %get3A_1082 = arith.index_cast %add3A_1079 : i32 to index
        %get3A_1083 = arith.constant 64 : index
        %get3A_1084 = tpu.vector_load %arg9[%get3A_1081, %get3A_1082, %get3A_1083] {strides = array<i32>} : memref<2x128x128xf32, #tpu.memory_space<vmem>>, vector<1x1x16xf32>,
        %get3A_1085 = vector.shape_cast %get3A_1084 : vector<1x1x16xf32> to vector<16xf32>
        %add3A_1086 = arith.addf %add3A_1075, %get3A_1085 : vector<16xf32>
        %swap3A_1087 = arith.constant 0 : i32
        %swap3A_1088 = arith.index_cast %swap3A_1087 : i32 to index
        %swap3A_1089 = arith.index_cast %scan3A_195 : i32 to index
        %swap3A_1090 = arith.constant 64 : index
        %swap3A_1091 = tpu.vector_load %arg10[%swap3A_1088, %swap3A_1089, %swap3A_1090] {strides = array<i32>} : memref<2x8x128xf32, #tpu.memory_space<vmem>>, vector<1x1x16xf32>,
        %swap3A_1092 = vector.shape_cast %swap3A_1091 : vector<1x1x16xf32> to vector<16xf32>
        %swap3A_1093 = vector.shape_cast %add3A_1086 : vector<16xf32> to vector<1x1x16xf32>
        tpu.vector_store %arg10[%swap3A_1088, %swap3A_1089, %swap3A_1090], %swap3A_1093 {strides = array<i32>} : memref<2x8x128xf32, #tpu.memory_space<vmem>>, vector<1x1x16xf32>,
        %mul3A_1094 = arith.constant 16 : i32
        %mul3A_1095 = arith.muli %scan3A_195, %mul3A_1094 : i32
        %get3A_1096 = arith.constant 0 : i32
        %get3A_1097 = arith.index_cast %get3A_1096 : i32 to index
        %get3A_1098 = arith.index_cast %mul3A_1095 : i32 to index
        %get3A_1099 = arith.constant 80 : index
        %get3A_1100 = tpu.vector_load %arg9[%get3A_1097, %get3A_1098, %get3A_1099] {strides = array<i32>} : memref<2x128x128xf32, #tpu.memory_space<vmem>>, vector<1x1x16xf32>,
        %get3A_1101 = vector.shape_cast %get3A_1100 : vector<1x1x16xf32> to vector<16xf32>
        %mul3A_1102 = arith.constant 16 : i32
        %mul3A_1103 = arith.muli %scan3A_195, %mul3A_1102 : i32
        %add3A_1104 = arith.constant 1 : i32
        %add3A_1105 = arith.addi %mul3A_1103, %add3A_1104 : i32
        %get3A_1106 = arith.constant 0 : i32
        %get3A_1107 = arith.index_cast %get3A_1106 : i32 to index
        %get3A_1108 = arith.index_cast %add3A_1105 : i32 to index
        %get3A_1109 = arith.constant 80 : index
        %get3A_1110 = tpu.vector_load %arg9[%get3A_1107, %get3A_1108, %get3A_1109] {strides = array<i32>} : memref<2x128x128xf32, #tpu.memory_space<vmem>>, vector<1x1x16xf32>,
        %get3A_1111 = vector.shape_cast %get3A_1110 : vector<1x1x16xf32> to vector<16xf32>
        %add3A_1112 = arith.addf %get3A_1101, %get3A_1111 : vector<16xf32>
        %mul3A_1113 = arith.constant 16 : i32
        %mul3A_1114 = arith.muli %scan3A_195, %mul3A_1113 : i32
        %add3A_1115 = arith.constant 2 : i32
        %add3A_1116 = arith.addi %mul3A_1114, %add3A_1115 : i32
        %get3A_1117 = arith.constant 0 : i32
        %get3A_1118 = arith.index_cast %get3A_1117 : i32 to index
        %get3A_1119 = arith.index_cast %add3A_1116 : i32 to index
        %get3A_1120 = arith.constant 80 : index
        %get3A_1121 = tpu.vector_load %arg9[%get3A_1118, %get3A_1119, %get3A_1120] {strides = array<i32>} : memref<2x128x128xf32, #tpu.memory_space<vmem>>, vector<1x1x16xf32>,
        %get3A_1122 = vector.shape_cast %get3A_1121 : vector<1x1x16xf32> to vector<16xf32>
        %add3A_1123 = arith.addf %add3A_1112, %get3A_1122 : vector<16xf32>
        %mul3A_1124 = arith.constant 16 : i32
        %mul3A_1125 = arith.muli %scan3A_195, %mul3A_1124 : i32
        %add3A_1126 = arith.constant 3 : i32
        %add3A_1127 = arith.addi %mul3A_1125, %add3A_1126 : i32
        %get3A_1128 = arith.constant 0 : i32
        %get3A_1129 = arith.index_cast %get3A_1128 : i32 to index
        %get3A_1130 = arith.index_cast %add3A_1127 : i32 to index
        %get3A_1131 = arith.constant 80 : index
        %get3A_1132 = tpu.vector_load %arg9[%get3A_1129, %get3A_1130, %get3A_1131] {strides = array<i32>} : memref<2x128x128xf32, #tpu.memory_space<vmem>>, vector<1x1x16xf32>,
        %get3A_1133 = vector.shape_cast %get3A_1132 : vector<1x1x16xf32> to vector<16xf32>
        %add3A_1134 = arith.addf %add3A_1123, %get3A_1133 : vector<16xf32>
        %mul3A_1135 = arith.constant 16 : i32
        %mul3A_1136 = arith.muli %scan3A_195, %mul3A_1135 : i32
        %add3A_1137 = arith.constant 4 : i32
        %add3A_1138 = arith.addi %mul3A_1136, %add3A_1137 : i32
        %get3A_1139 = arith.constant 0 : i32
        %get3A_1140 = arith.index_cast %get3A_1139 : i32 to index
        %get3A_1141 = arith.index_cast %add3A_1138 : i32 to index
        %get3A_1142 = arith.constant 80 : index
        %get3A_1143 = tpu.vector_load %arg9[%get3A_1140, %get3A_1141, %get3A_1142] {strides = array<i32>} : memref<2x128x128xf32, #tpu.memory_space<vmem>>, vector<1x1x16xf32>,
        %get3A_1144 = vector.shape_cast %get3A_1143 : vector<1x1x16xf32> to vector<16xf32>
        %add3A_1145 = arith.addf %add3A_1134, %get3A_1144 : vector<16xf32>
        %mul3A_1146 = arith.constant 16 : i32
        %mul3A_1147 = arith.muli %scan3A_195, %mul3A_1146 : i32
        %add3A_1148 = arith.constant 5 : i32
        %add3A_1149 = arith.addi %mul3A_1147, %add3A_1148 : i32
        %get3A_1150 = arith.constant 0 : i32
        %get3A_1151 = arith.index_cast %get3A_1150 : i32 to index
        %get3A_1152 = arith.index_cast %add3A_1149 : i32 to index
        %get3A_1153 = arith.constant 80 : index
        %get3A_1154 = tpu.vector_load %arg9[%get3A_1151, %get3A_1152, %get3A_1153] {strides = array<i32>} : memref<2x128x128xf32, #tpu.memory_space<vmem>>, vector<1x1x16xf32>,
        %get3A_1155 = vector.shape_cast %get3A_1154 : vector<1x1x16xf32> to vector<16xf32>
        %add3A_1156 = arith.addf %add3A_1145, %get3A_1155 : vector<16xf32>
        %mul3A_1157 = arith.constant 16 : i32
        %mul3A_1158 = arith.muli %scan3A_195, %mul3A_1157 : i32
        %add3A_1159 = arith.constant 6 : i32
        %add3A_1160 = arith.addi %mul3A_1158, %add3A_1159 : i32
        %get3A_1161 = arith.constant 0 : i32
        %get3A_1162 = arith.index_cast %get3A_1161 : i32 to index
        %get3A_1163 = arith.index_cast %add3A_1160 : i32 to index
        %get3A_1164 = arith.constant 80 : index
        %get3A_1165 = tpu.vector_load %arg9[%get3A_1162, %get3A_1163, %get3A_1164] {strides = array<i32>} : memref<2x128x128xf32, #tpu.memory_space<vmem>>, vector<1x1x16xf32>,
        %get3A_1166 = vector.shape_cast %get3A_1165 : vector<1x1x16xf32> to vector<16xf32>
        %add3A_1167 = arith.addf %add3A_1156, %get3A_1166 : vector<16xf32>
        %mul3A_1168 = arith.constant 16 : i32
        %mul3A_1169 = arith.muli %scan3A_195, %mul3A_1168 : i32
        %add3A_1170 = arith.constant 7 : i32
        %add3A_1171 = arith.addi %mul3A_1169, %add3A_1170 : i32
        %get3A_1172 = arith.constant 0 : i32
        %get3A_1173 = arith.index_cast %get3A_1172 : i32 to index
        %get3A_1174 = arith.index_cast %add3A_1171 : i32 to index
        %get3A_1175 = arith.constant 80 : index
        %get3A_1176 = tpu.vector_load %arg9[%get3A_1173, %get3A_1174, %get3A_1175] {strides = array<i32>} : memref<2x128x128xf32, #tpu.memory_space<vmem>>, vector<1x1x16xf32>,
        %get3A_1177 = vector.shape_cast %get3A_1176 : vector<1x1x16xf32> to vector<16xf32>
        %add3A_1178 = arith.addf %add3A_1167, %get3A_1177 : vector<16xf32>
        %mul3A_1179 = arith.constant 16 : i32
        %mul3A_1180 = arith.muli %scan3A_195, %mul3A_1179 : i32
        %add3A_1181 = arith.constant 8 : i32
        %add3A_1182 = arith.addi %mul3A_1180, %add3A_1181 : i32
        %get3A_1183 = arith.constant 0 : i32
        %get3A_1184 = arith.index_cast %get3A_1183 : i32 to index
        %get3A_1185 = arith.index_cast %add3A_1182 : i32 to index
        %get3A_1186 = arith.constant 80 : index
        %get3A_1187 = tpu.vector_load %arg9[%get3A_1184, %get3A_1185, %get3A_1186] {strides = array<i32>} : memref<2x128x128xf32, #tpu.memory_space<vmem>>, vector<1x1x16xf32>,
        %get3A_1188 = vector.shape_cast %get3A_1187 : vector<1x1x16xf32> to vector<16xf32>
        %add3A_1189 = arith.addf %add3A_1178, %get3A_1188 : vector<16xf32>
        %mul3A_1190 = arith.constant 16 : i32
        %mul3A_1191 = arith.muli %scan3A_195, %mul3A_1190 : i32
        %add3A_1192 = arith.constant 9 : i32
        %add3A_1193 = arith.addi %mul3A_1191, %add3A_1192 : i32
        %get3A_1194 = arith.constant 0 : i32
        %get3A_1195 = arith.index_cast %get3A_1194 : i32 to index
        %get3A_1196 = arith.index_cast %add3A_1193 : i32 to index
        %get3A_1197 = arith.constant 80 : index
        %get3A_1198 = tpu.vector_load %arg9[%get3A_1195, %get3A_1196, %get3A_1197] {strides = array<i32>} : memref<2x128x128xf32, #tpu.memory_space<vmem>>, vector<1x1x16xf32>,
        %get3A_1199 = vector.shape_cast %get3A_1198 : vector<1x1x16xf32> to vector<16xf32>
        %add3A_1200 = arith.addf %add3A_1189, %get3A_1199 : vector<16xf32>
        %mul3A_1201 = arith.constant 16 : i32
        %mul3A_1202 = arith.muli %scan3A_195, %mul3A_1201 : i32
        %add3A_1203 = arith.constant 10 : i32
        %add3A_1204 = arith.addi %mul3A_1202, %add3A_1203 : i32
        %get3A_1205 = arith.constant 0 : i32
        %get3A_1206 = arith.index_cast %get3A_1205 : i32 to index
        %get3A_1207 = arith.index_cast %add3A_1204 : i32 to index
        %get3A_1208 = arith.constant 80 : index
        %get3A_1209 = tpu.vector_load %arg9[%get3A_1206, %get3A_1207, %get3A_1208] {strides = array<i32>} : memref<2x128x128xf32, #tpu.memory_space<vmem>>, vector<1x1x16xf32>,
        %get3A_1210 = vector.shape_cast %get3A_1209 : vector<1x1x16xf32> to vector<16xf32>
        %add3A_1211 = arith.addf %add3A_1200, %get3A_1210 : vector<16xf32>
        %mul3A_1212 = arith.constant 16 : i32
        %mul3A_1213 = arith.muli %scan3A_195, %mul3A_1212 : i32
        %add3A_1214 = arith.constant 11 : i32
        %add3A_1215 = arith.addi %mul3A_1213, %add3A_1214 : i32
        %get3A_1216 = arith.constant 0 : i32
        %get3A_1217 = arith.index_cast %get3A_1216 : i32 to index
        %get3A_1218 = arith.index_cast %add3A_1215 : i32 to index
        %get3A_1219 = arith.constant 80 : index
        %get3A_1220 = tpu.vector_load %arg9[%get3A_1217, %get3A_1218, %get3A_1219] {strides = array<i32>} : memref<2x128x128xf32, #tpu.memory_space<vmem>>, vector<1x1x16xf32>,
        %get3A_1221 = vector.shape_cast %get3A_1220 : vector<1x1x16xf32> to vector<16xf32>
        %add3A_1222 = arith.addf %add3A_1211, %get3A_1221 : vector<16xf32>
        %mul3A_1223 = arith.constant 16 : i32
        %mul3A_1224 = arith.muli %scan3A_195, %mul3A_1223 : i32
        %add3A_1225 = arith.constant 12 : i32
        %add3A_1226 = arith.addi %mul3A_1224, %add3A_1225 : i32
        %get3A_1227 = arith.constant 0 : i32
        %get3A_1228 = arith.index_cast %get3A_1227 : i32 to index
        %get3A_1229 = arith.index_cast %add3A_1226 : i32 to index
        %get3A_1230 = arith.constant 80 : index
        %get3A_1231 = tpu.vector_load %arg9[%get3A_1228, %get3A_1229, %get3A_1230] {strides = array<i32>} : memref<2x128x128xf32, #tpu.memory_space<vmem>>, vector<1x1x16xf32>,
        %get3A_1232 = vector.shape_cast %get3A_1231 : vector<1x1x16xf32> to vector<16xf32>
        %add3A_1233 = arith.addf %add3A_1222, %get3A_1232 : vector<16xf32>
        %mul3A_1234 = arith.constant 16 : i32
        %mul3A_1235 = arith.muli %scan3A_195, %mul3A_1234 : i32
        %add3A_1236 = arith.constant 13 : i32
        %add3A_1237 = arith.addi %mul3A_1235, %add3A_1236 : i32
        %get3A_1238 = arith.constant 0 : i32
        %get3A_1239 = arith.index_cast %get3A_1238 : i32 to index
        %get3A_1240 = arith.index_cast %add3A_1237 : i32 to index
        %get3A_1241 = arith.constant 80 : index
        %get3A_1242 = tpu.vector_load %arg9[%get3A_1239, %get3A_1240, %get3A_1241] {strides = array<i32>} : memref<2x128x128xf32, #tpu.memory_space<vmem>>, vector<1x1x16xf32>,
        %get3A_1243 = vector.shape_cast %get3A_1242 : vector<1x1x16xf32> to vector<16xf32>
        %add3A_1244 = arith.addf %add3A_1233, %get3A_1243 : vector<16xf32>
        %mul3A_1245 = arith.constant 16 : i32
        %mul3A_1246 = arith.muli %scan3A_195, %mul3A_1245 : i32
        %add3A_1247 = arith.constant 14 : i32
        %add3A_1248 = arith.addi %mul3A_1246, %add3A_1247 : i32
        %get3A_1249 = arith.constant 0 : i32
        %get3A_1250 = arith.index_cast %get3A_1249 : i32 to index
        %get3A_1251 = arith.index_cast %add3A_1248 : i32 to index
        %get3A_1252 = arith.constant 80 : index
        %get3A_1253 = tpu.vector_load %arg9[%get3A_1250, %get3A_1251, %get3A_1252] {strides = array<i32>} : memref<2x128x128xf32, #tpu.memory_space<vmem>>, vector<1x1x16xf32>,
        %get3A_1254 = vector.shape_cast %get3A_1253 : vector<1x1x16xf32> to vector<16xf32>
        %add3A_1255 = arith.addf %add3A_1244, %get3A_1254 : vector<16xf32>
        %mul3A_1256 = arith.constant 16 : i32
        %mul3A_1257 = arith.muli %scan3A_195, %mul3A_1256 : i32
        %add3A_1258 = arith.constant 15 : i32
        %add3A_1259 = arith.addi %mul3A_1257, %add3A_1258 : i32
        %get3A_1260 = arith.constant 0 : i32
        %get3A_1261 = arith.index_cast %get3A_1260 : i32 to index
        %get3A_1262 = arith.index_cast %add3A_1259 : i32 to index
        %get3A_1263 = arith.constant 80 : index
        %get3A_1264 = tpu.vector_load %arg9[%get3A_1261, %get3A_1262, %get3A_1263] {strides = array<i32>} : memref<2x128x128xf32, #tpu.memory_space<vmem>>, vector<1x1x16xf32>,
        %get3A_1265 = vector.shape_cast %get3A_1264 : vector<1x1x16xf32> to vector<16xf32>
        %add3A_1266 = arith.addf %add3A_1255, %get3A_1265 : vector<16xf32>
        %swap3A_1267 = arith.constant 0 : i32
        %swap3A_1268 = arith.index_cast %swap3A_1267 : i32 to index
        %swap3A_1269 = arith.index_cast %scan3A_195 : i32 to index
        %swap3A_1270 = arith.constant 80 : index
        %swap3A_1271 = tpu.vector_load %arg10[%swap3A_1268, %swap3A_1269, %swap3A_1270] {strides = array<i32>} : memref<2x8x128xf32, #tpu.memory_space<vmem>>, vector<1x1x16xf32>,
        %swap3A_1272 = vector.shape_cast %swap3A_1271 : vector<1x1x16xf32> to vector<16xf32>
        %swap3A_1273 = vector.shape_cast %add3A_1266 : vector<16xf32> to vector<1x1x16xf32>
        tpu.vector_store %arg10[%swap3A_1268, %swap3A_1269, %swap3A_1270], %swap3A_1273 {strides = array<i32>} : memref<2x8x128xf32, #tpu.memory_space<vmem>>, vector<1x1x16xf32>,
        %mul3A_1274 = arith.constant 16 : i32
        %mul3A_1275 = arith.muli %scan3A_195, %mul3A_1274 : i32
        %get3A_1276 = arith.constant 0 : i32
        %get3A_1277 = arith.index_cast %get3A_1276 : i32 to index
        %get3A_1278 = arith.index_cast %mul3A_1275 : i32 to index
        %get3A_1279 = arith.constant 96 : index
        %get3A_1280 = tpu.vector_load %arg9[%get3A_1277, %get3A_1278, %get3A_1279] {strides = array<i32>} : memref<2x128x128xf32, #tpu.memory_space<vmem>>, vector<1x1x16xf32>,
        %get3A_1281 = vector.shape_cast %get3A_1280 : vector<1x1x16xf32> to vector<16xf32>
        %mul3A_1282 = arith.constant 16 : i32
        %mul3A_1283 = arith.muli %scan3A_195, %mul3A_1282 : i32
        %add3A_1284 = arith.constant 1 : i32
        %add3A_1285 = arith.addi %mul3A_1283, %add3A_1284 : i32
        %get3A_1286 = arith.constant 0 : i32
        %get3A_1287 = arith.index_cast %get3A_1286 : i32 to index
        %get3A_1288 = arith.index_cast %add3A_1285 : i32 to index
        %get3A_1289 = arith.constant 96 : index
        %get3A_1290 = tpu.vector_load %arg9[%get3A_1287, %get3A_1288, %get3A_1289] {strides = array<i32>} : memref<2x128x128xf32, #tpu.memory_space<vmem>>, vector<1x1x16xf32>,
        %get3A_1291 = vector.shape_cast %get3A_1290 : vector<1x1x16xf32> to vector<16xf32>
        %add3A_1292 = arith.addf %get3A_1281, %get3A_1291 : vector<16xf32>
        %mul3A_1293 = arith.constant 16 : i32
        %mul3A_1294 = arith.muli %scan3A_195, %mul3A_1293 : i32
        %add3A_1295 = arith.constant 2 : i32
        %add3A_1296 = arith.addi %mul3A_1294, %add3A_1295 : i32
        %get3A_1297 = arith.constant 0 : i32
        %get3A_1298 = arith.index_cast %get3A_1297 : i32 to index
        %get3A_1299 = arith.index_cast %add3A_1296 : i32 to index
        %get3A_1300 = arith.constant 96 : index
        %get3A_1301 = tpu.vector_load %arg9[%get3A_1298, %get3A_1299, %get3A_1300] {strides = array<i32>} : memref<2x128x128xf32, #tpu.memory_space<vmem>>, vector<1x1x16xf32>,
        %get3A_1302 = vector.shape_cast %get3A_1301 : vector<1x1x16xf32> to vector<16xf32>
        %add3A_1303 = arith.addf %add3A_1292, %get3A_1302 : vector<16xf32>
        %mul3A_1304 = arith.constant 16 : i32
        %mul3A_1305 = arith.muli %scan3A_195, %mul3A_1304 : i32
        %add3A_1306 = arith.constant 3 : i32
        %add3A_1307 = arith.addi %mul3A_1305, %add3A_1306 : i32
        %get3A_1308 = arith.constant 0 : i32
        %get3A_1309 = arith.index_cast %get3A_1308 : i32 to index
        %get3A_1310 = arith.index_cast %add3A_1307 : i32 to index
        %get3A_1311 = arith.constant 96 : index
        %get3A_1312 = tpu.vector_load %arg9[%get3A_1309, %get3A_1310, %get3A_1311] {strides = array<i32>} : memref<2x128x128xf32, #tpu.memory_space<vmem>>, vector<1x1x16xf32>,
        %get3A_1313 = vector.shape_cast %get3A_1312 : vector<1x1x16xf32> to vector<16xf32>
        %add3A_1314 = arith.addf %add3A_1303, %get3A_1313 : vector<16xf32>
        %mul3A_1315 = arith.constant 16 : i32
        %mul3A_1316 = arith.muli %scan3A_195, %mul3A_1315 : i32
        %add3A_1317 = arith.constant 4 : i32
        %add3A_1318 = arith.addi %mul3A_1316, %add3A_1317 : i32
        %get3A_1319 = arith.constant 0 : i32
        %get3A_1320 = arith.index_cast %get3A_1319 : i32 to index
        %get3A_1321 = arith.index_cast %add3A_1318 : i32 to index
        %get3A_1322 = arith.constant 96 : index
        %get3A_1323 = tpu.vector_load %arg9[%get3A_1320, %get3A_1321, %get3A_1322] {strides = array<i32>} : memref<2x128x128xf32, #tpu.memory_space<vmem>>, vector<1x1x16xf32>,
        %get3A_1324 = vector.shape_cast %get3A_1323 : vector<1x1x16xf32> to vector<16xf32>
        %add3A_1325 = arith.addf %add3A_1314, %get3A_1324 : vector<16xf32>
        %mul3A_1326 = arith.constant 16 : i32
        %mul3A_1327 = arith.muli %scan3A_195, %mul3A_1326 : i32
        %add3A_1328 = arith.constant 5 : i32
        %add3A_1329 = arith.addi %mul3A_1327, %add3A_1328 : i32
        %get3A_1330 = arith.constant 0 : i32
        %get3A_1331 = arith.index_cast %get3A_1330 : i32 to index
        %get3A_1332 = arith.index_cast %add3A_1329 : i32 to index
        %get3A_1333 = arith.constant 96 : index
        %get3A_1334 = tpu.vector_load %arg9[%get3A_1331, %get3A_1332, %get3A_1333] {strides = array<i32>} : memref<2x128x128xf32, #tpu.memory_space<vmem>>, vector<1x1x16xf32>,
        %get3A_1335 = vector.shape_cast %get3A_1334 : vector<1x1x16xf32> to vector<16xf32>
        %add3A_1336 = arith.addf %add3A_1325, %get3A_1335 : vector<16xf32>
        %mul3A_1337 = arith.constant 16 : i32
        %mul3A_1338 = arith.muli %scan3A_195, %mul3A_1337 : i32
        %add3A_1339 = arith.constant 6 : i32
        %add3A_1340 = arith.addi %mul3A_1338, %add3A_1339 : i32
        %get3A_1341 = arith.constant 0 : i32
        %get3A_1342 = arith.index_cast %get3A_1341 : i32 to index
        %get3A_1343 = arith.index_cast %add3A_1340 : i32 to index
        %get3A_1344 = arith.constant 96 : index
        %get3A_1345 = tpu.vector_load %arg9[%get3A_1342, %get3A_1343, %get3A_1344] {strides = array<i32>} : memref<2x128x128xf32, #tpu.memory_space<vmem>>, vector<1x1x16xf32>,
        %get3A_1346 = vector.shape_cast %get3A_1345 : vector<1x1x16xf32> to vector<16xf32>
        %add3A_1347 = arith.addf %add3A_1336, %get3A_1346 : vector<16xf32>
        %mul3A_1348 = arith.constant 16 : i32
        %mul3A_1349 = arith.muli %scan3A_195, %mul3A_1348 : i32
        %add3A_1350 = arith.constant 7 : i32
        %add3A_1351 = arith.addi %mul3A_1349, %add3A_1350 : i32
        %get3A_1352 = arith.constant 0 : i32
        %get3A_1353 = arith.index_cast %get3A_1352 : i32 to index
        %get3A_1354 = arith.index_cast %add3A_1351 : i32 to index
        %get3A_1355 = arith.constant 96 : index
        %get3A_1356 = tpu.vector_load %arg9[%get3A_1353, %get3A_1354, %get3A_1355] {strides = array<i32>} : memref<2x128x128xf32, #tpu.memory_space<vmem>>, vector<1x1x16xf32>,
        %get3A_1357 = vector.shape_cast %get3A_1356 : vector<1x1x16xf32> to vector<16xf32>
        %add3A_1358 = arith.addf %add3A_1347, %get3A_1357 : vector<16xf32>
        %mul3A_1359 = arith.constant 16 : i32
        %mul3A_1360 = arith.muli %scan3A_195, %mul3A_1359 : i32
        %add3A_1361 = arith.constant 8 : i32
        %add3A_1362 = arith.addi %mul3A_1360, %add3A_1361 : i32
        %get3A_1363 = arith.constant 0 : i32
        %get3A_1364 = arith.index_cast %get3A_1363 : i32 to index
        %get3A_1365 = arith.index_cast %add3A_1362 : i32 to index
        %get3A_1366 = arith.constant 96 : index
        %get3A_1367 = tpu.vector_load %arg9[%get3A_1364, %get3A_1365, %get3A_1366] {strides = array<i32>} : memref<2x128x128xf32, #tpu.memory_space<vmem>>, vector<1x1x16xf32>,
        %get3A_1368 = vector.shape_cast %get3A_1367 : vector<1x1x16xf32> to vector<16xf32>
        %add3A_1369 = arith.addf %add3A_1358, %get3A_1368 : vector<16xf32>
        %mul3A_1370 = arith.constant 16 : i32
        %mul3A_1371 = arith.muli %scan3A_195, %mul3A_1370 : i32
        %add3A_1372 = arith.constant 9 : i32
        %add3A_1373 = arith.addi %mul3A_1371, %add3A_1372 : i32
        %get3A_1374 = arith.constant 0 : i32
        %get3A_1375 = arith.index_cast %get3A_1374 : i32 to index
        %get3A_1376 = arith.index_cast %add3A_1373 : i32 to index
        %get3A_1377 = arith.constant 96 : index
        %get3A_1378 = tpu.vector_load %arg9[%get3A_1375, %get3A_1376, %get3A_1377] {strides = array<i32>} : memref<2x128x128xf32, #tpu.memory_space<vmem>>, vector<1x1x16xf32>,
        %get3A_1379 = vector.shape_cast %get3A_1378 : vector<1x1x16xf32> to vector<16xf32>
        %add3A_1380 = arith.addf %add3A_1369, %get3A_1379 : vector<16xf32>
        %mul3A_1381 = arith.constant 16 : i32
        %mul3A_1382 = arith.muli %scan3A_195, %mul3A_1381 : i32
        %add3A_1383 = arith.constant 10 : i32
        %add3A_1384 = arith.addi %mul3A_1382, %add3A_1383 : i32
        %get3A_1385 = arith.constant 0 : i32
        %get3A_1386 = arith.index_cast %get3A_1385 : i32 to index
        %get3A_1387 = arith.index_cast %add3A_1384 : i32 to index
        %get3A_1388 = arith.constant 96 : index
        %get3A_1389 = tpu.vector_load %arg9[%get3A_1386, %get3A_1387, %get3A_1388] {strides = array<i32>} : memref<2x128x128xf32, #tpu.memory_space<vmem>>, vector<1x1x16xf32>,
        %get3A_1390 = vector.shape_cast %get3A_1389 : vector<1x1x16xf32> to vector<16xf32>
        %add3A_1391 = arith.addf %add3A_1380, %get3A_1390 : vector<16xf32>
        %mul3A_1392 = arith.constant 16 : i32
        %mul3A_1393 = arith.muli %scan3A_195, %mul3A_1392 : i32
        %add3A_1394 = arith.constant 11 : i32
        %add3A_1395 = arith.addi %mul3A_1393, %add3A_1394 : i32
        %get3A_1396 = arith.constant 0 : i32
        %get3A_1397 = arith.index_cast %get3A_1396 : i32 to index
        %get3A_1398 = arith.index_cast %add3A_1395 : i32 to index
        %get3A_1399 = arith.constant 96 : index
        %get3A_1400 = tpu.vector_load %arg9[%get3A_1397, %get3A_1398, %get3A_1399] {strides = array<i32>} : memref<2x128x128xf32, #tpu.memory_space<vmem>>, vector<1x1x16xf32>,
        %get3A_1401 = vector.shape_cast %get3A_1400 : vector<1x1x16xf32> to vector<16xf32>
        %add3A_1402 = arith.addf %add3A_1391, %get3A_1401 : vector<16xf32>
        %mul3A_1403 = arith.constant 16 : i32
        %mul3A_1404 = arith.muli %scan3A_195, %mul3A_1403 : i32
        %add3A_1405 = arith.constant 12 : i32
        %add3A_1406 = arith.addi %mul3A_1404, %add3A_1405 : i32
        %get3A_1407 = arith.constant 0 : i32
        %get3A_1408 = arith.index_cast %get3A_1407 : i32 to index
        %get3A_1409 = arith.index_cast %add3A_1406 : i32 to index
        %get3A_1410 = arith.constant 96 : index
        %get3A_1411 = tpu.vector_load %arg9[%get3A_1408, %get3A_1409, %get3A_1410] {strides = array<i32>} : memref<2x128x128xf32, #tpu.memory_space<vmem>>, vector<1x1x16xf32>,
        %get3A_1412 = vector.shape_cast %get3A_1411 : vector<1x1x16xf32> to vector<16xf32>
        %add3A_1413 = arith.addf %add3A_1402, %get3A_1412 : vector<16xf32>
        %mul3A_1414 = arith.constant 16 : i32
        %mul3A_1415 = arith.muli %scan3A_195, %mul3A_1414 : i32
        %add3A_1416 = arith.constant 13 : i32
        %add3A_1417 = arith.addi %mul3A_1415, %add3A_1416 : i32
        %get3A_1418 = arith.constant 0 : i32
        %get3A_1419 = arith.index_cast %get3A_1418 : i32 to index
        %get3A_1420 = arith.index_cast %add3A_1417 : i32 to index
        %get3A_1421 = arith.constant 96 : index
        %get3A_1422 = tpu.vector_load %arg9[%get3A_1419, %get3A_1420, %get3A_1421] {strides = array<i32>} : memref<2x128x128xf32, #tpu.memory_space<vmem>>, vector<1x1x16xf32>,
        %get3A_1423 = vector.shape_cast %get3A_1422 : vector<1x1x16xf32> to vector<16xf32>
        %add3A_1424 = arith.addf %add3A_1413, %get3A_1423 : vector<16xf32>
        %mul3A_1425 = arith.constant 16 : i32
        %mul3A_1426 = arith.muli %scan3A_195, %mul3A_1425 : i32
        %add3A_1427 = arith.constant 14 : i32
        %add3A_1428 = arith.addi %mul3A_1426, %add3A_1427 : i32
        %get3A_1429 = arith.constant 0 : i32
        %get3A_1430 = arith.index_cast %get3A_1429 : i32 to index
        %get3A_1431 = arith.index_cast %add3A_1428 : i32 to index
        %get3A_1432 = arith.constant 96 : index
        %get3A_1433 = tpu.vector_load %arg9[%get3A_1430, %get3A_1431, %get3A_1432] {strides = array<i32>} : memref<2x128x128xf32, #tpu.memory_space<vmem>>, vector<1x1x16xf32>,
        %get3A_1434 = vector.shape_cast %get3A_1433 : vector<1x1x16xf32> to vector<16xf32>
        %add3A_1435 = arith.addf %add3A_1424, %get3A_1434 : vector<16xf32>
        %mul3A_1436 = arith.constant 16 : i32
        %mul3A_1437 = arith.muli %scan3A_195, %mul3A_1436 : i32
        %add3A_1438 = arith.constant 15 : i32
        %add3A_1439 = arith.addi %mul3A_1437, %add3A_1438 : i32
        %get3A_1440 = arith.constant 0 : i32
        %get3A_1441 = arith.index_cast %get3A_1440 : i32 to index
        %get3A_1442 = arith.index_cast %add3A_1439 : i32 to index
        %get3A_1443 = arith.constant 96 : index
        %get3A_1444 = tpu.vector_load %arg9[%get3A_1441, %get3A_1442, %get3A_1443] {strides = array<i32>} : memref<2x128x128xf32, #tpu.memory_space<vmem>>, vector<1x1x16xf32>,
        %get3A_1445 = vector.shape_cast %get3A_1444 : vector<1x1x16xf32> to vector<16xf32>
        %add3A_1446 = arith.addf %add3A_1435, %get3A_1445 : vector<16xf32>
        %swap3A_1447 = arith.constant 0 : i32
        %swap3A_1448 = arith.index_cast %swap3A_1447 : i32 to index
        %swap3A_1449 = arith.index_cast %scan3A_195 : i32 to index
        %swap3A_1450 = arith.constant 96 : index
        %swap3A_1451 = tpu.vector_load %arg10[%swap3A_1448, %swap3A_1449, %swap3A_1450] {strides = array<i32>} : memref<2x8x128xf32, #tpu.memory_space<vmem>>, vector<1x1x16xf32>,
        %swap3A_1452 = vector.shape_cast %swap3A_1451 : vector<1x1x16xf32> to vector<16xf32>
        %swap3A_1453 = vector.shape_cast %add3A_1446 : vector<16xf32> to vector<1x1x16xf32>
        tpu.vector_store %arg10[%swap3A_1448, %swap3A_1449, %swap3A_1450], %swap3A_1453 {strides = array<i32>} : memref<2x8x128xf32, #tpu.memory_space<vmem>>, vector<1x1x16xf32>,
        %mul3A_1454 = arith.constant 16 : i32
        %mul3A_1455 = arith.muli %scan3A_195, %mul3A_1454 : i32
        %get3A_1456 = arith.constant 0 : i32
        %get3A_1457 = arith.index_cast %get3A_1456 : i32 to index
        %get3A_1458 = arith.index_cast %mul3A_1455 : i32 to index
        %get3A_1459 = arith.constant 112 : index
        %get3A_1460 = tpu.vector_load %arg9[%get3A_1457, %get3A_1458, %get3A_1459] {strides = array<i32>} : memref<2x128x128xf32, #tpu.memory_space<vmem>>, vector<1x1x16xf32>,
        %get3A_1461 = vector.shape_cast %get3A_1460 : vector<1x1x16xf32> to vector<16xf32>
        %mul3A_1462 = arith.constant 16 : i32
        %mul3A_1463 = arith.muli %scan3A_195, %mul3A_1462 : i32
        %add3A_1464 = arith.constant 1 : i32
        %add3A_1465 = arith.addi %mul3A_1463, %add3A_1464 : i32
        %get3A_1466 = arith.constant 0 : i32
        %get3A_1467 = arith.index_cast %get3A_1466 : i32 to index
        %get3A_1468 = arith.index_cast %add3A_1465 : i32 to index
        %get3A_1469 = arith.constant 112 : index
        %get3A_1470 = tpu.vector_load %arg9[%get3A_1467, %get3A_1468, %get3A_1469] {strides = array<i32>} : memref<2x128x128xf32, #tpu.memory_space<vmem>>, vector<1x1x16xf32>,
        %get3A_1471 = vector.shape_cast %get3A_1470 : vector<1x1x16xf32> to vector<16xf32>
        %add3A_1472 = arith.addf %get3A_1461, %get3A_1471 : vector<16xf32>
        %mul3A_1473 = arith.constant 16 : i32
        %mul3A_1474 = arith.muli %scan3A_195, %mul3A_1473 : i32
        %add3A_1475 = arith.constant 2 : i32
        %add3A_1476 = arith.addi %mul3A_1474, %add3A_1475 : i32
        %get3A_1477 = arith.constant 0 : i32
        %get3A_1478 = arith.index_cast %get3A_1477 : i32 to index
        %get3A_1479 = arith.index_cast %add3A_1476 : i32 to index
        %get3A_1480 = arith.constant 112 : index
        %get3A_1481 = tpu.vector_load %arg9[%get3A_1478, %get3A_1479, %get3A_1480] {strides = array<i32>} : memref<2x128x128xf32, #tpu.memory_space<vmem>>, vector<1x1x16xf32>,
        %get3A_1482 = vector.shape_cast %get3A_1481 : vector<1x1x16xf32> to vector<16xf32>
        %add3A_1483 = arith.addf %add3A_1472, %get3A_1482 : vector<16xf32>
        %mul3A_1484 = arith.constant 16 : i32
        %mul3A_1485 = arith.muli %scan3A_195, %mul3A_1484 : i32
        %add3A_1486 = arith.constant 3 : i32
        %add3A_1487 = arith.addi %mul3A_1485, %add3A_1486 : i32
        %get3A_1488 = arith.constant 0 : i32
        %get3A_1489 = arith.index_cast %get3A_1488 : i32 to index
        %get3A_1490 = arith.index_cast %add3A_1487 : i32 to index
        %get3A_1491 = arith.constant 112 : index
        %get3A_1492 = tpu.vector_load %arg9[%get3A_1489, %get3A_1490, %get3A_1491] {strides = array<i32>} : memref<2x128x128xf32, #tpu.memory_space<vmem>>, vector<1x1x16xf32>,
        %get3A_1493 = vector.shape_cast %get3A_1492 : vector<1x1x16xf32> to vector<16xf32>
        %add3A_1494 = arith.addf %add3A_1483, %get3A_1493 : vector<16xf32>
        %mul3A_1495 = arith.constant 16 : i32
        %mul3A_1496 = arith.muli %scan3A_195, %mul3A_1495 : i32
        %add3A_1497 = arith.constant 4 : i32
        %add3A_1498 = arith.addi %mul3A_1496, %add3A_1497 : i32
        %get3A_1499 = arith.constant 0 : i32
        %get3A_1500 = arith.index_cast %get3A_1499 : i32 to index
        %get3A_1501 = arith.index_cast %add3A_1498 : i32 to index
        %get3A_1502 = arith.constant 112 : index
        %get3A_1503 = tpu.vector_load %arg9[%get3A_1500, %get3A_1501, %get3A_1502] {strides = array<i32>} : memref<2x128x128xf32, #tpu.memory_space<vmem>>, vector<1x1x16xf32>,
        %get3A_1504 = vector.shape_cast %get3A_1503 : vector<1x1x16xf32> to vector<16xf32>
        %add3A_1505 = arith.addf %add3A_1494, %get3A_1504 : vector<16xf32>
        %mul3A_1506 = arith.constant 16 : i32
        %mul3A_1507 = arith.muli %scan3A_195, %mul3A_1506 : i32
        %add3A_1508 = arith.constant 5 : i32
        %add3A_1509 = arith.addi %mul3A_1507, %add3A_1508 : i32
        %get3A_1510 = arith.constant 0 : i32
        %get3A_1511 = arith.index_cast %get3A_1510 : i32 to index
        %get3A_1512 = arith.index_cast %add3A_1509 : i32 to index
        %get3A_1513 = arith.constant 112 : index
        %get3A_1514 = tpu.vector_load %arg9[%get3A_1511, %get3A_1512, %get3A_1513] {strides = array<i32>} : memref<2x128x128xf32, #tpu.memory_space<vmem>>, vector<1x1x16xf32>,
        %get3A_1515 = vector.shape_cast %get3A_1514 : vector<1x1x16xf32> to vector<16xf32>
        %add3A_1516 = arith.addf %add3A_1505, %get3A_1515 : vector<16xf32>
        %mul3A_1517 = arith.constant 16 : i32
        %mul3A_1518 = arith.muli %scan3A_195, %mul3A_1517 : i32
        %add3A_1519 = arith.constant 6 : i32
        %add3A_1520 = arith.addi %mul3A_1518, %add3A_1519 : i32
        %get3A_1521 = arith.constant 0 : i32
        %get3A_1522 = arith.index_cast %get3A_1521 : i32 to index
        %get3A_1523 = arith.index_cast %add3A_1520 : i32 to index
        %get3A_1524 = arith.constant 112 : index
        %get3A_1525 = tpu.vector_load %arg9[%get3A_1522, %get3A_1523, %get3A_1524] {strides = array<i32>} : memref<2x128x128xf32, #tpu.memory_space<vmem>>, vector<1x1x16xf32>,
        %get3A_1526 = vector.shape_cast %get3A_1525 : vector<1x1x16xf32> to vector<16xf32>
        %add3A_1527 = arith.addf %add3A_1516, %get3A_1526 : vector<16xf32>
        %mul3A_1528 = arith.constant 16 : i32
        %mul3A_1529 = arith.muli %scan3A_195, %mul3A_1528 : i32
        %add3A_1530 = arith.constant 7 : i32
        %add3A_1531 = arith.addi %mul3A_1529, %add3A_1530 : i32
        %get3A_1532 = arith.constant 0 : i32
        %get3A_1533 = arith.index_cast %get3A_1532 : i32 to index
        %get3A_1534 = arith.index_cast %add3A_1531 : i32 to index
        %get3A_1535 = arith.constant 112 : index
        %get3A_1536 = tpu.vector_load %arg9[%get3A_1533, %get3A_1534, %get3A_1535] {strides = array<i32>} : memref<2x128x128xf32, #tpu.memory_space<vmem>>, vector<1x1x16xf32>,
        %get3A_1537 = vector.shape_cast %get3A_1536 : vector<1x1x16xf32> to vector<16xf32>
        %add3A_1538 = arith.addf %add3A_1527, %get3A_1537 : vector<16xf32>
        %mul3A_1539 = arith.constant 16 : i32
        %mul3A_1540 = arith.muli %scan3A_195, %mul3A_1539 : i32
        %add3A_1541 = arith.constant 8 : i32
        %add3A_1542 = arith.addi %mul3A_1540, %add3A_1541 : i32
        %get3A_1543 = arith.constant 0 : i32
        %get3A_1544 = arith.index_cast %get3A_1543 : i32 to index
        %get3A_1545 = arith.index_cast %add3A_1542 : i32 to index
        %get3A_1546 = arith.constant 112 : index
        %get3A_1547 = tpu.vector_load %arg9[%get3A_1544, %get3A_1545, %get3A_1546] {strides = array<i32>} : memref<2x128x128xf32, #tpu.memory_space<vmem>>, vector<1x1x16xf32>,
        %get3A_1548 = vector.shape_cast %get3A_1547 : vector<1x1x16xf32> to vector<16xf32>
        %add3A_1549 = arith.addf %add3A_1538, %get3A_1548 : vector<16xf32>
        %mul3A_1550 = arith.constant 16 : i32
        %mul3A_1551 = arith.muli %scan3A_195, %mul3A_1550 : i32
        %add3A_1552 = arith.constant 9 : i32
        %add3A_1553 = arith.addi %mul3A_1551, %add3A_1552 : i32
        %get3A_1554 = arith.constant 0 : i32
        %get3A_1555 = arith.index_cast %get3A_1554 : i32 to index
        %get3A_1556 = arith.index_cast %add3A_1553 : i32 to index
        %get3A_1557 = arith.constant 112 : index
        %get3A_1558 = tpu.vector_load %arg9[%get3A_1555, %get3A_1556, %get3A_1557] {strides = array<i32>} : memref<2x128x128xf32, #tpu.memory_space<vmem>>, vector<1x1x16xf32>,
        %get3A_1559 = vector.shape_cast %get3A_1558 : vector<1x1x16xf32> to vector<16xf32>
        %add3A_1560 = arith.addf %add3A_1549, %get3A_1559 : vector<16xf32>
        %mul3A_1561 = arith.constant 16 : i32
        %mul3A_1562 = arith.muli %scan3A_195, %mul3A_1561 : i32
        %add3A_1563 = arith.constant 10 : i32
        %add3A_1564 = arith.addi %mul3A_1562, %add3A_1563 : i32
        %get3A_1565 = arith.constant 0 : i32
        %get3A_1566 = arith.index_cast %get3A_1565 : i32 to index
        %get3A_1567 = arith.index_cast %add3A_1564 : i32 to index
        %get3A_1568 = arith.constant 112 : index
        %get3A_1569 = tpu.vector_load %arg9[%get3A_1566, %get3A_1567, %get3A_1568] {strides = array<i32>} : memref<2x128x128xf32, #tpu.memory_space<vmem>>, vector<1x1x16xf32>,
        %get3A_1570 = vector.shape_cast %get3A_1569 : vector<1x1x16xf32> to vector<16xf32>
        %add3A_1571 = arith.addf %add3A_1560, %get3A_1570 : vector<16xf32>
        %mul3A_1572 = arith.constant 16 : i32
        %mul3A_1573 = arith.muli %scan3A_195, %mul3A_1572 : i32
        %add3A_1574 = arith.constant 11 : i32
        %add3A_1575 = arith.addi %mul3A_1573, %add3A_1574 : i32
        %get3A_1576 = arith.constant 0 : i32
        %get3A_1577 = arith.index_cast %get3A_1576 : i32 to index
        %get3A_1578 = arith.index_cast %add3A_1575 : i32 to index
        %get3A_1579 = arith.constant 112 : index
        %get3A_1580 = tpu.vector_load %arg9[%get3A_1577, %get3A_1578, %get3A_1579] {strides = array<i32>} : memref<2x128x128xf32, #tpu.memory_space<vmem>>, vector<1x1x16xf32>,
        %get3A_1581 = vector.shape_cast %get3A_1580 : vector<1x1x16xf32> to vector<16xf32>
        %add3A_1582 = arith.addf %add3A_1571, %get3A_1581 : vector<16xf32>
        %mul3A_1583 = arith.constant 16 : i32
        %mul3A_1584 = arith.muli %scan3A_195, %mul3A_1583 : i32
        %add3A_1585 = arith.constant 12 : i32
        %add3A_1586 = arith.addi %mul3A_1584, %add3A_1585 : i32
        %get3A_1587 = arith.constant 0 : i32
        %get3A_1588 = arith.index_cast %get3A_1587 : i32 to index
        %get3A_1589 = arith.index_cast %add3A_1586 : i32 to index
        %get3A_1590 = arith.constant 112 : index
        %get3A_1591 = tpu.vector_load %arg9[%get3A_1588, %get3A_1589, %get3A_1590] {strides = array<i32>} : memref<2x128x128xf32, #tpu.memory_space<vmem>>, vector<1x1x16xf32>,
        %get3A_1592 = vector.shape_cast %get3A_1591 : vector<1x1x16xf32> to vector<16xf32>
        %add3A_1593 = arith.addf %add3A_1582, %get3A_1592 : vector<16xf32>
        %mul3A_1594 = arith.constant 16 : i32
        %mul3A_1595 = arith.muli %scan3A_195, %mul3A_1594 : i32
        %add3A_1596 = arith.constant 13 : i32
        %add3A_1597 = arith.addi %mul3A_1595, %add3A_1596 : i32
        %get3A_1598 = arith.constant 0 : i32
        %get3A_1599 = arith.index_cast %get3A_1598 : i32 to index
        %get3A_1600 = arith.index_cast %add3A_1597 : i32 to index
        %get3A_1601 = arith.constant 112 : index
        %get3A_1602 = tpu.vector_load %arg9[%get3A_1599, %get3A_1600, %get3A_1601] {strides = array<i32>} : memref<2x128x128xf32, #tpu.memory_space<vmem>>, vector<1x1x16xf32>,
        %get3A_1603 = vector.shape_cast %get3A_1602 : vector<1x1x16xf32> to vector<16xf32>
        %add3A_1604 = arith.addf %add3A_1593, %get3A_1603 : vector<16xf32>
        %mul3A_1605 = arith.constant 16 : i32
        %mul3A_1606 = arith.muli %scan3A_195, %mul3A_1605 : i32
        %add3A_1607 = arith.constant 14 : i32
        %add3A_1608 = arith.addi %mul3A_1606, %add3A_1607 : i32
        %get3A_1609 = arith.constant 0 : i32
        %get3A_1610 = arith.index_cast %get3A_1609 : i32 to index
        %get3A_1611 = arith.index_cast %add3A_1608 : i32 to index
        %get3A_1612 = arith.constant 112 : index
        %get3A_1613 = tpu.vector_load %arg9[%get3A_1610, %get3A_1611, %get3A_1612] {strides = array<i32>} : memref<2x128x128xf32, #tpu.memory_space<vmem>>, vector<1x1x16xf32>,
        %get3A_1614 = vector.shape_cast %get3A_1613 : vector<1x1x16xf32> to vector<16xf32>
        %add3A_1615 = arith.addf %add3A_1604, %get3A_1614 : vector<16xf32>
        %mul3A_1616 = arith.constant 16 : i32
        %mul3A_1617 = arith.muli %scan3A_195, %mul3A_1616 : i32
        %add3A_1618 = arith.constant 15 : i32
        %add3A_1619 = arith.addi %mul3A_1617, %add3A_1618 : i32
        %get3A_1620 = arith.constant 0 : i32
        %get3A_1621 = arith.index_cast %get3A_1620 : i32 to index
        %get3A_1622 = arith.index_cast %add3A_1619 : i32 to index
        %get3A_1623 = arith.constant 112 : index
        %get3A_1624 = tpu.vector_load %arg9[%get3A_1621, %get3A_1622, %get3A_1623] {strides = array<i32>} : memref<2x128x128xf32, #tpu.memory_space<vmem>>, vector<1x1x16xf32>,
        %get3A_1625 = vector.shape_cast %get3A_1624 : vector<1x1x16xf32> to vector<16xf32>
        %add3A_1626 = arith.addf %add3A_1615, %get3A_1625 : vector<16xf32>
        %swap3A_1627 = arith.constant 0 : i32
        %swap3A_1628 = arith.index_cast %swap3A_1627 : i32 to index
        %swap3A_1629 = arith.index_cast %scan3A_195 : i32 to index
        %swap3A_1630 = arith.constant 112 : index
        %swap3A_1631 = tpu.vector_load %arg10[%swap3A_1628, %swap3A_1629, %swap3A_1630] {strides = array<i32>} : memref<2x8x128xf32, #tpu.memory_space<vmem>>, vector<1x1x16xf32>,
        %swap3A_1632 = vector.shape_cast %swap3A_1631 : vector<1x1x16xf32> to vector<16xf32>
        %swap3A_1633 = vector.shape_cast %add3A_1626 : vector<16xf32> to vector<1x1x16xf32>
        tpu.vector_store %arg10[%swap3A_1628, %swap3A_1629, %swap3A_1630], %swap3A_1633 {strides = array<i32>} : memref<2x8x128xf32, #tpu.memory_space<vmem>>, vector<1x1x16xf32>,
      }
      %scan3A_117 = arith.constant 8 : i32
      %mul3A_118 = arith.constant 8 : i32
      %mul3A_119 = arith.muli %mul3A_93, %mul3A_118 : i32
      %add3A_120 = arith.addi %mul3A_2, %mul3A_119 : i32
      %dma_start3A_121 = arith.constant 0 : i32
      %dma_start3A_122 = arith.constant 0 : i32
      %dma_start3A_123 = arith.constant 0 : i32
      %dma_start3A_124 = arith.constant 0 : i32
      %dma_start3A_125 = tpu.memref_slice %arg10[%dma_start3A_121, %dma_start3A_123, %dma_start3A_124] : memref<2x8x128xf32, #tpu.memory_space<vmem>> -> memref<1x8x128xf32, #tpu.memory_space<vmem>>
      %dma_start3A_126 = tpu.memref_squeeze %dma_start3A_125 : memref<1x8x128xf32, #tpu.memory_space<vmem>> -> memref<8x128xf32, #tpu.memory_space<vmem>>
      %dma_start3A_127 = arith.constant 0 : i32
      %dma_start3A_128 = tpu.memref_slice %arg6[%add3A_120, %dma_start3A_127] : memref<32768x128xf32, #tpu.memory_space<hbm>> -> memref<8x128xf32, #tpu.memory_space<hbm>>
      %dma_start3A_129 = tpu.memref_slice %arg13[%dma_start3A_122] : memref<2x!tpu.dma_semaphore, #tpu.memory_space<semaphore_mem>> -> memref<1x!tpu.dma_semaphore, #tpu.memory_space<semaphore_mem>>
      %dma_start3A_130 = tpu.memref_squeeze %dma_start3A_129 : memref<1x!tpu.dma_semaphore, #tpu.memory_space<semaphore_mem>> -> memref<!tpu.dma_semaphore, #tpu.memory_space<semaphore_mem>>
      %dma_start3A_131 = arith.constant 0 : i32
      %dma_start3A_132 = tpu.memref_slice %arg6[%add3A_120, %dma_start3A_131] : memref<32768x128xf32, #tpu.memory_space<hbm>> -> memref<8x128xf32, #tpu.memory_space<hbm>>
      %dma_start3A_133 = arith.constant 0 : i32
      %dma_start3A_134 = arith.constant 0 : i32
      %dma_start3A_135 = tpu.memref_slice %arg10[%dma_start3A_121, %dma_start3A_133, %dma_start3A_134] : memref<2x8x128xf32, #tpu.memory_space<vmem>> -> memref<1x8x128xf32, #tpu.memory_space<vmem>>
      %dma_start3A_136 = tpu.memref_squeeze %dma_start3A_135 : memref<1x8x128xf32, #tpu.memory_space<vmem>> -> memref<8x128xf32, #tpu.memory_space<vmem>>
      tpu.enqueue_dma source(%dma_start3A_136 : memref<8x128xf32, #tpu.memory_space<vmem>>) target(%dma_start3A_132 : memref<8x128xf32, #tpu.memory_space<hbm>>) target_semaphore(%dma_start3A_130 : memref<!tpu.dma_semaphore, #tpu.memory_space<semaphore_mem>>)
      %lt3A_137 = arith.constant 63 : i32
      %lt3A_138 = arith.cmpi slt, %scan3A_79, %lt3A_137 : i32
      %convert_element_type3A_139 = arith.extui %lt3A_138 : i1 to i32
      %cond3A_140 = arith.constant 0 : i32
      %cond3A_141 = arith.cmpi ne, %convert_element_type3A_139, %cond3A_140 : i32
      scf.if %cond3A_141 {
        %add3A_195 = arith.constant 2 : i32
        %add3A_196 = arith.addi %mul3A_93, %add3A_195 : i32
        %dma_start3A_197 = arith.constant 0 : i32
        %dma_start3A_198 = arith.constant 0 : i32
        %dma_start3A_199 = arith.constant 0 : i32
        %dma_start3A_200 = arith.constant 0 : i32
        %dma_start3A_201 = tpu.memref_slice %arg9[%dma_start3A_197, %dma_start3A_199, %dma_start3A_200] : memref<2x128x128xf32, #tpu.memory_space<vmem>> -> memref<1x128x128xf32, #tpu.memory_space<vmem>>
        %dma_start3A_202 = tpu.memref_squeeze %dma_start3A_201 : memref<1x128x128xf32, #tpu.memory_space<vmem>> -> memref<128x128xf32, #tpu.memory_space<vmem>>
        %dma_start3A_203 = arith.constant 0 : i32
        %dma_start3A_204 = tpu.memref_slice %arg7[%add3A_196, %dma_start3A_203] : memref<128x128xi32, #tpu.memory_space<vmem>> -> memref<1x128xi32, #tpu.memory_space<vmem>>
        %dma_start3A_205 = tpu.memref_squeeze %dma_start3A_204 : memref<1x128xi32, #tpu.memory_space<vmem>> -> memref<128xi32, #tpu.memory_space<vmem>>
        %dma_start3A_206 = arith.constant 0 : i32
        %dma_start3A_207 = arith.constant 0 : i32
        %dma_start3A_208 = tpu.memref_slice %arg2[%dma_start3A_206, %dma_start3A_207] : memref<100001x128xf32, #tpu.memory_space<hbm>> -> memref<100001x128xf32, #tpu.memory_space<hbm>>
        %dma_start3A_209 = tpu.memref_slice %arg12[%dma_start3A_198] : memref<2x!tpu.dma_semaphore, #tpu.memory_space<semaphore_mem>> -> memref<1x!tpu.dma_semaphore, #tpu.memory_space<semaphore_mem>>
        %dma_start3A_210 = tpu.memref_squeeze %dma_start3A_209 : memref<1x!tpu.dma_semaphore, #tpu.memory_space<semaphore_mem>> -> memref<!tpu.dma_semaphore, #tpu.memory_space<semaphore_mem>>
        tpu.enqueue_indirect_dma source(%dma_start3A_208 : memref<100001x128xf32, #tpu.memory_space<hbm>>) target(%dma_start3A_202 : memref<128x128xf32, #tpu.memory_space<vmem>>) offsets(%dma_start3A_205 : memref<128xi32, #tpu.memory_space<vmem>>) semaphore(%dma_start3A_210 : memref<!tpu.dma_semaphore, #tpu.memory_space<semaphore_mem>>)
      } else {
      }
      %mul3A_142 = arith.constant 2 : i32
      %mul3A_143 = arith.muli %mul3A_142, %scan3A_79 : i32
      %add3A_144 = arith.constant 1 : i32
      %add3A_145 = arith.addi %mul3A_143, %add3A_144 : i32
      %dma_wait3A_146 = arith.constant 1 : i32
      %dma_wait3A_147 = arith.constant 1 : i32
      %dma_wait3A_148 = arith.constant 0 : i32
      %dma_wait3A_149 = arith.constant 0 : i32
      %dma_wait3A_150 = tpu.memref_slice %arg9[%dma_wait3A_146, %dma_wait3A_148, %dma_wait3A_149] : memref<2x128x128xf32, #tpu.memory_space<vmem>> -> memref<1x128x128xf32, #tpu.memory_space<vmem>>
      %dma_wait3A_151 = tpu.memref_squeeze %dma_wait3A_150 : memref<1x128x128xf32, #tpu.memory_space<vmem>> -> memref<128x128xf32, #tpu.memory_space<vmem>>
      %dma_wait3A_152 = arith.constant 0 : i32
      %dma_wait3A_153 = tpu.memref_slice %arg7[%add3A_145, %dma_wait3A_152] : memref<128x128xi32, #tpu.memory_space<vmem>> -> memref<1x128xi32, #tpu.memory_space<vmem>>
      %dma_wait3A_154 = tpu.memref_squeeze %dma_wait3A_153 : memref<1x128xi32, #tpu.memory_space<vmem>> -> memref<128xi32, #tpu.memory_space<vmem>>
      %dma_wait3A_155 = arith.constant 0 : i32
      %dma_wait3A_156 = arith.constant 0 : i32
      %dma_wait3A_157 = tpu.memref_slice %arg2[%dma_wait3A_155, %dma_wait3A_156] : memref<100001x128xf32, #tpu.memory_space<hbm>> -> memref<100001x128xf32, #tpu.memory_space<hbm>>
      %dma_wait3A_158 = tpu.memref_slice %arg12[%dma_wait3A_147] : memref<2x!tpu.dma_semaphore, #tpu.memory_space<semaphore_mem>> -> memref<1x!tpu.dma_semaphore, #tpu.memory_space<semaphore_mem>>
      %dma_wait3A_159 = tpu.memref_squeeze %dma_wait3A_158 : memref<1x!tpu.dma_semaphore, #tpu.memory_space<semaphore_mem>> -> memref<!tpu.dma_semaphore, #tpu.memory_space<semaphore_mem>>
      tpu.wait_indirect_dma semaphore(%dma_wait3A_159 : memref<!tpu.dma_semaphore, #tpu.memory_space<semaphore_mem>>) src(%dma_wait3A_157 : memref<100001x128xf32, #tpu.memory_space<hbm>>) dst(%dma_wait3A_151 : memref<128x128xf32, #tpu.memory_space<vmem>>)
      %gt3A_160 = arith.constant 0 : i32
      %gt3A_161 = arith.cmpi sgt, %scan3A_79, %gt3A_160 : i32
      %convert_element_type3A_162 = arith.extui %gt3A_161 : i1 to i32
      %cond3A_163 = arith.constant 0 : i32
      %cond3A_164 = arith.cmpi ne, %convert_element_type3A_162, %cond3A_163 : i32
      scf.if %cond3A_164 {
        %dma_wait3A_195 = arith.constant 1 : i32
        %dma_wait3A_196 = arith.constant 1 : i32
        %dma_wait3A_197 = arith.constant 0 : i32
        %dma_wait3A_198 = arith.constant 0 : i32
        %dma_wait3A_199 = tpu.memref_slice %arg10[%dma_wait3A_195, %dma_wait3A_197, %dma_wait3A_198] : memref<2x8x128xf32, #tpu.memory_space<vmem>> -> memref<1x8x128xf32, #tpu.memory_space<vmem>>
        %dma_wait3A_200 = tpu.memref_squeeze %dma_wait3A_199 : memref<1x8x128xf32, #tpu.memory_space<vmem>> -> memref<8x128xf32, #tpu.memory_space<vmem>>
        %dma_wait3A_201 = arith.constant 0 : i32
        %dma_wait3A_202 = tpu.memref_slice %arg6[%mul3A_2, %dma_wait3A_201] : memref<32768x128xf32, #tpu.memory_space<hbm>> -> memref<8x128xf32, #tpu.memory_space<hbm>>
        %dma_wait3A_203 = tpu.memref_slice %arg13[%dma_wait3A_196] : memref<2x!tpu.dma_semaphore, #tpu.memory_space<semaphore_mem>> -> memref<1x!tpu.dma_semaphore, #tpu.memory_space<semaphore_mem>>
        %dma_wait3A_204 = tpu.memref_squeeze %dma_wait3A_203 : memref<1x!tpu.dma_semaphore, #tpu.memory_space<semaphore_mem>> -> memref<!tpu.dma_semaphore, #tpu.memory_space<semaphore_mem>>
        %dma_wait3A_205 = arith.constant 0 : i32
        %dma_wait3A_206 = tpu.memref_slice %arg6[%mul3A_2, %dma_wait3A_205] : memref<32768x128xf32, #tpu.memory_space<hbm>> -> memref<8x128xf32, #tpu.memory_space<hbm>>
        %dma_wait3A_207 = arith.constant 0 : i32
        %dma_wait3A_208 = arith.constant 0 : i32
        %dma_wait3A_209 = tpu.memref_slice %arg10[%dma_wait3A_195, %dma_wait3A_207, %dma_wait3A_208] : memref<2x8x128xf32, #tpu.memory_space<vmem>> -> memref<1x8x128xf32, #tpu.memory_space<vmem>>
        %dma_wait3A_210 = tpu.memref_squeeze %dma_wait3A_209 : memref<1x8x128xf32, #tpu.memory_space<vmem>> -> memref<8x128xf32, #tpu.memory_space<vmem>>
        tpu.wait_dma2 semaphore(%dma_wait3A_204 : memref<!tpu.dma_semaphore, #tpu.memory_space<semaphore_mem>>) src(%dma_wait3A_210 : memref<8x128xf32, #tpu.memory_space<vmem>>) dst(%dma_wait3A_206 : memref<8x128xf32, #tpu.memory_space<hbm>>)
      } else {
      }
      %scan3A_165 = arith.constant 0 : i32
      %scan3A_166 = arith.constant 0 : i32
      %scan3A_167 = arith.constant 8 : i32
      %scan3A_168 = arith.addi %scan3A_166, %scan3A_167 : i32
      %scan3A_169 = arith.constant 1 : i32
      scf.for %scan3A_195 = %scan3A_166 to %scan3A_168 step %scan3A_169  : i32 {
        %mul3A_196 = arith.constant 16 : i32
        %mul3A_197 = arith.muli %scan3A_195, %mul3A_196 : i32
        %get3A = arith.constant 1 : i32
        %get3A_198 = arith.index_cast %get3A : i32 to index
        %get3A_199 = arith.index_cast %mul3A_197 : i32 to index
        %get3A_200 = arith.constant 0 : index
        %get3A_201 = tpu.vector_load %arg9[%get3A_198, %get3A_199, %get3A_200] {strides = array<i32>} : memref<2x128x128xf32, #tpu.memory_space<vmem>>, vector<1x1x16xf32>,
        %get3A_202 = vector.shape_cast %get3A_201 : vector<1x1x16xf32> to vector<16xf32>
        %mul3A_203 = arith.constant 16 : i32
        %mul3A_204 = arith.muli %scan3A_195, %mul3A_203 : i32
        %add3A_205 = arith.constant 1 : i32
        %add3A_206 = arith.addi %mul3A_204, %add3A_205 : i32
        %get3A_207 = arith.constant 1 : i32
        %get3A_208 = arith.index_cast %get3A_207 : i32 to index
        %get3A_209 = arith.index_cast %add3A_206 : i32 to index
        %get3A_210 = arith.constant 0 : index
        %get3A_211 = tpu.vector_load %arg9[%get3A_208, %get3A_209, %get3A_210] {strides = array<i32>} : memref<2x128x128xf32, #tpu.memory_space<vmem>>, vector<1x1x16xf32>,
        %get3A_212 = vector.shape_cast %get3A_211 : vector<1x1x16xf32> to vector<16xf32>
        %add3A_213 = arith.addf %get3A_202, %get3A_212 : vector<16xf32>
        %mul3A_214 = arith.constant 16 : i32
        %mul3A_215 = arith.muli %scan3A_195, %mul3A_214 : i32
        %add3A_216 = arith.constant 2 : i32
        %add3A_217 = arith.addi %mul3A_215, %add3A_216 : i32
        %get3A_218 = arith.constant 1 : i32
        %get3A_219 = arith.index_cast %get3A_218 : i32 to index
        %get3A_220 = arith.index_cast %add3A_217 : i32 to index
        %get3A_221 = arith.constant 0 : index
        %get3A_222 = tpu.vector_load %arg9[%get3A_219, %get3A_220, %get3A_221] {strides = array<i32>} : memref<2x128x128xf32, #tpu.memory_space<vmem>>, vector<1x1x16xf32>,
        %get3A_223 = vector.shape_cast %get3A_222 : vector<1x1x16xf32> to vector<16xf32>
        %add3A_224 = arith.addf %add3A_213, %get3A_223 : vector<16xf32>
        %mul3A_225 = arith.constant 16 : i32
        %mul3A_226 = arith.muli %scan3A_195, %mul3A_225 : i32
        %add3A_227 = arith.constant 3 : i32
        %add3A_228 = arith.addi %mul3A_226, %add3A_227 : i32
        %get3A_229 = arith.constant 1 : i32
        %get3A_230 = arith.index_cast %get3A_229 : i32 to index
        %get3A_231 = arith.index_cast %add3A_228 : i32 to index
        %get3A_232 = arith.constant 0 : index
        %get3A_233 = tpu.vector_load %arg9[%get3A_230, %get3A_231, %get3A_232] {strides = array<i32>} : memref<2x128x128xf32, #tpu.memory_space<vmem>>, vector<1x1x16xf32>,
        %get3A_234 = vector.shape_cast %get3A_233 : vector<1x1x16xf32> to vector<16xf32>
        %add3A_235 = arith.addf %add3A_224, %get3A_234 : vector<16xf32>
        %mul3A_236 = arith.constant 16 : i32
        %mul3A_237 = arith.muli %scan3A_195, %mul3A_236 : i32
        %add3A_238 = arith.constant 4 : i32
        %add3A_239 = arith.addi %mul3A_237, %add3A_238 : i32
        %get3A_240 = arith.constant 1 : i32
        %get3A_241 = arith.index_cast %get3A_240 : i32 to index
        %get3A_242 = arith.index_cast %add3A_239 : i32 to index
        %get3A_243 = arith.constant 0 : index
        %get3A_244 = tpu.vector_load %arg9[%get3A_241, %get3A_242, %get3A_243] {strides = array<i32>} : memref<2x128x128xf32, #tpu.memory_space<vmem>>, vector<1x1x16xf32>,
        %get3A_245 = vector.shape_cast %get3A_244 : vector<1x1x16xf32> to vector<16xf32>
        %add3A_246 = arith.addf %add3A_235, %get3A_245 : vector<16xf32>
        %mul3A_247 = arith.constant 16 : i32
        %mul3A_248 = arith.muli %scan3A_195, %mul3A_247 : i32
        %add3A_249 = arith.constant 5 : i32
        %add3A_250 = arith.addi %mul3A_248, %add3A_249 : i32
        %get3A_251 = arith.constant 1 : i32
        %get3A_252 = arith.index_cast %get3A_251 : i32 to index
        %get3A_253 = arith.index_cast %add3A_250 : i32 to index
        %get3A_254 = arith.constant 0 : index
        %get3A_255 = tpu.vector_load %arg9[%get3A_252, %get3A_253, %get3A_254] {strides = array<i32>} : memref<2x128x128xf32, #tpu.memory_space<vmem>>, vector<1x1x16xf32>,
        %get3A_256 = vector.shape_cast %get3A_255 : vector<1x1x16xf32> to vector<16xf32>
        %add3A_257 = arith.addf %add3A_246, %get3A_256 : vector<16xf32>
        %mul3A_258 = arith.constant 16 : i32
        %mul3A_259 = arith.muli %scan3A_195, %mul3A_258 : i32
        %add3A_260 = arith.constant 6 : i32
        %add3A_261 = arith.addi %mul3A_259, %add3A_260 : i32
        %get3A_262 = arith.constant 1 : i32
        %get3A_263 = arith.index_cast %get3A_262 : i32 to index
        %get3A_264 = arith.index_cast %add3A_261 : i32 to index
        %get3A_265 = arith.constant 0 : index
        %get3A_266 = tpu.vector_load %arg9[%get3A_263, %get3A_264, %get3A_265] {strides = array<i32>} : memref<2x128x128xf32, #tpu.memory_space<vmem>>, vector<1x1x16xf32>,
        %get3A_267 = vector.shape_cast %get3A_266 : vector<1x1x16xf32> to vector<16xf32>
        %add3A_268 = arith.addf %add3A_257, %get3A_267 : vector<16xf32>
        %mul3A_269 = arith.constant 16 : i32
        %mul3A_270 = arith.muli %scan3A_195, %mul3A_269 : i32
        %add3A_271 = arith.constant 7 : i32
        %add3A_272 = arith.addi %mul3A_270, %add3A_271 : i32
        %get3A_273 = arith.constant 1 : i32
        %get3A_274 = arith.index_cast %get3A_273 : i32 to index
        %get3A_275 = arith.index_cast %add3A_272 : i32 to index
        %get3A_276 = arith.constant 0 : index
        %get3A_277 = tpu.vector_load %arg9[%get3A_274, %get3A_275, %get3A_276] {strides = array<i32>} : memref<2x128x128xf32, #tpu.memory_space<vmem>>, vector<1x1x16xf32>,
        %get3A_278 = vector.shape_cast %get3A_277 : vector<1x1x16xf32> to vector<16xf32>
        %add3A_279 = arith.addf %add3A_268, %get3A_278 : vector<16xf32>
        %mul3A_280 = arith.constant 16 : i32
        %mul3A_281 = arith.muli %scan3A_195, %mul3A_280 : i32
        %add3A_282 = arith.constant 8 : i32
        %add3A_283 = arith.addi %mul3A_281, %add3A_282 : i32
        %get3A_284 = arith.constant 1 : i32
        %get3A_285 = arith.index_cast %get3A_284 : i32 to index
        %get3A_286 = arith.index_cast %add3A_283 : i32 to index
        %get3A_287 = arith.constant 0 : index
        %get3A_288 = tpu.vector_load %arg9[%get3A_285, %get3A_286, %get3A_287] {strides = array<i32>} : memref<2x128x128xf32, #tpu.memory_space<vmem>>, vector<1x1x16xf32>,
        %get3A_289 = vector.shape_cast %get3A_288 : vector<1x1x16xf32> to vector<16xf32>
        %add3A_290 = arith.addf %add3A_279, %get3A_289 : vector<16xf32>
        %mul3A_291 = arith.constant 16 : i32
        %mul3A_292 = arith.muli %scan3A_195, %mul3A_291 : i32
        %add3A_293 = arith.constant 9 : i32
        %add3A_294 = arith.addi %mul3A_292, %add3A_293 : i32
        %get3A_295 = arith.constant 1 : i32
        %get3A_296 = arith.index_cast %get3A_295 : i32 to index
        %get3A_297 = arith.index_cast %add3A_294 : i32 to index
        %get3A_298 = arith.constant 0 : index
        %get3A_299 = tpu.vector_load %arg9[%get3A_296, %get3A_297, %get3A_298] {strides = array<i32>} : memref<2x128x128xf32, #tpu.memory_space<vmem>>, vector<1x1x16xf32>,
        %get3A_300 = vector.shape_cast %get3A_299 : vector<1x1x16xf32> to vector<16xf32>
        %add3A_301 = arith.addf %add3A_290, %get3A_300 : vector<16xf32>
        %mul3A_302 = arith.constant 16 : i32
        %mul3A_303 = arith.muli %scan3A_195, %mul3A_302 : i32
        %add3A_304 = arith.constant 10 : i32
        %add3A_305 = arith.addi %mul3A_303, %add3A_304 : i32
        %get3A_306 = arith.constant 1 : i32
        %get3A_307 = arith.index_cast %get3A_306 : i32 to index
        %get3A_308 = arith.index_cast %add3A_305 : i32 to index
        %get3A_309 = arith.constant 0 : index
        %get3A_310 = tpu.vector_load %arg9[%get3A_307, %get3A_308, %get3A_309] {strides = array<i32>} : memref<2x128x128xf32, #tpu.memory_space<vmem>>, vector<1x1x16xf32>,
        %get3A_311 = vector.shape_cast %get3A_310 : vector<1x1x16xf32> to vector<16xf32>
        %add3A_312 = arith.addf %add3A_301, %get3A_311 : vector<16xf32>
        %mul3A_313 = arith.constant 16 : i32
        %mul3A_314 = arith.muli %scan3A_195, %mul3A_313 : i32
        %add3A_315 = arith.constant 11 : i32
        %add3A_316 = arith.addi %mul3A_314, %add3A_315 : i32
        %get3A_317 = arith.constant 1 : i32
        %get3A_318 = arith.index_cast %get3A_317 : i32 to index
        %get3A_319 = arith.index_cast %add3A_316 : i32 to index
        %get3A_320 = arith.constant 0 : index
        %get3A_321 = tpu.vector_load %arg9[%get3A_318, %get3A_319, %get3A_320] {strides = array<i32>} : memref<2x128x128xf32, #tpu.memory_space<vmem>>, vector<1x1x16xf32>,
        %get3A_322 = vector.shape_cast %get3A_321 : vector<1x1x16xf32> to vector<16xf32>
        %add3A_323 = arith.addf %add3A_312, %get3A_322 : vector<16xf32>
        %mul3A_324 = arith.constant 16 : i32
        %mul3A_325 = arith.muli %scan3A_195, %mul3A_324 : i32
        %add3A_326 = arith.constant 12 : i32
        %add3A_327 = arith.addi %mul3A_325, %add3A_326 : i32
        %get3A_328 = arith.constant 1 : i32
        %get3A_329 = arith.index_cast %get3A_328 : i32 to index
        %get3A_330 = arith.index_cast %add3A_327 : i32 to index
        %get3A_331 = arith.constant 0 : index
        %get3A_332 = tpu.vector_load %arg9[%get3A_329, %get3A_330, %get3A_331] {strides = array<i32>} : memref<2x128x128xf32, #tpu.memory_space<vmem>>, vector<1x1x16xf32>,
        %get3A_333 = vector.shape_cast %get3A_332 : vector<1x1x16xf32> to vector<16xf32>
        %add3A_334 = arith.addf %add3A_323, %get3A_333 : vector<16xf32>
        %mul3A_335 = arith.constant 16 : i32
        %mul3A_336 = arith.muli %scan3A_195, %mul3A_335 : i32
        %add3A_337 = arith.constant 13 : i32
        %add3A_338 = arith.addi %mul3A_336, %add3A_337 : i32
        %get3A_339 = arith.constant 1 : i32
        %get3A_340 = arith.index_cast %get3A_339 : i32 to index
        %get3A_341 = arith.index_cast %add3A_338 : i32 to index
        %get3A_342 = arith.constant 0 : index
        %get3A_343 = tpu.vector_load %arg9[%get3A_340, %get3A_341, %get3A_342] {strides = array<i32>} : memref<2x128x128xf32, #tpu.memory_space<vmem>>, vector<1x1x16xf32>,
        %get3A_344 = vector.shape_cast %get3A_343 : vector<1x1x16xf32> to vector<16xf32>
        %add3A_345 = arith.addf %add3A_334, %get3A_344 : vector<16xf32>
        %mul3A_346 = arith.constant 16 : i32
        %mul3A_347 = arith.muli %scan3A_195, %mul3A_346 : i32
        %add3A_348 = arith.constant 14 : i32
        %add3A_349 = arith.addi %mul3A_347, %add3A_348 : i32
        %get3A_350 = arith.constant 1 : i32
        %get3A_351 = arith.index_cast %get3A_350 : i32 to index
        %get3A_352 = arith.index_cast %add3A_349 : i32 to index
        %get3A_353 = arith.constant 0 : index
        %get3A_354 = tpu.vector_load %arg9[%get3A_351, %get3A_352, %get3A_353] {strides = array<i32>} : memref<2x128x128xf32, #tpu.memory_space<vmem>>, vector<1x1x16xf32>,
        %get3A_355 = vector.shape_cast %get3A_354 : vector<1x1x16xf32> to vector<16xf32>
        %add3A_356 = arith.addf %add3A_345, %get3A_355 : vector<16xf32>
        %mul3A_357 = arith.constant 16 : i32
        %mul3A_358 = arith.muli %scan3A_195, %mul3A_357 : i32
        %add3A_359 = arith.constant 15 : i32
        %add3A_360 = arith.addi %mul3A_358, %add3A_359 : i32
        %get3A_361 = arith.constant 1 : i32
        %get3A_362 = arith.index_cast %get3A_361 : i32 to index
        %get3A_363 = arith.index_cast %add3A_360 : i32 to index
        %get3A_364 = arith.constant 0 : index
        %get3A_365 = tpu.vector_load %arg9[%get3A_362, %get3A_363, %get3A_364] {strides = array<i32>} : memref<2x128x128xf32, #tpu.memory_space<vmem>>, vector<1x1x16xf32>,
        %get3A_366 = vector.shape_cast %get3A_365 : vector<1x1x16xf32> to vector<16xf32>
        %add3A_367 = arith.addf %add3A_356, %get3A_366 : vector<16xf32>
        %swap3A = arith.constant 1 : i32
        %swap3A_368 = arith.index_cast %swap3A : i32 to index
        %swap3A_369 = arith.index_cast %scan3A_195 : i32 to index
        %swap3A_370 = arith.constant 0 : index
        %swap3A_371 = tpu.vector_load %arg10[%swap3A_368, %swap3A_369, %swap3A_370] {strides = array<i32>} : memref<2x8x128xf32, #tpu.memory_space<vmem>>, vector<1x1x16xf32>,
        %swap3A_372 = vector.shape_cast %swap3A_371 : vector<1x1x16xf32> to vector<16xf32>
        %swap3A_373 = vector.shape_cast %add3A_367 : vector<16xf32> to vector<1x1x16xf32>
        tpu.vector_store %arg10[%swap3A_368, %swap3A_369, %swap3A_370], %swap3A_373 {strides = array<i32>} : memref<2x8x128xf32, #tpu.memory_space<vmem>>, vector<1x1x16xf32>,
        %mul3A_374 = arith.constant 16 : i32
        %mul3A_375 = arith.muli %scan3A_195, %mul3A_374 : i32
        %get3A_376 = arith.constant 1 : i32
        %get3A_377 = arith.index_cast %get3A_376 : i32 to index
        %get3A_378 = arith.index_cast %mul3A_375 : i32 to index
        %get3A_379 = arith.constant 16 : index
        %get3A_380 = tpu.vector_load %arg9[%get3A_377, %get3A_378, %get3A_379] {strides = array<i32>} : memref<2x128x128xf32, #tpu.memory_space<vmem>>, vector<1x1x16xf32>,
        %get3A_381 = vector.shape_cast %get3A_380 : vector<1x1x16xf32> to vector<16xf32>
        %mul3A_382 = arith.constant 16 : i32
        %mul3A_383 = arith.muli %scan3A_195, %mul3A_382 : i32
        %add3A_384 = arith.constant 1 : i32
        %add3A_385 = arith.addi %mul3A_383, %add3A_384 : i32
        %get3A_386 = arith.constant 1 : i32
        %get3A_387 = arith.index_cast %get3A_386 : i32 to index
        %get3A_388 = arith.index_cast %add3A_385 : i32 to index
        %get3A_389 = arith.constant 16 : index
        %get3A_390 = tpu.vector_load %arg9[%get3A_387, %get3A_388, %get3A_389] {strides = array<i32>} : memref<2x128x128xf32, #tpu.memory_space<vmem>>, vector<1x1x16xf32>,
        %get3A_391 = vector.shape_cast %get3A_390 : vector<1x1x16xf32> to vector<16xf32>
        %add3A_392 = arith.addf %get3A_381, %get3A_391 : vector<16xf32>
        %mul3A_393 = arith.constant 16 : i32
        %mul3A_394 = arith.muli %scan3A_195, %mul3A_393 : i32
        %add3A_395 = arith.constant 2 : i32
        %add3A_396 = arith.addi %mul3A_394, %add3A_395 : i32
        %get3A_397 = arith.constant 1 : i32
        %get3A_398 = arith.index_cast %get3A_397 : i32 to index
        %get3A_399 = arith.index_cast %add3A_396 : i32 to index
        %get3A_400 = arith.constant 16 : index
        %get3A_401 = tpu.vector_load %arg9[%get3A_398, %get3A_399, %get3A_400] {strides = array<i32>} : memref<2x128x128xf32, #tpu.memory_space<vmem>>, vector<1x1x16xf32>,
        %get3A_402 = vector.shape_cast %get3A_401 : vector<1x1x16xf32> to vector<16xf32>
        %add3A_403 = arith.addf %add3A_392, %get3A_402 : vector<16xf32>
        %mul3A_404 = arith.constant 16 : i32
        %mul3A_405 = arith.muli %scan3A_195, %mul3A_404 : i32
        %add3A_406 = arith.constant 3 : i32
        %add3A_407 = arith.addi %mul3A_405, %add3A_406 : i32
        %get3A_408 = arith.constant 1 : i32
        %get3A_409 = arith.index_cast %get3A_408 : i32 to index
        %get3A_410 = arith.index_cast %add3A_407 : i32 to index
        %get3A_411 = arith.constant 16 : index
        %get3A_412 = tpu.vector_load %arg9[%get3A_409, %get3A_410, %get3A_411] {strides = array<i32>} : memref<2x128x128xf32, #tpu.memory_space<vmem>>, vector<1x1x16xf32>,
        %get3A_413 = vector.shape_cast %get3A_412 : vector<1x1x16xf32> to vector<16xf32>
        %add3A_414 = arith.addf %add3A_403, %get3A_413 : vector<16xf32>
        %mul3A_415 = arith.constant 16 : i32
        %mul3A_416 = arith.muli %scan3A_195, %mul3A_415 : i32
        %add3A_417 = arith.constant 4 : i32
        %add3A_418 = arith.addi %mul3A_416, %add3A_417 : i32
        %get3A_419 = arith.constant 1 : i32
        %get3A_420 = arith.index_cast %get3A_419 : i32 to index
        %get3A_421 = arith.index_cast %add3A_418 : i32 to index
        %get3A_422 = arith.constant 16 : index
        %get3A_423 = tpu.vector_load %arg9[%get3A_420, %get3A_421, %get3A_422] {strides = array<i32>} : memref<2x128x128xf32, #tpu.memory_space<vmem>>, vector<1x1x16xf32>,
        %get3A_424 = vector.shape_cast %get3A_423 : vector<1x1x16xf32> to vector<16xf32>
        %add3A_425 = arith.addf %add3A_414, %get3A_424 : vector<16xf32>
        %mul3A_426 = arith.constant 16 : i32
        %mul3A_427 = arith.muli %scan3A_195, %mul3A_426 : i32
        %add3A_428 = arith.constant 5 : i32
        %add3A_429 = arith.addi %mul3A_427, %add3A_428 : i32
        %get3A_430 = arith.constant 1 : i32
        %get3A_431 = arith.index_cast %get3A_430 : i32 to index
        %get3A_432 = arith.index_cast %add3A_429 : i32 to index
        %get3A_433 = arith.constant 16 : index
        %get3A_434 = tpu.vector_load %arg9[%get3A_431, %get3A_432, %get3A_433] {strides = array<i32>} : memref<2x128x128xf32, #tpu.memory_space<vmem>>, vector<1x1x16xf32>,
        %get3A_435 = vector.shape_cast %get3A_434 : vector<1x1x16xf32> to vector<16xf32>
        %add3A_436 = arith.addf %add3A_425, %get3A_435 : vector<16xf32>
        %mul3A_437 = arith.constant 16 : i32
        %mul3A_438 = arith.muli %scan3A_195, %mul3A_437 : i32
        %add3A_439 = arith.constant 6 : i32
        %add3A_440 = arith.addi %mul3A_438, %add3A_439 : i32
        %get3A_441 = arith.constant 1 : i32
        %get3A_442 = arith.index_cast %get3A_441 : i32 to index
        %get3A_443 = arith.index_cast %add3A_440 : i32 to index
        %get3A_444 = arith.constant 16 : index
        %get3A_445 = tpu.vector_load %arg9[%get3A_442, %get3A_443, %get3A_444] {strides = array<i32>} : memref<2x128x128xf32, #tpu.memory_space<vmem>>, vector<1x1x16xf32>,
        %get3A_446 = vector.shape_cast %get3A_445 : vector<1x1x16xf32> to vector<16xf32>
        %add3A_447 = arith.addf %add3A_436, %get3A_446 : vector<16xf32>
        %mul3A_448 = arith.constant 16 : i32
        %mul3A_449 = arith.muli %scan3A_195, %mul3A_448 : i32
        %add3A_450 = arith.constant 7 : i32
        %add3A_451 = arith.addi %mul3A_449, %add3A_450 : i32
        %get3A_452 = arith.constant 1 : i32
        %get3A_453 = arith.index_cast %get3A_452 : i32 to index
        %get3A_454 = arith.index_cast %add3A_451 : i32 to index
        %get3A_455 = arith.constant 16 : index
        %get3A_456 = tpu.vector_load %arg9[%get3A_453, %get3A_454, %get3A_455] {strides = array<i32>} : memref<2x128x128xf32, #tpu.memory_space<vmem>>, vector<1x1x16xf32>,
        %get3A_457 = vector.shape_cast %get3A_456 : vector<1x1x16xf32> to vector<16xf32>
        %add3A_458 = arith.addf %add3A_447, %get3A_457 : vector<16xf32>
        %mul3A_459 = arith.constant 16 : i32
        %mul3A_460 = arith.muli %scan3A_195, %mul3A_459 : i32
        %add3A_461 = arith.constant 8 : i32
        %add3A_462 = arith.addi %mul3A_460, %add3A_461 : i32
        %get3A_463 = arith.constant 1 : i32
        %get3A_464 = arith.index_cast %get3A_463 : i32 to index
        %get3A_465 = arith.index_cast %add3A_462 : i32 to index
        %get3A_466 = arith.constant 16 : index
        %get3A_467 = tpu.vector_load %arg9[%get3A_464, %get3A_465, %get3A_466] {strides = array<i32>} : memref<2x128x128xf32, #tpu.memory_space<vmem>>, vector<1x1x16xf32>,
        %get3A_468 = vector.shape_cast %get3A_467 : vector<1x1x16xf32> to vector<16xf32>
        %add3A_469 = arith.addf %add3A_458, %get3A_468 : vector<16xf32>
        %mul3A_470 = arith.constant 16 : i32
        %mul3A_471 = arith.muli %scan3A_195, %mul3A_470 : i32
        %add3A_472 = arith.constant 9 : i32
        %add3A_473 = arith.addi %mul3A_471, %add3A_472 : i32
        %get3A_474 = arith.constant 1 : i32
        %get3A_475 = arith.index_cast %get3A_474 : i32 to index
        %get3A_476 = arith.index_cast %add3A_473 : i32 to index
        %get3A_477 = arith.constant 16 : index
        %get3A_478 = tpu.vector_load %arg9[%get3A_475, %get3A_476, %get3A_477] {strides = array<i32>} : memref<2x128x128xf32, #tpu.memory_space<vmem>>, vector<1x1x16xf32>,
        %get3A_479 = vector.shape_cast %get3A_478 : vector<1x1x16xf32> to vector<16xf32>
        %add3A_480 = arith.addf %add3A_469, %get3A_479 : vector<16xf32>
        %mul3A_481 = arith.constant 16 : i32
        %mul3A_482 = arith.muli %scan3A_195, %mul3A_481 : i32
        %add3A_483 = arith.constant 10 : i32
        %add3A_484 = arith.addi %mul3A_482, %add3A_483 : i32
        %get3A_485 = arith.constant 1 : i32
        %get3A_486 = arith.index_cast %get3A_485 : i32 to index
        %get3A_487 = arith.index_cast %add3A_484 : i32 to index
        %get3A_488 = arith.constant 16 : index
        %get3A_489 = tpu.vector_load %arg9[%get3A_486, %get3A_487, %get3A_488] {strides = array<i32>} : memref<2x128x128xf32, #tpu.memory_space<vmem>>, vector<1x1x16xf32>,
        %get3A_490 = vector.shape_cast %get3A_489 : vector<1x1x16xf32> to vector<16xf32>
        %add3A_491 = arith.addf %add3A_480, %get3A_490 : vector<16xf32>
        %mul3A_492 = arith.constant 16 : i32
        %mul3A_493 = arith.muli %scan3A_195, %mul3A_492 : i32
        %add3A_494 = arith.constant 11 : i32
        %add3A_495 = arith.addi %mul3A_493, %add3A_494 : i32
        %get3A_496 = arith.constant 1 : i32
        %get3A_497 = arith.index_cast %get3A_496 : i32 to index
        %get3A_498 = arith.index_cast %add3A_495 : i32 to index
        %get3A_499 = arith.constant 16 : index
        %get3A_500 = tpu.vector_load %arg9[%get3A_497, %get3A_498, %get3A_499] {strides = array<i32>} : memref<2x128x128xf32, #tpu.memory_space<vmem>>, vector<1x1x16xf32>,
        %get3A_501 = vector.shape_cast %get3A_500 : vector<1x1x16xf32> to vector<16xf32>
        %add3A_502 = arith.addf %add3A_491, %get3A_501 : vector<16xf32>
        %mul3A_503 = arith.constant 16 : i32
        %mul3A_504 = arith.muli %scan3A_195, %mul3A_503 : i32
        %add3A_505 = arith.constant 12 : i32
        %add3A_506 = arith.addi %mul3A_504, %add3A_505 : i32
        %get3A_507 = arith.constant 1 : i32
        %get3A_508 = arith.index_cast %get3A_507 : i32 to index
        %get3A_509 = arith.index_cast %add3A_506 : i32 to index
        %get3A_510 = arith.constant 16 : index
        %get3A_511 = tpu.vector_load %arg9[%get3A_508, %get3A_509, %get3A_510] {strides = array<i32>} : memref<2x128x128xf32, #tpu.memory_space<vmem>>, vector<1x1x16xf32>,
        %get3A_512 = vector.shape_cast %get3A_511 : vector<1x1x16xf32> to vector<16xf32>
        %add3A_513 = arith.addf %add3A_502, %get3A_512 : vector<16xf32>
        %mul3A_514 = arith.constant 16 : i32
        %mul3A_515 = arith.muli %scan3A_195, %mul3A_514 : i32
        %add3A_516 = arith.constant 13 : i32
        %add3A_517 = arith.addi %mul3A_515, %add3A_516 : i32
        %get3A_518 = arith.constant 1 : i32
        %get3A_519 = arith.index_cast %get3A_518 : i32 to index
        %get3A_520 = arith.index_cast %add3A_517 : i32 to index
        %get3A_521 = arith.constant 16 : index
        %get3A_522 = tpu.vector_load %arg9[%get3A_519, %get3A_520, %get3A_521] {strides = array<i32>} : memref<2x128x128xf32, #tpu.memory_space<vmem>>, vector<1x1x16xf32>,
        %get3A_523 = vector.shape_cast %get3A_522 : vector<1x1x16xf32> to vector<16xf32>
        %add3A_524 = arith.addf %add3A_513, %get3A_523 : vector<16xf32>
        %mul3A_525 = arith.constant 16 : i32
        %mul3A_526 = arith.muli %scan3A_195, %mul3A_525 : i32
        %add3A_527 = arith.constant 14 : i32
        %add3A_528 = arith.addi %mul3A_526, %add3A_527 : i32
        %get3A_529 = arith.constant 1 : i32
        %get3A_530 = arith.index_cast %get3A_529 : i32 to index
        %get3A_531 = arith.index_cast %add3A_528 : i32 to index
        %get3A_532 = arith.constant 16 : index
        %get3A_533 = tpu.vector_load %arg9[%get3A_530, %get3A_531, %get3A_532] {strides = array<i32>} : memref<2x128x128xf32, #tpu.memory_space<vmem>>, vector<1x1x16xf32>,
        %get3A_534 = vector.shape_cast %get3A_533 : vector<1x1x16xf32> to vector<16xf32>
        %add3A_535 = arith.addf %add3A_524, %get3A_534 : vector<16xf32>
        %mul3A_536 = arith.constant 16 : i32
        %mul3A_537 = arith.muli %scan3A_195, %mul3A_536 : i32
        %add3A_538 = arith.constant 15 : i32
        %add3A_539 = arith.addi %mul3A_537, %add3A_538 : i32
        %get3A_540 = arith.constant 1 : i32
        %get3A_541 = arith.index_cast %get3A_540 : i32 to index
        %get3A_542 = arith.index_cast %add3A_539 : i32 to index
        %get3A_543 = arith.constant 16 : index
        %get3A_544 = tpu.vector_load %arg9[%get3A_541, %get3A_542, %get3A_543] {strides = array<i32>} : memref<2x128x128xf32, #tpu.memory_space<vmem>>, vector<1x1x16xf32>,
        %get3A_545 = vector.shape_cast %get3A_544 : vector<1x1x16xf32> to vector<16xf32>
        %add3A_546 = arith.addf %add3A_535, %get3A_545 : vector<16xf32>
        %swap3A_547 = arith.constant 1 : i32
        %swap3A_548 = arith.index_cast %swap3A_547 : i32 to index
        %swap3A_549 = arith.index_cast %scan3A_195 : i32 to index
        %swap3A_550 = arith.constant 16 : index
        %swap3A_551 = tpu.vector_load %arg10[%swap3A_548, %swap3A_549, %swap3A_550] {strides = array<i32>} : memref<2x8x128xf32, #tpu.memory_space<vmem>>, vector<1x1x16xf32>,
        %swap3A_552 = vector.shape_cast %swap3A_551 : vector<1x1x16xf32> to vector<16xf32>
        %swap3A_553 = vector.shape_cast %add3A_546 : vector<16xf32> to vector<1x1x16xf32>
        tpu.vector_store %arg10[%swap3A_548, %swap3A_549, %swap3A_550], %swap3A_553 {strides = array<i32>} : memref<2x8x128xf32, #tpu.memory_space<vmem>>, vector<1x1x16xf32>,
        %mul3A_554 = arith.constant 16 : i32
        %mul3A_555 = arith.muli %scan3A_195, %mul3A_554 : i32
        %get3A_556 = arith.constant 1 : i32
        %get3A_557 = arith.index_cast %get3A_556 : i32 to index
        %get3A_558 = arith.index_cast %mul3A_555 : i32 to index
        %get3A_559 = arith.constant 32 : index
        %get3A_560 = tpu.vector_load %arg9[%get3A_557, %get3A_558, %get3A_559] {strides = array<i32>} : memref<2x128x128xf32, #tpu.memory_space<vmem>>, vector<1x1x16xf32>,
        %get3A_561 = vector.shape_cast %get3A_560 : vector<1x1x16xf32> to vector<16xf32>
        %mul3A_562 = arith.constant 16 : i32
        %mul3A_563 = arith.muli %scan3A_195, %mul3A_562 : i32
        %add3A_564 = arith.constant 1 : i32
        %add3A_565 = arith.addi %mul3A_563, %add3A_564 : i32
        %get3A_566 = arith.constant 1 : i32
        %get3A_567 = arith.index_cast %get3A_566 : i32 to index
        %get3A_568 = arith.index_cast %add3A_565 : i32 to index
        %get3A_569 = arith.constant 32 : index
        %get3A_570 = tpu.vector_load %arg9[%get3A_567, %get3A_568, %get3A_569] {strides = array<i32>} : memref<2x128x128xf32, #tpu.memory_space<vmem>>, vector<1x1x16xf32>,
        %get3A_571 = vector.shape_cast %get3A_570 : vector<1x1x16xf32> to vector<16xf32>
        %add3A_572 = arith.addf %get3A_561, %get3A_571 : vector<16xf32>
        %mul3A_573 = arith.constant 16 : i32
        %mul3A_574 = arith.muli %scan3A_195, %mul3A_573 : i32
        %add3A_575 = arith.constant 2 : i32
        %add3A_576 = arith.addi %mul3A_574, %add3A_575 : i32
        %get3A_577 = arith.constant 1 : i32
        %get3A_578 = arith.index_cast %get3A_577 : i32 to index
        %get3A_579 = arith.index_cast %add3A_576 : i32 to index
        %get3A_580 = arith.constant 32 : index
        %get3A_581 = tpu.vector_load %arg9[%get3A_578, %get3A_579, %get3A_580] {strides = array<i32>} : memref<2x128x128xf32, #tpu.memory_space<vmem>>, vector<1x1x16xf32>,
        %get3A_582 = vector.shape_cast %get3A_581 : vector<1x1x16xf32> to vector<16xf32>
        %add3A_583 = arith.addf %add3A_572, %get3A_582 : vector<16xf32>
        %mul3A_584 = arith.constant 16 : i32
        %mul3A_585 = arith.muli %scan3A_195, %mul3A_584 : i32
        %add3A_586 = arith.constant 3 : i32
        %add3A_587 = arith.addi %mul3A_585, %add3A_586 : i32
        %get3A_588 = arith.constant 1 : i32
        %get3A_589 = arith.index_cast %get3A_588 : i32 to index
        %get3A_590 = arith.index_cast %add3A_587 : i32 to index
        %get3A_591 = arith.constant 32 : index
        %get3A_592 = tpu.vector_load %arg9[%get3A_589, %get3A_590, %get3A_591] {strides = array<i32>} : memref<2x128x128xf32, #tpu.memory_space<vmem>>, vector<1x1x16xf32>,
        %get3A_593 = vector.shape_cast %get3A_592 : vector<1x1x16xf32> to vector<16xf32>
        %add3A_594 = arith.addf %add3A_583, %get3A_593 : vector<16xf32>
        %mul3A_595 = arith.constant 16 : i32
        %mul3A_596 = arith.muli %scan3A_195, %mul3A_595 : i32
        %add3A_597 = arith.constant 4 : i32
        %add3A_598 = arith.addi %mul3A_596, %add3A_597 : i32
        %get3A_599 = arith.constant 1 : i32
        %get3A_600 = arith.index_cast %get3A_599 : i32 to index
        %get3A_601 = arith.index_cast %add3A_598 : i32 to index
        %get3A_602 = arith.constant 32 : index
        %get3A_603 = tpu.vector_load %arg9[%get3A_600, %get3A_601, %get3A_602] {strides = array<i32>} : memref<2x128x128xf32, #tpu.memory_space<vmem>>, vector<1x1x16xf32>,
        %get3A_604 = vector.shape_cast %get3A_603 : vector<1x1x16xf32> to vector<16xf32>
        %add3A_605 = arith.addf %add3A_594, %get3A_604 : vector<16xf32>
        %mul3A_606 = arith.constant 16 : i32
        %mul3A_607 = arith.muli %scan3A_195, %mul3A_606 : i32
        %add3A_608 = arith.constant 5 : i32
        %add3A_609 = arith.addi %mul3A_607, %add3A_608 : i32
        %get3A_610 = arith.constant 1 : i32
        %get3A_611 = arith.index_cast %get3A_610 : i32 to index
        %get3A_612 = arith.index_cast %add3A_609 : i32 to index
        %get3A_613 = arith.constant 32 : index
        %get3A_614 = tpu.vector_load %arg9[%get3A_611, %get3A_612, %get3A_613] {strides = array<i32>} : memref<2x128x128xf32, #tpu.memory_space<vmem>>, vector<1x1x16xf32>,
        %get3A_615 = vector.shape_cast %get3A_614 : vector<1x1x16xf32> to vector<16xf32>
        %add3A_616 = arith.addf %add3A_605, %get3A_615 : vector<16xf32>
        %mul3A_617 = arith.constant 16 : i32
        %mul3A_618 = arith.muli %scan3A_195, %mul3A_617 : i32
        %add3A_619 = arith.constant 6 : i32
        %add3A_620 = arith.addi %mul3A_618, %add3A_619 : i32
        %get3A_621 = arith.constant 1 : i32
        %get3A_622 = arith.index_cast %get3A_621 : i32 to index
        %get3A_623 = arith.index_cast %add3A_620 : i32 to index
        %get3A_624 = arith.constant 32 : index
        %get3A_625 = tpu.vector_load %arg9[%get3A_622, %get3A_623, %get3A_624] {strides = array<i32>} : memref<2x128x128xf32, #tpu.memory_space<vmem>>, vector<1x1x16xf32>,
        %get3A_626 = vector.shape_cast %get3A_625 : vector<1x1x16xf32> to vector<16xf32>
        %add3A_627 = arith.addf %add3A_616, %get3A_626 : vector<16xf32>
        %mul3A_628 = arith.constant 16 : i32
        %mul3A_629 = arith.muli %scan3A_195, %mul3A_628 : i32
        %add3A_630 = arith.constant 7 : i32
        %add3A_631 = arith.addi %mul3A_629, %add3A_630 : i32
        %get3A_632 = arith.constant 1 : i32
        %get3A_633 = arith.index_cast %get3A_632 : i32 to index
        %get3A_634 = arith.index_cast %add3A_631 : i32 to index
        %get3A_635 = arith.constant 32 : index
        %get3A_636 = tpu.vector_load %arg9[%get3A_633, %get3A_634, %get3A_635] {strides = array<i32>} : memref<2x128x128xf32, #tpu.memory_space<vmem>>, vector<1x1x16xf32>,
        %get3A_637 = vector.shape_cast %get3A_636 : vector<1x1x16xf32> to vector<16xf32>
        %add3A_638 = arith.addf %add3A_627, %get3A_637 : vector<16xf32>
        %mul3A_639 = arith.constant 16 : i32
        %mul3A_640 = arith.muli %scan3A_195, %mul3A_639 : i32
        %add3A_641 = arith.constant 8 : i32
        %add3A_642 = arith.addi %mul3A_640, %add3A_641 : i32
        %get3A_643 = arith.constant 1 : i32
        %get3A_644 = arith.index_cast %get3A_643 : i32 to index
        %get3A_645 = arith.index_cast %add3A_642 : i32 to index
        %get3A_646 = arith.constant 32 : index
        %get3A_647 = tpu.vector_load %arg9[%get3A_644, %get3A_645, %get3A_646] {strides = array<i32>} : memref<2x128x128xf32, #tpu.memory_space<vmem>>, vector<1x1x16xf32>,
        %get3A_648 = vector.shape_cast %get3A_647 : vector<1x1x16xf32> to vector<16xf32>
        %add3A_649 = arith.addf %add3A_638, %get3A_648 : vector<16xf32>
        %mul3A_650 = arith.constant 16 : i32
        %mul3A_651 = arith.muli %scan3A_195, %mul3A_650 : i32
        %add3A_652 = arith.constant 9 : i32
        %add3A_653 = arith.addi %mul3A_651, %add3A_652 : i32
        %get3A_654 = arith.constant 1 : i32
        %get3A_655 = arith.index_cast %get3A_654 : i32 to index
        %get3A_656 = arith.index_cast %add3A_653 : i32 to index
        %get3A_657 = arith.constant 32 : index
        %get3A_658 = tpu.vector_load %arg9[%get3A_655, %get3A_656, %get3A_657] {strides = array<i32>} : memref<2x128x128xf32, #tpu.memory_space<vmem>>, vector<1x1x16xf32>,
        %get3A_659 = vector.shape_cast %get3A_658 : vector<1x1x16xf32> to vector<16xf32>
        %add3A_660 = arith.addf %add3A_649, %get3A_659 : vector<16xf32>
        %mul3A_661 = arith.constant 16 : i32
        %mul3A_662 = arith.muli %scan3A_195, %mul3A_661 : i32
        %add3A_663 = arith.constant 10 : i32
        %add3A_664 = arith.addi %mul3A_662, %add3A_663 : i32
        %get3A_665 = arith.constant 1 : i32
        %get3A_666 = arith.index_cast %get3A_665 : i32 to index
        %get3A_667 = arith.index_cast %add3A_664 : i32 to index
        %get3A_668 = arith.constant 32 : index
        %get3A_669 = tpu.vector_load %arg9[%get3A_666, %get3A_667, %get3A_668] {strides = array<i32>} : memref<2x128x128xf32, #tpu.memory_space<vmem>>, vector<1x1x16xf32>,
        %get3A_670 = vector.shape_cast %get3A_669 : vector<1x1x16xf32> to vector<16xf32>
        %add3A_671 = arith.addf %add3A_660, %get3A_670 : vector<16xf32>
        %mul3A_672 = arith.constant 16 : i32
        %mul3A_673 = arith.muli %scan3A_195, %mul3A_672 : i32
        %add3A_674 = arith.constant 11 : i32
        %add3A_675 = arith.addi %mul3A_673, %add3A_674 : i32
        %get3A_676 = arith.constant 1 : i32
        %get3A_677 = arith.index_cast %get3A_676 : i32 to index
        %get3A_678 = arith.index_cast %add3A_675 : i32 to index
        %get3A_679 = arith.constant 32 : index
        %get3A_680 = tpu.vector_load %arg9[%get3A_677, %get3A_678, %get3A_679] {strides = array<i32>} : memref<2x128x128xf32, #tpu.memory_space<vmem>>, vector<1x1x16xf32>,
        %get3A_681 = vector.shape_cast %get3A_680 : vector<1x1x16xf32> to vector<16xf32>
        %add3A_682 = arith.addf %add3A_671, %get3A_681 : vector<16xf32>
        %mul3A_683 = arith.constant 16 : i32
        %mul3A_684 = arith.muli %scan3A_195, %mul3A_683 : i32
        %add3A_685 = arith.constant 12 : i32
        %add3A_686 = arith.addi %mul3A_684, %add3A_685 : i32
        %get3A_687 = arith.constant 1 : i32
        %get3A_688 = arith.index_cast %get3A_687 : i32 to index
        %get3A_689 = arith.index_cast %add3A_686 : i32 to index
        %get3A_690 = arith.constant 32 : index
        %get3A_691 = tpu.vector_load %arg9[%get3A_688, %get3A_689, %get3A_690] {strides = array<i32>} : memref<2x128x128xf32, #tpu.memory_space<vmem>>, vector<1x1x16xf32>,
        %get3A_692 = vector.shape_cast %get3A_691 : vector<1x1x16xf32> to vector<16xf32>
        %add3A_693 = arith.addf %add3A_682, %get3A_692 : vector<16xf32>
        %mul3A_694 = arith.constant 16 : i32
        %mul3A_695 = arith.muli %scan3A_195, %mul3A_694 : i32
        %add3A_696 = arith.constant 13 : i32
        %add3A_697 = arith.addi %mul3A_695, %add3A_696 : i32
        %get3A_698 = arith.constant 1 : i32
        %get3A_699 = arith.index_cast %get3A_698 : i32 to index
        %get3A_700 = arith.index_cast %add3A_697 : i32 to index
        %get3A_701 = arith.constant 32 : index
        %get3A_702 = tpu.vector_load %arg9[%get3A_699, %get3A_700, %get3A_701] {strides = array<i32>} : memref<2x128x128xf32, #tpu.memory_space<vmem>>, vector<1x1x16xf32>,
        %get3A_703 = vector.shape_cast %get3A_702 : vector<1x1x16xf32> to vector<16xf32>
        %add3A_704 = arith.addf %add3A_693, %get3A_703 : vector<16xf32>
        %mul3A_705 = arith.constant 16 : i32
        %mul3A_706 = arith.muli %scan3A_195, %mul3A_705 : i32
        %add3A_707 = arith.constant 14 : i32
        %add3A_708 = arith.addi %mul3A_706, %add3A_707 : i32
        %get3A_709 = arith.constant 1 : i32
        %get3A_710 = arith.index_cast %get3A_709 : i32 to index
        %get3A_711 = arith.index_cast %add3A_708 : i32 to index
        %get3A_712 = arith.constant 32 : index
        %get3A_713 = tpu.vector_load %arg9[%get3A_710, %get3A_711, %get3A_712] {strides = array<i32>} : memref<2x128x128xf32, #tpu.memory_space<vmem>>, vector<1x1x16xf32>,
        %get3A_714 = vector.shape_cast %get3A_713 : vector<1x1x16xf32> to vector<16xf32>
        %add3A_715 = arith.addf %add3A_704, %get3A_714 : vector<16xf32>
        %mul3A_716 = arith.constant 16 : i32
        %mul3A_717 = arith.muli %scan3A_195, %mul3A_716 : i32
        %add3A_718 = arith.constant 15 : i32
        %add3A_719 = arith.addi %mul3A_717, %add3A_718 : i32
        %get3A_720 = arith.constant 1 : i32
        %get3A_721 = arith.index_cast %get3A_720 : i32 to index
        %get3A_722 = arith.index_cast %add3A_719 : i32 to index
        %get3A_723 = arith.constant 32 : index
        %get3A_724 = tpu.vector_load %arg9[%get3A_721, %get3A_722, %get3A_723] {strides = array<i32>} : memref<2x128x128xf32, #tpu.memory_space<vmem>>, vector<1x1x16xf32>,
        %get3A_725 = vector.shape_cast %get3A_724 : vector<1x1x16xf32> to vector<16xf32>
        %add3A_726 = arith.addf %add3A_715, %get3A_725 : vector<16xf32>
        %swap3A_727 = arith.constant 1 : i32
        %swap3A_728 = arith.index_cast %swap3A_727 : i32 to index
        %swap3A_729 = arith.index_cast %scan3A_195 : i32 to index
        %swap3A_730 = arith.constant 32 : index
        %swap3A_731 = tpu.vector_load %arg10[%swap3A_728, %swap3A_729, %swap3A_730] {strides = array<i32>} : memref<2x8x128xf32, #tpu.memory_space<vmem>>, vector<1x1x16xf32>,
        %swap3A_732 = vector.shape_cast %swap3A_731 : vector<1x1x16xf32> to vector<16xf32>
        %swap3A_733 = vector.shape_cast %add3A_726 : vector<16xf32> to vector<1x1x16xf32>
        tpu.vector_store %arg10[%swap3A_728, %swap3A_729, %swap3A_730], %swap3A_733 {strides = array<i32>} : memref<2x8x128xf32, #tpu.memory_space<vmem>>, vector<1x1x16xf32>,
        %mul3A_734 = arith.constant 16 : i32
        %mul3A_735 = arith.muli %scan3A_195, %mul3A_734 : i32
        %get3A_736 = arith.constant 1 : i32
        %get3A_737 = arith.index_cast %get3A_736 : i32 to index
        %get3A_738 = arith.index_cast %mul3A_735 : i32 to index
        %get3A_739 = arith.constant 48 : index
        %get3A_740 = tpu.vector_load %arg9[%get3A_737, %get3A_738, %get3A_739] {strides = array<i32>} : memref<2x128x128xf32, #tpu.memory_space<vmem>>, vector<1x1x16xf32>,
        %get3A_741 = vector.shape_cast %get3A_740 : vector<1x1x16xf32> to vector<16xf32>
        %mul3A_742 = arith.constant 16 : i32
        %mul3A_743 = arith.muli %scan3A_195, %mul3A_742 : i32
        %add3A_744 = arith.constant 1 : i32
        %add3A_745 = arith.addi %mul3A_743, %add3A_744 : i32
        %get3A_746 = arith.constant 1 : i32
        %get3A_747 = arith.index_cast %get3A_746 : i32 to index
        %get3A_748 = arith.index_cast %add3A_745 : i32 to index
        %get3A_749 = arith.constant 48 : index
        %get3A_750 = tpu.vector_load %arg9[%get3A_747, %get3A_748, %get3A_749] {strides = array<i32>} : memref<2x128x128xf32, #tpu.memory_space<vmem>>, vector<1x1x16xf32>,
        %get3A_751 = vector.shape_cast %get3A_750 : vector<1x1x16xf32> to vector<16xf32>
        %add3A_752 = arith.addf %get3A_741, %get3A_751 : vector<16xf32>
        %mul3A_753 = arith.constant 16 : i32
        %mul3A_754 = arith.muli %scan3A_195, %mul3A_753 : i32
        %add3A_755 = arith.constant 2 : i32
        %add3A_756 = arith.addi %mul3A_754, %add3A_755 : i32
        %get3A_757 = arith.constant 1 : i32
        %get3A_758 = arith.index_cast %get3A_757 : i32 to index
        %get3A_759 = arith.index_cast %add3A_756 : i32 to index
        %get3A_760 = arith.constant 48 : index
        %get3A_761 = tpu.vector_load %arg9[%get3A_758, %get3A_759, %get3A_760] {strides = array<i32>} : memref<2x128x128xf32, #tpu.memory_space<vmem>>, vector<1x1x16xf32>,
        %get3A_762 = vector.shape_cast %get3A_761 : vector<1x1x16xf32> to vector<16xf32>
        %add3A_763 = arith.addf %add3A_752, %get3A_762 : vector<16xf32>
        %mul3A_764 = arith.constant 16 : i32
        %mul3A_765 = arith.muli %scan3A_195, %mul3A_764 : i32
        %add3A_766 = arith.constant 3 : i32
        %add3A_767 = arith.addi %mul3A_765, %add3A_766 : i32
        %get3A_768 = arith.constant 1 : i32
        %get3A_769 = arith.index_cast %get3A_768 : i32 to index
        %get3A_770 = arith.index_cast %add3A_767 : i32 to index
        %get3A_771 = arith.constant 48 : index
        %get3A_772 = tpu.vector_load %arg9[%get3A_769, %get3A_770, %get3A_771] {strides = array<i32>} : memref<2x128x128xf32, #tpu.memory_space<vmem>>, vector<1x1x16xf32>,
        %get3A_773 = vector.shape_cast %get3A_772 : vector<1x1x16xf32> to vector<16xf32>
        %add3A_774 = arith.addf %add3A_763, %get3A_773 : vector<16xf32>
        %mul3A_775 = arith.constant 16 : i32
        %mul3A_776 = arith.muli %scan3A_195, %mul3A_775 : i32
        %add3A_777 = arith.constant 4 : i32
        %add3A_778 = arith.addi %mul3A_776, %add3A_777 : i32
        %get3A_779 = arith.constant 1 : i32
        %get3A_780 = arith.index_cast %get3A_779 : i32 to index
        %get3A_781 = arith.index_cast %add3A_778 : i32 to index
        %get3A_782 = arith.constant 48 : index
        %get3A_783 = tpu.vector_load %arg9[%get3A_780, %get3A_781, %get3A_782] {strides = array<i32>} : memref<2x128x128xf32, #tpu.memory_space<vmem>>, vector<1x1x16xf32>,
        %get3A_784 = vector.shape_cast %get3A_783 : vector<1x1x16xf32> to vector<16xf32>
        %add3A_785 = arith.addf %add3A_774, %get3A_784 : vector<16xf32>
        %mul3A_786 = arith.constant 16 : i32
        %mul3A_787 = arith.muli %scan3A_195, %mul3A_786 : i32
        %add3A_788 = arith.constant 5 : i32
        %add3A_789 = arith.addi %mul3A_787, %add3A_788 : i32
        %get3A_790 = arith.constant 1 : i32
        %get3A_791 = arith.index_cast %get3A_790 : i32 to index
        %get3A_792 = arith.index_cast %add3A_789 : i32 to index
        %get3A_793 = arith.constant 48 : index
        %get3A_794 = tpu.vector_load %arg9[%get3A_791, %get3A_792, %get3A_793] {strides = array<i32>} : memref<2x128x128xf32, #tpu.memory_space<vmem>>, vector<1x1x16xf32>,
        %get3A_795 = vector.shape_cast %get3A_794 : vector<1x1x16xf32> to vector<16xf32>
        %add3A_796 = arith.addf %add3A_785, %get3A_795 : vector<16xf32>
        %mul3A_797 = arith.constant 16 : i32
        %mul3A_798 = arith.muli %scan3A_195, %mul3A_797 : i32
        %add3A_799 = arith.constant 6 : i32
        %add3A_800 = arith.addi %mul3A_798, %add3A_799 : i32
        %get3A_801 = arith.constant 1 : i32
        %get3A_802 = arith.index_cast %get3A_801 : i32 to index
        %get3A_803 = arith.index_cast %add3A_800 : i32 to index
        %get3A_804 = arith.constant 48 : index
        %get3A_805 = tpu.vector_load %arg9[%get3A_802, %get3A_803, %get3A_804] {strides = array<i32>} : memref<2x128x128xf32, #tpu.memory_space<vmem>>, vector<1x1x16xf32>,
        %get3A_806 = vector.shape_cast %get3A_805 : vector<1x1x16xf32> to vector<16xf32>
        %add3A_807 = arith.addf %add3A_796, %get3A_806 : vector<16xf32>
        %mul3A_808 = arith.constant 16 : i32
        %mul3A_809 = arith.muli %scan3A_195, %mul3A_808 : i32
        %add3A_810 = arith.constant 7 : i32
        %add3A_811 = arith.addi %mul3A_809, %add3A_810 : i32
        %get3A_812 = arith.constant 1 : i32
        %get3A_813 = arith.index_cast %get3A_812 : i32 to index
        %get3A_814 = arith.index_cast %add3A_811 : i32 to index
        %get3A_815 = arith.constant 48 : index
        %get3A_816 = tpu.vector_load %arg9[%get3A_813, %get3A_814, %get3A_815] {strides = array<i32>} : memref<2x128x128xf32, #tpu.memory_space<vmem>>, vector<1x1x16xf32>,
        %get3A_817 = vector.shape_cast %get3A_816 : vector<1x1x16xf32> to vector<16xf32>
        %add3A_818 = arith.addf %add3A_807, %get3A_817 : vector<16xf32>
        %mul3A_819 = arith.constant 16 : i32
        %mul3A_820 = arith.muli %scan3A_195, %mul3A_819 : i32
        %add3A_821 = arith.constant 8 : i32
        %add3A_822 = arith.addi %mul3A_820, %add3A_821 : i32
        %get3A_823 = arith.constant 1 : i32
        %get3A_824 = arith.index_cast %get3A_823 : i32 to index
        %get3A_825 = arith.index_cast %add3A_822 : i32 to index
        %get3A_826 = arith.constant 48 : index
        %get3A_827 = tpu.vector_load %arg9[%get3A_824, %get3A_825, %get3A_826] {strides = array<i32>} : memref<2x128x128xf32, #tpu.memory_space<vmem>>, vector<1x1x16xf32>,
        %get3A_828 = vector.shape_cast %get3A_827 : vector<1x1x16xf32> to vector<16xf32>
        %add3A_829 = arith.addf %add3A_818, %get3A_828 : vector<16xf32>
        %mul3A_830 = arith.constant 16 : i32
        %mul3A_831 = arith.muli %scan3A_195, %mul3A_830 : i32
        %add3A_832 = arith.constant 9 : i32
        %add3A_833 = arith.addi %mul3A_831, %add3A_832 : i32
        %get3A_834 = arith.constant 1 : i32
        %get3A_835 = arith.index_cast %get3A_834 : i32 to index
        %get3A_836 = arith.index_cast %add3A_833 : i32 to index
        %get3A_837 = arith.constant 48 : index
        %get3A_838 = tpu.vector_load %arg9[%get3A_835, %get3A_836, %get3A_837] {strides = array<i32>} : memref<2x128x128xf32, #tpu.memory_space<vmem>>, vector<1x1x16xf32>,
        %get3A_839 = vector.shape_cast %get3A_838 : vector<1x1x16xf32> to vector<16xf32>
        %add3A_840 = arith.addf %add3A_829, %get3A_839 : vector<16xf32>
        %mul3A_841 = arith.constant 16 : i32
        %mul3A_842 = arith.muli %scan3A_195, %mul3A_841 : i32
        %add3A_843 = arith.constant 10 : i32
        %add3A_844 = arith.addi %mul3A_842, %add3A_843 : i32
        %get3A_845 = arith.constant 1 : i32
        %get3A_846 = arith.index_cast %get3A_845 : i32 to index
        %get3A_847 = arith.index_cast %add3A_844 : i32 to index
        %get3A_848 = arith.constant 48 : index
        %get3A_849 = tpu.vector_load %arg9[%get3A_846, %get3A_847, %get3A_848] {strides = array<i32>} : memref<2x128x128xf32, #tpu.memory_space<vmem>>, vector<1x1x16xf32>,
        %get3A_850 = vector.shape_cast %get3A_849 : vector<1x1x16xf32> to vector<16xf32>
        %add3A_851 = arith.addf %add3A_840, %get3A_850 : vector<16xf32>
        %mul3A_852 = arith.constant 16 : i32
        %mul3A_853 = arith.muli %scan3A_195, %mul3A_852 : i32
        %add3A_854 = arith.constant 11 : i32
        %add3A_855 = arith.addi %mul3A_853, %add3A_854 : i32
        %get3A_856 = arith.constant 1 : i32
        %get3A_857 = arith.index_cast %get3A_856 : i32 to index
        %get3A_858 = arith.index_cast %add3A_855 : i32 to index
        %get3A_859 = arith.constant 48 : index
        %get3A_860 = tpu.vector_load %arg9[%get3A_857, %get3A_858, %get3A_859] {strides = array<i32>} : memref<2x128x128xf32, #tpu.memory_space<vmem>>, vector<1x1x16xf32>,
        %get3A_861 = vector.shape_cast %get3A_860 : vector<1x1x16xf32> to vector<16xf32>
        %add3A_862 = arith.addf %add3A_851, %get3A_861 : vector<16xf32>
        %mul3A_863 = arith.constant 16 : i32
        %mul3A_864 = arith.muli %scan3A_195, %mul3A_863 : i32
        %add3A_865 = arith.constant 12 : i32
        %add3A_866 = arith.addi %mul3A_864, %add3A_865 : i32
        %get3A_867 = arith.constant 1 : i32
        %get3A_868 = arith.index_cast %get3A_867 : i32 to index
        %get3A_869 = arith.index_cast %add3A_866 : i32 to index
        %get3A_870 = arith.constant 48 : index
        %get3A_871 = tpu.vector_load %arg9[%get3A_868, %get3A_869, %get3A_870] {strides = array<i32>} : memref<2x128x128xf32, #tpu.memory_space<vmem>>, vector<1x1x16xf32>,
        %get3A_872 = vector.shape_cast %get3A_871 : vector<1x1x16xf32> to vector<16xf32>
        %add3A_873 = arith.addf %add3A_862, %get3A_872 : vector<16xf32>
        %mul3A_874 = arith.constant 16 : i32
        %mul3A_875 = arith.muli %scan3A_195, %mul3A_874 : i32
        %add3A_876 = arith.constant 13 : i32
        %add3A_877 = arith.addi %mul3A_875, %add3A_876 : i32
        %get3A_878 = arith.constant 1 : i32
        %get3A_879 = arith.index_cast %get3A_878 : i32 to index
        %get3A_880 = arith.index_cast %add3A_877 : i32 to index
        %get3A_881 = arith.constant 48 : index
        %get3A_882 = tpu.vector_load %arg9[%get3A_879, %get3A_880, %get3A_881] {strides = array<i32>} : memref<2x128x128xf32, #tpu.memory_space<vmem>>, vector<1x1x16xf32>,
        %get3A_883 = vector.shape_cast %get3A_882 : vector<1x1x16xf32> to vector<16xf32>
        %add3A_884 = arith.addf %add3A_873, %get3A_883 : vector<16xf32>
        %mul3A_885 = arith.constant 16 : i32
        %mul3A_886 = arith.muli %scan3A_195, %mul3A_885 : i32
        %add3A_887 = arith.constant 14 : i32
        %add3A_888 = arith.addi %mul3A_886, %add3A_887 : i32
        %get3A_889 = arith.constant 1 : i32
        %get3A_890 = arith.index_cast %get3A_889 : i32 to index
        %get3A_891 = arith.index_cast %add3A_888 : i32 to index
        %get3A_892 = arith.constant 48 : index
        %get3A_893 = tpu.vector_load %arg9[%get3A_890, %get3A_891, %get3A_892] {strides = array<i32>} : memref<2x128x128xf32, #tpu.memory_space<vmem>>, vector<1x1x16xf32>,
        %get3A_894 = vector.shape_cast %get3A_893 : vector<1x1x16xf32> to vector<16xf32>
        %add3A_895 = arith.addf %add3A_884, %get3A_894 : vector<16xf32>
        %mul3A_896 = arith.constant 16 : i32
        %mul3A_897 = arith.muli %scan3A_195, %mul3A_896 : i32
        %add3A_898 = arith.constant 15 : i32
        %add3A_899 = arith.addi %mul3A_897, %add3A_898 : i32
        %get3A_900 = arith.constant 1 : i32
        %get3A_901 = arith.index_cast %get3A_900 : i32 to index
        %get3A_902 = arith.index_cast %add3A_899 : i32 to index
        %get3A_903 = arith.constant 48 : index
        %get3A_904 = tpu.vector_load %arg9[%get3A_901, %get3A_902, %get3A_903] {strides = array<i32>} : memref<2x128x128xf32, #tpu.memory_space<vmem>>, vector<1x1x16xf32>,
        %get3A_905 = vector.shape_cast %get3A_904 : vector<1x1x16xf32> to vector<16xf32>
        %add3A_906 = arith.addf %add3A_895, %get3A_905 : vector<16xf32>
        %swap3A_907 = arith.constant 1 : i32
        %swap3A_908 = arith.index_cast %swap3A_907 : i32 to index
        %swap3A_909 = arith.index_cast %scan3A_195 : i32 to index
        %swap3A_910 = arith.constant 48 : index
        %swap3A_911 = tpu.vector_load %arg10[%swap3A_908, %swap3A_909, %swap3A_910] {strides = array<i32>} : memref<2x8x128xf32, #tpu.memory_space<vmem>>, vector<1x1x16xf32>,
        %swap3A_912 = vector.shape_cast %swap3A_911 : vector<1x1x16xf32> to vector<16xf32>
        %swap3A_913 = vector.shape_cast %add3A_906 : vector<16xf32> to vector<1x1x16xf32>
        tpu.vector_store %arg10[%swap3A_908, %swap3A_909, %swap3A_910], %swap3A_913 {strides = array<i32>} : memref<2x8x128xf32, #tpu.memory_space<vmem>>, vector<1x1x16xf32>,
        %mul3A_914 = arith.constant 16 : i32
        %mul3A_915 = arith.muli %scan3A_195, %mul3A_914 : i32
        %get3A_916 = arith.constant 1 : i32
        %get3A_917 = arith.index_cast %get3A_916 : i32 to index
        %get3A_918 = arith.index_cast %mul3A_915 : i32 to index
        %get3A_919 = arith.constant 64 : index
        %get3A_920 = tpu.vector_load %arg9[%get3A_917, %get3A_918, %get3A_919] {strides = array<i32>} : memref<2x128x128xf32, #tpu.memory_space<vmem>>, vector<1x1x16xf32>,
        %get3A_921 = vector.shape_cast %get3A_920 : vector<1x1x16xf32> to vector<16xf32>
        %mul3A_922 = arith.constant 16 : i32
        %mul3A_923 = arith.muli %scan3A_195, %mul3A_922 : i32
        %add3A_924 = arith.constant 1 : i32
        %add3A_925 = arith.addi %mul3A_923, %add3A_924 : i32
        %get3A_926 = arith.constant 1 : i32
        %get3A_927 = arith.index_cast %get3A_926 : i32 to index
        %get3A_928 = arith.index_cast %add3A_925 : i32 to index
        %get3A_929 = arith.constant 64 : index
        %get3A_930 = tpu.vector_load %arg9[%get3A_927, %get3A_928, %get3A_929] {strides = array<i32>} : memref<2x128x128xf32, #tpu.memory_space<vmem>>, vector<1x1x16xf32>,
        %get3A_931 = vector.shape_cast %get3A_930 : vector<1x1x16xf32> to vector<16xf32>
        %add3A_932 = arith.addf %get3A_921, %get3A_931 : vector<16xf32>
        %mul3A_933 = arith.constant 16 : i32
        %mul3A_934 = arith.muli %scan3A_195, %mul3A_933 : i32
        %add3A_935 = arith.constant 2 : i32
        %add3A_936 = arith.addi %mul3A_934, %add3A_935 : i32
        %get3A_937 = arith.constant 1 : i32
        %get3A_938 = arith.index_cast %get3A_937 : i32 to index
        %get3A_939 = arith.index_cast %add3A_936 : i32 to index
        %get3A_940 = arith.constant 64 : index
        %get3A_941 = tpu.vector_load %arg9[%get3A_938, %get3A_939, %get3A_940] {strides = array<i32>} : memref<2x128x128xf32, #tpu.memory_space<vmem>>, vector<1x1x16xf32>,
        %get3A_942 = vector.shape_cast %get3A_941 : vector<1x1x16xf32> to vector<16xf32>
        %add3A_943 = arith.addf %add3A_932, %get3A_942 : vector<16xf32>
        %mul3A_944 = arith.constant 16 : i32
        %mul3A_945 = arith.muli %scan3A_195, %mul3A_944 : i32
        %add3A_946 = arith.constant 3 : i32
        %add3A_947 = arith.addi %mul3A_945, %add3A_946 : i32
        %get3A_948 = arith.constant 1 : i32
        %get3A_949 = arith.index_cast %get3A_948 : i32 to index
        %get3A_950 = arith.index_cast %add3A_947 : i32 to index
        %get3A_951 = arith.constant 64 : index
        %get3A_952 = tpu.vector_load %arg9[%get3A_949, %get3A_950, %get3A_951] {strides = array<i32>} : memref<2x128x128xf32, #tpu.memory_space<vmem>>, vector<1x1x16xf32>,
        %get3A_953 = vector.shape_cast %get3A_952 : vector<1x1x16xf32> to vector<16xf32>
        %add3A_954 = arith.addf %add3A_943, %get3A_953 : vector<16xf32>
        %mul3A_955 = arith.constant 16 : i32
        %mul3A_956 = arith.muli %scan3A_195, %mul3A_955 : i32
        %add3A_957 = arith.constant 4 : i32
        %add3A_958 = arith.addi %mul3A_956, %add3A_957 : i32
        %get3A_959 = arith.constant 1 : i32
        %get3A_960 = arith.index_cast %get3A_959 : i32 to index
        %get3A_961 = arith.index_cast %add3A_958 : i32 to index
        %get3A_962 = arith.constant 64 : index
        %get3A_963 = tpu.vector_load %arg9[%get3A_960, %get3A_961, %get3A_962] {strides = array<i32>} : memref<2x128x128xf32, #tpu.memory_space<vmem>>, vector<1x1x16xf32>,
        %get3A_964 = vector.shape_cast %get3A_963 : vector<1x1x16xf32> to vector<16xf32>
        %add3A_965 = arith.addf %add3A_954, %get3A_964 : vector<16xf32>
        %mul3A_966 = arith.constant 16 : i32
        %mul3A_967 = arith.muli %scan3A_195, %mul3A_966 : i32
        %add3A_968 = arith.constant 5 : i32
        %add3A_969 = arith.addi %mul3A_967, %add3A_968 : i32
        %get3A_970 = arith.constant 1 : i32
        %get3A_971 = arith.index_cast %get3A_970 : i32 to index
        %get3A_972 = arith.index_cast %add3A_969 : i32 to index
        %get3A_973 = arith.constant 64 : index
        %get3A_974 = tpu.vector_load %arg9[%get3A_971, %get3A_972, %get3A_973] {strides = array<i32>} : memref<2x128x128xf32, #tpu.memory_space<vmem>>, vector<1x1x16xf32>,
        %get3A_975 = vector.shape_cast %get3A_974 : vector<1x1x16xf32> to vector<16xf32>
        %add3A_976 = arith.addf %add3A_965, %get3A_975 : vector<16xf32>
        %mul3A_977 = arith.constant 16 : i32
        %mul3A_978 = arith.muli %scan3A_195, %mul3A_977 : i32
        %add3A_979 = arith.constant 6 : i32
        %add3A_980 = arith.addi %mul3A_978, %add3A_979 : i32
        %get3A_981 = arith.constant 1 : i32
        %get3A_982 = arith.index_cast %get3A_981 : i32 to index
        %get3A_983 = arith.index_cast %add3A_980 : i32 to index
        %get3A_984 = arith.constant 64 : index
        %get3A_985 = tpu.vector_load %arg9[%get3A_982, %get3A_983, %get3A_984] {strides = array<i32>} : memref<2x128x128xf32, #tpu.memory_space<vmem>>, vector<1x1x16xf32>,
        %get3A_986 = vector.shape_cast %get3A_985 : vector<1x1x16xf32> to vector<16xf32>
        %add3A_987 = arith.addf %add3A_976, %get3A_986 : vector<16xf32>
        %mul3A_988 = arith.constant 16 : i32
        %mul3A_989 = arith.muli %scan3A_195, %mul3A_988 : i32
        %add3A_990 = arith.constant 7 : i32
        %add3A_991 = arith.addi %mul3A_989, %add3A_990 : i32
        %get3A_992 = arith.constant 1 : i32
        %get3A_993 = arith.index_cast %get3A_992 : i32 to index
        %get3A_994 = arith.index_cast %add3A_991 : i32 to index
        %get3A_995 = arith.constant 64 : index
        %get3A_996 = tpu.vector_load %arg9[%get3A_993, %get3A_994, %get3A_995] {strides = array<i32>} : memref<2x128x128xf32, #tpu.memory_space<vmem>>, vector<1x1x16xf32>,
        %get3A_997 = vector.shape_cast %get3A_996 : vector<1x1x16xf32> to vector<16xf32>
        %add3A_998 = arith.addf %add3A_987, %get3A_997 : vector<16xf32>
        %mul3A_999 = arith.constant 16 : i32
        %mul3A_1000 = arith.muli %scan3A_195, %mul3A_999 : i32
        %add3A_1001 = arith.constant 8 : i32
        %add3A_1002 = arith.addi %mul3A_1000, %add3A_1001 : i32
        %get3A_1003 = arith.constant 1 : i32
        %get3A_1004 = arith.index_cast %get3A_1003 : i32 to index
        %get3A_1005 = arith.index_cast %add3A_1002 : i32 to index
        %get3A_1006 = arith.constant 64 : index
        %get3A_1007 = tpu.vector_load %arg9[%get3A_1004, %get3A_1005, %get3A_1006] {strides = array<i32>} : memref<2x128x128xf32, #tpu.memory_space<vmem>>, vector<1x1x16xf32>,
        %get3A_1008 = vector.shape_cast %get3A_1007 : vector<1x1x16xf32> to vector<16xf32>
        %add3A_1009 = arith.addf %add3A_998, %get3A_1008 : vector<16xf32>
        %mul3A_1010 = arith.constant 16 : i32
        %mul3A_1011 = arith.muli %scan3A_195, %mul3A_1010 : i32
        %add3A_1012 = arith.constant 9 : i32
        %add3A_1013 = arith.addi %mul3A_1011, %add3A_1012 : i32
        %get3A_1014 = arith.constant 1 : i32
        %get3A_1015 = arith.index_cast %get3A_1014 : i32 to index
        %get3A_1016 = arith.index_cast %add3A_1013 : i32 to index
        %get3A_1017 = arith.constant 64 : index
        %get3A_1018 = tpu.vector_load %arg9[%get3A_1015, %get3A_1016, %get3A_1017] {strides = array<i32>} : memref<2x128x128xf32, #tpu.memory_space<vmem>>, vector<1x1x16xf32>,
        %get3A_1019 = vector.shape_cast %get3A_1018 : vector<1x1x16xf32> to vector<16xf32>
        %add3A_1020 = arith.addf %add3A_1009, %get3A_1019 : vector<16xf32>
        %mul3A_1021 = arith.constant 16 : i32
        %mul3A_1022 = arith.muli %scan3A_195, %mul3A_1021 : i32
        %add3A_1023 = arith.constant 10 : i32
        %add3A_1024 = arith.addi %mul3A_1022, %add3A_1023 : i32
        %get3A_1025 = arith.constant 1 : i32
        %get3A_1026 = arith.index_cast %get3A_1025 : i32 to index
        %get3A_1027 = arith.index_cast %add3A_1024 : i32 to index
        %get3A_1028 = arith.constant 64 : index
        %get3A_1029 = tpu.vector_load %arg9[%get3A_1026, %get3A_1027, %get3A_1028] {strides = array<i32>} : memref<2x128x128xf32, #tpu.memory_space<vmem>>, vector<1x1x16xf32>,
        %get3A_1030 = vector.shape_cast %get3A_1029 : vector<1x1x16xf32> to vector<16xf32>
        %add3A_1031 = arith.addf %add3A_1020, %get3A_1030 : vector<16xf32>
        %mul3A_1032 = arith.constant 16 : i32
        %mul3A_1033 = arith.muli %scan3A_195, %mul3A_1032 : i32
        %add3A_1034 = arith.constant 11 : i32
        %add3A_1035 = arith.addi %mul3A_1033, %add3A_1034 : i32
        %get3A_1036 = arith.constant 1 : i32
        %get3A_1037 = arith.index_cast %get3A_1036 : i32 to index
        %get3A_1038 = arith.index_cast %add3A_1035 : i32 to index
        %get3A_1039 = arith.constant 64 : index
        %get3A_1040 = tpu.vector_load %arg9[%get3A_1037, %get3A_1038, %get3A_1039] {strides = array<i32>} : memref<2x128x128xf32, #tpu.memory_space<vmem>>, vector<1x1x16xf32>,
        %get3A_1041 = vector.shape_cast %get3A_1040 : vector<1x1x16xf32> to vector<16xf32>
        %add3A_1042 = arith.addf %add3A_1031, %get3A_1041 : vector<16xf32>
        %mul3A_1043 = arith.constant 16 : i32
        %mul3A_1044 = arith.muli %scan3A_195, %mul3A_1043 : i32
        %add3A_1045 = arith.constant 12 : i32
        %add3A_1046 = arith.addi %mul3A_1044, %add3A_1045 : i32
        %get3A_1047 = arith.constant 1 : i32
        %get3A_1048 = arith.index_cast %get3A_1047 : i32 to index
        %get3A_1049 = arith.index_cast %add3A_1046 : i32 to index
        %get3A_1050 = arith.constant 64 : index
        %get3A_1051 = tpu.vector_load %arg9[%get3A_1048, %get3A_1049, %get3A_1050] {strides = array<i32>} : memref<2x128x128xf32, #tpu.memory_space<vmem>>, vector<1x1x16xf32>,
        %get3A_1052 = vector.shape_cast %get3A_1051 : vector<1x1x16xf32> to vector<16xf32>
        %add3A_1053 = arith.addf %add3A_1042, %get3A_1052 : vector<16xf32>
        %mul3A_1054 = arith.constant 16 : i32
        %mul3A_1055 = arith.muli %scan3A_195, %mul3A_1054 : i32
        %add3A_1056 = arith.constant 13 : i32
        %add3A_1057 = arith.addi %mul3A_1055, %add3A_1056 : i32
        %get3A_1058 = arith.constant 1 : i32
        %get3A_1059 = arith.index_cast %get3A_1058 : i32 to index
        %get3A_1060 = arith.index_cast %add3A_1057 : i32 to index
        %get3A_1061 = arith.constant 64 : index
        %get3A_1062 = tpu.vector_load %arg9[%get3A_1059, %get3A_1060, %get3A_1061] {strides = array<i32>} : memref<2x128x128xf32, #tpu.memory_space<vmem>>, vector<1x1x16xf32>,
        %get3A_1063 = vector.shape_cast %get3A_1062 : vector<1x1x16xf32> to vector<16xf32>
        %add3A_1064 = arith.addf %add3A_1053, %get3A_1063 : vector<16xf32>
        %mul3A_1065 = arith.constant 16 : i32
        %mul3A_1066 = arith.muli %scan3A_195, %mul3A_1065 : i32
        %add3A_1067 = arith.constant 14 : i32
        %add3A_1068 = arith.addi %mul3A_1066, %add3A_1067 : i32
        %get3A_1069 = arith.constant 1 : i32
        %get3A_1070 = arith.index_cast %get3A_1069 : i32 to index
        %get3A_1071 = arith.index_cast %add3A_1068 : i32 to index
        %get3A_1072 = arith.constant 64 : index
        %get3A_1073 = tpu.vector_load %arg9[%get3A_1070, %get3A_1071, %get3A_1072] {strides = array<i32>} : memref<2x128x128xf32, #tpu.memory_space<vmem>>, vector<1x1x16xf32>,
        %get3A_1074 = vector.shape_cast %get3A_1073 : vector<1x1x16xf32> to vector<16xf32>
        %add3A_1075 = arith.addf %add3A_1064, %get3A_1074 : vector<16xf32>
        %mul3A_1076 = arith.constant 16 : i32
        %mul3A_1077 = arith.muli %scan3A_195, %mul3A_1076 : i32
        %add3A_1078 = arith.constant 15 : i32
        %add3A_1079 = arith.addi %mul3A_1077, %add3A_1078 : i32
        %get3A_1080 = arith.constant 1 : i32
        %get3A_1081 = arith.index_cast %get3A_1080 : i32 to index
        %get3A_1082 = arith.index_cast %add3A_1079 : i32 to index
        %get3A_1083 = arith.constant 64 : index
        %get3A_1084 = tpu.vector_load %arg9[%get3A_1081, %get3A_1082, %get3A_1083] {strides = array<i32>} : memref<2x128x128xf32, #tpu.memory_space<vmem>>, vector<1x1x16xf32>,
        %get3A_1085 = vector.shape_cast %get3A_1084 : vector<1x1x16xf32> to vector<16xf32>
        %add3A_1086 = arith.addf %add3A_1075, %get3A_1085 : vector<16xf32>
        %swap3A_1087 = arith.constant 1 : i32
        %swap3A_1088 = arith.index_cast %swap3A_1087 : i32 to index
        %swap3A_1089 = arith.index_cast %scan3A_195 : i32 to index
        %swap3A_1090 = arith.constant 64 : index
        %swap3A_1091 = tpu.vector_load %arg10[%swap3A_1088, %swap3A_1089, %swap3A_1090] {strides = array<i32>} : memref<2x8x128xf32, #tpu.memory_space<vmem>>, vector<1x1x16xf32>,
        %swap3A_1092 = vector.shape_cast %swap3A_1091 : vector<1x1x16xf32> to vector<16xf32>
        %swap3A_1093 = vector.shape_cast %add3A_1086 : vector<16xf32> to vector<1x1x16xf32>
        tpu.vector_store %arg10[%swap3A_1088, %swap3A_1089, %swap3A_1090], %swap3A_1093 {strides = array<i32>} : memref<2x8x128xf32, #tpu.memory_space<vmem>>, vector<1x1x16xf32>,
        %mul3A_1094 = arith.constant 16 : i32
        %mul3A_1095 = arith.muli %scan3A_195, %mul3A_1094 : i32
        %get3A_1096 = arith.constant 1 : i32
        %get3A_1097 = arith.index_cast %get3A_1096 : i32 to index
        %get3A_1098 = arith.index_cast %mul3A_1095 : i32 to index
        %get3A_1099 = arith.constant 80 : index
        %get3A_1100 = tpu.vector_load %arg9[%get3A_1097, %get3A_1098, %get3A_1099] {strides = array<i32>} : memref<2x128x128xf32, #tpu.memory_space<vmem>>, vector<1x1x16xf32>,
        %get3A_1101 = vector.shape_cast %get3A_1100 : vector<1x1x16xf32> to vector<16xf32>
        %mul3A_1102 = arith.constant 16 : i32
        %mul3A_1103 = arith.muli %scan3A_195, %mul3A_1102 : i32
        %add3A_1104 = arith.constant 1 : i32
        %add3A_1105 = arith.addi %mul3A_1103, %add3A_1104 : i32
        %get3A_1106 = arith.constant 1 : i32
        %get3A_1107 = arith.index_cast %get3A_1106 : i32 to index
        %get3A_1108 = arith.index_cast %add3A_1105 : i32 to index
        %get3A_1109 = arith.constant 80 : index
        %get3A_1110 = tpu.vector_load %arg9[%get3A_1107, %get3A_1108, %get3A_1109] {strides = array<i32>} : memref<2x128x128xf32, #tpu.memory_space<vmem>>, vector<1x1x16xf32>,
        %get3A_1111 = vector.shape_cast %get3A_1110 : vector<1x1x16xf32> to vector<16xf32>
        %add3A_1112 = arith.addf %get3A_1101, %get3A_1111 : vector<16xf32>
        %mul3A_1113 = arith.constant 16 : i32
        %mul3A_1114 = arith.muli %scan3A_195, %mul3A_1113 : i32
        %add3A_1115 = arith.constant 2 : i32
        %add3A_1116 = arith.addi %mul3A_1114, %add3A_1115 : i32
        %get3A_1117 = arith.constant 1 : i32
        %get3A_1118 = arith.index_cast %get3A_1117 : i32 to index
        %get3A_1119 = arith.index_cast %add3A_1116 : i32 to index
        %get3A_1120 = arith.constant 80 : index
        %get3A_1121 = tpu.vector_load %arg9[%get3A_1118, %get3A_1119, %get3A_1120] {strides = array<i32>} : memref<2x128x128xf32, #tpu.memory_space<vmem>>, vector<1x1x16xf32>,
        %get3A_1122 = vector.shape_cast %get3A_1121 : vector<1x1x16xf32> to vector<16xf32>
        %add3A_1123 = arith.addf %add3A_1112, %get3A_1122 : vector<16xf32>
        %mul3A_1124 = arith.constant 16 : i32
        %mul3A_1125 = arith.muli %scan3A_195, %mul3A_1124 : i32
        %add3A_1126 = arith.constant 3 : i32
        %add3A_1127 = arith.addi %mul3A_1125, %add3A_1126 : i32
        %get3A_1128 = arith.constant 1 : i32
        %get3A_1129 = arith.index_cast %get3A_1128 : i32 to index
        %get3A_1130 = arith.index_cast %add3A_1127 : i32 to index
        %get3A_1131 = arith.constant 80 : index
        %get3A_1132 = tpu.vector_load %arg9[%get3A_1129, %get3A_1130, %get3A_1131] {strides = array<i32>} : memref<2x128x128xf32, #tpu.memory_space<vmem>>, vector<1x1x16xf32>,
        %get3A_1133 = vector.shape_cast %get3A_1132 : vector<1x1x16xf32> to vector<16xf32>
        %add3A_1134 = arith.addf %add3A_1123, %get3A_1133 : vector<16xf32>
        %mul3A_1135 = arith.constant 16 : i32
        %mul3A_1136 = arith.muli %scan3A_195, %mul3A_1135 : i32
        %add3A_1137 = arith.constant 4 : i32
        %add3A_1138 = arith.addi %mul3A_1136, %add3A_1137 : i32
        %get3A_1139 = arith.constant 1 : i32
        %get3A_1140 = arith.index_cast %get3A_1139 : i32 to index
        %get3A_1141 = arith.index_cast %add3A_1138 : i32 to index
        %get3A_1142 = arith.constant 80 : index
        %get3A_1143 = tpu.vector_load %arg9[%get3A_1140, %get3A_1141, %get3A_1142] {strides = array<i32>} : memref<2x128x128xf32, #tpu.memory_space<vmem>>, vector<1x1x16xf32>,
        %get3A_1144 = vector.shape_cast %get3A_1143 : vector<1x1x16xf32> to vector<16xf32>
        %add3A_1145 = arith.addf %add3A_1134, %get3A_1144 : vector<16xf32>
        %mul3A_1146 = arith.constant 16 : i32
        %mul3A_1147 = arith.muli %scan3A_195, %mul3A_1146 : i32
        %add3A_1148 = arith.constant 5 : i32
        %add3A_1149 = arith.addi %mul3A_1147, %add3A_1148 : i32
        %get3A_1150 = arith.constant 1 : i32
        %get3A_1151 = arith.index_cast %get3A_1150 : i32 to index
        %get3A_1152 = arith.index_cast %add3A_1149 : i32 to index
        %get3A_1153 = arith.constant 80 : index
        %get3A_1154 = tpu.vector_load %arg9[%get3A_1151, %get3A_1152, %get3A_1153] {strides = array<i32>} : memref<2x128x128xf32, #tpu.memory_space<vmem>>, vector<1x1x16xf32>,
        %get3A_1155 = vector.shape_cast %get3A_1154 : vector<1x1x16xf32> to vector<16xf32>
        %add3A_1156 = arith.addf %add3A_1145, %get3A_1155 : vector<16xf32>
        %mul3A_1157 = arith.constant 16 : i32
        %mul3A_1158 = arith.muli %scan3A_195, %mul3A_1157 : i32
        %add3A_1159 = arith.constant 6 : i32
        %add3A_1160 = arith.addi %mul3A_1158, %add3A_1159 : i32
        %get3A_1161 = arith.constant 1 : i32
        %get3A_1162 = arith.index_cast %get3A_1161 : i32 to index
        %get3A_1163 = arith.index_cast %add3A_1160 : i32 to index
        %get3A_1164 = arith.constant 80 : index
        %get3A_1165 = tpu.vector_load %arg9[%get3A_1162, %get3A_1163, %get3A_1164] {strides = array<i32>} : memref<2x128x128xf32, #tpu.memory_space<vmem>>, vector<1x1x16xf32>,
        %get3A_1166 = vector.shape_cast %get3A_1165 : vector<1x1x16xf32> to vector<16xf32>
        %add3A_1167 = arith.addf %add3A_1156, %get3A_1166 : vector<16xf32>
        %mul3A_1168 = arith.constant 16 : i32
        %mul3A_1169 = arith.muli %scan3A_195, %mul3A_1168 : i32
        %add3A_1170 = arith.constant 7 : i32
        %add3A_1171 = arith.addi %mul3A_1169, %add3A_1170 : i32
        %get3A_1172 = arith.constant 1 : i32
        %get3A_1173 = arith.index_cast %get3A_1172 : i32 to index
        %get3A_1174 = arith.index_cast %add3A_1171 : i32 to index
        %get3A_1175 = arith.constant 80 : index
        %get3A_1176 = tpu.vector_load %arg9[%get3A_1173, %get3A_1174, %get3A_1175] {strides = array<i32>} : memref<2x128x128xf32, #tpu.memory_space<vmem>>, vector<1x1x16xf32>,
        %get3A_1177 = vector.shape_cast %get3A_1176 : vector<1x1x16xf32> to vector<16xf32>
        %add3A_1178 = arith.addf %add3A_1167, %get3A_1177 : vector<16xf32>
        %mul3A_1179 = arith.constant 16 : i32
        %mul3A_1180 = arith.muli %scan3A_195, %mul3A_1179 : i32
        %add3A_1181 = arith.constant 8 : i32
        %add3A_1182 = arith.addi %mul3A_1180, %add3A_1181 : i32
        %get3A_1183 = arith.constant 1 : i32
        %get3A_1184 = arith.index_cast %get3A_1183 : i32 to index
        %get3A_1185 = arith.index_cast %add3A_1182 : i32 to index
        %get3A_1186 = arith.constant 80 : index
        %get3A_1187 = tpu.vector_load %arg9[%get3A_1184, %get3A_1185, %get3A_1186] {strides = array<i32>} : memref<2x128x128xf32, #tpu.memory_space<vmem>>, vector<1x1x16xf32>,
        %get3A_1188 = vector.shape_cast %get3A_1187 : vector<1x1x16xf32> to vector<16xf32>
        %add3A_1189 = arith.addf %add3A_1178, %get3A_1188 : vector<16xf32>
        %mul3A_1190 = arith.constant 16 : i32
        %mul3A_1191 = arith.muli %scan3A_195, %mul3A_1190 : i32
        %add3A_1192 = arith.constant 9 : i32
        %add3A_1193 = arith.addi %mul3A_1191, %add3A_1192 : i32
        %get3A_1194 = arith.constant 1 : i32
        %get3A_1195 = arith.index_cast %get3A_1194 : i32 to index
        %get3A_1196 = arith.index_cast %add3A_1193 : i32 to index
        %get3A_1197 = arith.constant 80 : index
        %get3A_1198 = tpu.vector_load %arg9[%get3A_1195, %get3A_1196, %get3A_1197] {strides = array<i32>} : memref<2x128x128xf32, #tpu.memory_space<vmem>>, vector<1x1x16xf32>,
        %get3A_1199 = vector.shape_cast %get3A_1198 : vector<1x1x16xf32> to vector<16xf32>
        %add3A_1200 = arith.addf %add3A_1189, %get3A_1199 : vector<16xf32>
        %mul3A_1201 = arith.constant 16 : i32
        %mul3A_1202 = arith.muli %scan3A_195, %mul3A_1201 : i32
        %add3A_1203 = arith.constant 10 : i32
        %add3A_1204 = arith.addi %mul3A_1202, %add3A_1203 : i32
        %get3A_1205 = arith.constant 1 : i32
        %get3A_1206 = arith.index_cast %get3A_1205 : i32 to index
        %get3A_1207 = arith.index_cast %add3A_1204 : i32 to index
        %get3A_1208 = arith.constant 80 : index
        %get3A_1209 = tpu.vector_load %arg9[%get3A_1206, %get3A_1207, %get3A_1208] {strides = array<i32>} : memref<2x128x128xf32, #tpu.memory_space<vmem>>, vector<1x1x16xf32>,
        %get3A_1210 = vector.shape_cast %get3A_1209 : vector<1x1x16xf32> to vector<16xf32>
        %add3A_1211 = arith.addf %add3A_1200, %get3A_1210 : vector<16xf32>
        %mul3A_1212 = arith.constant 16 : i32
        %mul3A_1213 = arith.muli %scan3A_195, %mul3A_1212 : i32
        %add3A_1214 = arith.constant 11 : i32
        %add3A_1215 = arith.addi %mul3A_1213, %add3A_1214 : i32
        %get3A_1216 = arith.constant 1 : i32
        %get3A_1217 = arith.index_cast %get3A_1216 : i32 to index
        %get3A_1218 = arith.index_cast %add3A_1215 : i32 to index
        %get3A_1219 = arith.constant 80 : index
        %get3A_1220 = tpu.vector_load %arg9[%get3A_1217, %get3A_1218, %get3A_1219] {strides = array<i32>} : memref<2x128x128xf32, #tpu.memory_space<vmem>>, vector<1x1x16xf32>,
        %get3A_1221 = vector.shape_cast %get3A_1220 : vector<1x1x16xf32> to vector<16xf32>
        %add3A_1222 = arith.addf %add3A_1211, %get3A_1221 : vector<16xf32>
        %mul3A_1223 = arith.constant 16 : i32
        %mul3A_1224 = arith.muli %scan3A_195, %mul3A_1223 : i32
        %add3A_1225 = arith.constant 12 : i32
        %add3A_1226 = arith.addi %mul3A_1224, %add3A_1225 : i32
        %get3A_1227 = arith.constant 1 : i32
        %get3A_1228 = arith.index_cast %get3A_1227 : i32 to index
        %get3A_1229 = arith.index_cast %add3A_1226 : i32 to index
        %get3A_1230 = arith.constant 80 : index
        %get3A_1231 = tpu.vector_load %arg9[%get3A_1228, %get3A_1229, %get3A_1230] {strides = array<i32>} : memref<2x128x128xf32, #tpu.memory_space<vmem>>, vector<1x1x16xf32>,
        %get3A_1232 = vector.shape_cast %get3A_1231 : vector<1x1x16xf32> to vector<16xf32>
        %add3A_1233 = arith.addf %add3A_1222, %get3A_1232 : vector<16xf32>
        %mul3A_1234 = arith.constant 16 : i32
        %mul3A_1235 = arith.muli %scan3A_195, %mul3A_1234 : i32
        %add3A_1236 = arith.constant 13 : i32
        %add3A_1237 = arith.addi %mul3A_1235, %add3A_1236 : i32
        %get3A_1238 = arith.constant 1 : i32
        %get3A_1239 = arith.index_cast %get3A_1238 : i32 to index
        %get3A_1240 = arith.index_cast %add3A_1237 : i32 to index
        %get3A_1241 = arith.constant 80 : index
        %get3A_1242 = tpu.vector_load %arg9[%get3A_1239, %get3A_1240, %get3A_1241] {strides = array<i32>} : memref<2x128x128xf32, #tpu.memory_space<vmem>>, vector<1x1x16xf32>,
        %get3A_1243 = vector.shape_cast %get3A_1242 : vector<1x1x16xf32> to vector<16xf32>
        %add3A_1244 = arith.addf %add3A_1233, %get3A_1243 : vector<16xf32>
        %mul3A_1245 = arith.constant 16 : i32
        %mul3A_1246 = arith.muli %scan3A_195, %mul3A_1245 : i32
        %add3A_1247 = arith.constant 14 : i32
        %add3A_1248 = arith.addi %mul3A_1246, %add3A_1247 : i32
        %get3A_1249 = arith.constant 1 : i32
        %get3A_1250 = arith.index_cast %get3A_1249 : i32 to index
        %get3A_1251 = arith.index_cast %add3A_1248 : i32 to index
        %get3A_1252 = arith.constant 80 : index
        %get3A_1253 = tpu.vector_load %arg9[%get3A_1250, %get3A_1251, %get3A_1252] {strides = array<i32>} : memref<2x128x128xf32, #tpu.memory_space<vmem>>, vector<1x1x16xf32>,
        %get3A_1254 = vector.shape_cast %get3A_1253 : vector<1x1x16xf32> to vector<16xf32>
        %add3A_1255 = arith.addf %add3A_1244, %get3A_1254 : vector<16xf32>
        %mul3A_1256 = arith.constant 16 : i32
        %mul3A_1257 = arith.muli %scan3A_195, %mul3A_1256 : i32
        %add3A_1258 = arith.constant 15 : i32
        %add3A_1259 = arith.addi %mul3A_1257, %add3A_1258 : i32
        %get3A_1260 = arith.constant 1 : i32
        %get3A_1261 = arith.index_cast %get3A_1260 : i32 to index
        %get3A_1262 = arith.index_cast %add3A_1259 : i32 to index
        %get3A_1263 = arith.constant 80 : index
        %get3A_1264 = tpu.vector_load %arg9[%get3A_1261, %get3A_1262, %get3A_1263] {strides = array<i32>} : memref<2x128x128xf32, #tpu.memory_space<vmem>>, vector<1x1x16xf32>,
        %get3A_1265 = vector.shape_cast %get3A_1264 : vector<1x1x16xf32> to vector<16xf32>
        %add3A_1266 = arith.addf %add3A_1255, %get3A_1265 : vector<16xf32>
        %swap3A_1267 = arith.constant 1 : i32
        %swap3A_1268 = arith.index_cast %swap3A_1267 : i32 to index
        %swap3A_1269 = arith.index_cast %scan3A_195 : i32 to index
        %swap3A_1270 = arith.constant 80 : index
        %swap3A_1271 = tpu.vector_load %arg10[%swap3A_1268, %swap3A_1269, %swap3A_1270] {strides = array<i32>} : memref<2x8x128xf32, #tpu.memory_space<vmem>>, vector<1x1x16xf32>,
        %swap3A_1272 = vector.shape_cast %swap3A_1271 : vector<1x1x16xf32> to vector<16xf32>
        %swap3A_1273 = vector.shape_cast %add3A_1266 : vector<16xf32> to vector<1x1x16xf32>
        tpu.vector_store %arg10[%swap3A_1268, %swap3A_1269, %swap3A_1270], %swap3A_1273 {strides = array<i32>} : memref<2x8x128xf32, #tpu.memory_space<vmem>>, vector<1x1x16xf32>,
        %mul3A_1274 = arith.constant 16 : i32
        %mul3A_1275 = arith.muli %scan3A_195, %mul3A_1274 : i32
        %get3A_1276 = arith.constant 1 : i32
        %get3A_1277 = arith.index_cast %get3A_1276 : i32 to index
        %get3A_1278 = arith.index_cast %mul3A_1275 : i32 to index
        %get3A_1279 = arith.constant 96 : index
        %get3A_1280 = tpu.vector_load %arg9[%get3A_1277, %get3A_1278, %get3A_1279] {strides = array<i32>} : memref<2x128x128xf32, #tpu.memory_space<vmem>>, vector<1x1x16xf32>,
        %get3A_1281 = vector.shape_cast %get3A_1280 : vector<1x1x16xf32> to vector<16xf32>
        %mul3A_1282 = arith.constant 16 : i32
        %mul3A_1283 = arith.muli %scan3A_195, %mul3A_1282 : i32
        %add3A_1284 = arith.constant 1 : i32
        %add3A_1285 = arith.addi %mul3A_1283, %add3A_1284 : i32
        %get3A_1286 = arith.constant 1 : i32
        %get3A_1287 = arith.index_cast %get3A_1286 : i32 to index
        %get3A_1288 = arith.index_cast %add3A_1285 : i32 to index
        %get3A_1289 = arith.constant 96 : index
        %get3A_1290 = tpu.vector_load %arg9[%get3A_1287, %get3A_1288, %get3A_1289] {strides = array<i32>} : memref<2x128x128xf32, #tpu.memory_space<vmem>>, vector<1x1x16xf32>,
        %get3A_1291 = vector.shape_cast %get3A_1290 : vector<1x1x16xf32> to vector<16xf32>
        %add3A_1292 = arith.addf %get3A_1281, %get3A_1291 : vector<16xf32>
        %mul3A_1293 = arith.constant 16 : i32
        %mul3A_1294 = arith.muli %scan3A_195, %mul3A_1293 : i32
        %add3A_1295 = arith.constant 2 : i32
        %add3A_1296 = arith.addi %mul3A_1294, %add3A_1295 : i32
        %get3A_1297 = arith.constant 1 : i32
        %get3A_1298 = arith.index_cast %get3A_1297 : i32 to index
        %get3A_1299 = arith.index_cast %add3A_1296 : i32 to index
        %get3A_1300 = arith.constant 96 : index
        %get3A_1301 = tpu.vector_load %arg9[%get3A_1298, %get3A_1299, %get3A_1300] {strides = array<i32>} : memref<2x128x128xf32, #tpu.memory_space<vmem>>, vector<1x1x16xf32>,
        %get3A_1302 = vector.shape_cast %get3A_1301 : vector<1x1x16xf32> to vector<16xf32>
        %add3A_1303 = arith.addf %add3A_1292, %get3A_1302 : vector<16xf32>
        %mul3A_1304 = arith.constant 16 : i32
        %mul3A_1305 = arith.muli %scan3A_195, %mul3A_1304 : i32
        %add3A_1306 = arith.constant 3 : i32
        %add3A_1307 = arith.addi %mul3A_1305, %add3A_1306 : i32
        %get3A_1308 = arith.constant 1 : i32
        %get3A_1309 = arith.index_cast %get3A_1308 : i32 to index
        %get3A_1310 = arith.index_cast %add3A_1307 : i32 to index
        %get3A_1311 = arith.constant 96 : index
        %get3A_1312 = tpu.vector_load %arg9[%get3A_1309, %get3A_1310, %get3A_1311] {strides = array<i32>} : memref<2x128x128xf32, #tpu.memory_space<vmem>>, vector<1x1x16xf32>,
        %get3A_1313 = vector.shape_cast %get3A_1312 : vector<1x1x16xf32> to vector<16xf32>
        %add3A_1314 = arith.addf %add3A_1303, %get3A_1313 : vector<16xf32>
        %mul3A_1315 = arith.constant 16 : i32
        %mul3A_1316 = arith.muli %scan3A_195, %mul3A_1315 : i32
        %add3A_1317 = arith.constant 4 : i32
        %add3A_1318 = arith.addi %mul3A_1316, %add3A_1317 : i32
        %get3A_1319 = arith.constant 1 : i32
        %get3A_1320 = arith.index_cast %get3A_1319 : i32 to index
        %get3A_1321 = arith.index_cast %add3A_1318 : i32 to index
        %get3A_1322 = arith.constant 96 : index
        %get3A_1323 = tpu.vector_load %arg9[%get3A_1320, %get3A_1321, %get3A_1322] {strides = array<i32>} : memref<2x128x128xf32, #tpu.memory_space<vmem>>, vector<1x1x16xf32>,
        %get3A_1324 = vector.shape_cast %get3A_1323 : vector<1x1x16xf32> to vector<16xf32>
        %add3A_1325 = arith.addf %add3A_1314, %get3A_1324 : vector<16xf32>
        %mul3A_1326 = arith.constant 16 : i32
        %mul3A_1327 = arith.muli %scan3A_195, %mul3A_1326 : i32
        %add3A_1328 = arith.constant 5 : i32
        %add3A_1329 = arith.addi %mul3A_1327, %add3A_1328 : i32
        %get3A_1330 = arith.constant 1 : i32
        %get3A_1331 = arith.index_cast %get3A_1330 : i32 to index
        %get3A_1332 = arith.index_cast %add3A_1329 : i32 to index
        %get3A_1333 = arith.constant 96 : index
        %get3A_1334 = tpu.vector_load %arg9[%get3A_1331, %get3A_1332, %get3A_1333] {strides = array<i32>} : memref<2x128x128xf32, #tpu.memory_space<vmem>>, vector<1x1x16xf32>,
        %get3A_1335 = vector.shape_cast %get3A_1334 : vector<1x1x16xf32> to vector<16xf32>
        %add3A_1336 = arith.addf %add3A_1325, %get3A_1335 : vector<16xf32>
        %mul3A_1337 = arith.constant 16 : i32
        %mul3A_1338 = arith.muli %scan3A_195, %mul3A_1337 : i32
        %add3A_1339 = arith.constant 6 : i32
        %add3A_1340 = arith.addi %mul3A_1338, %add3A_1339 : i32
        %get3A_1341 = arith.constant 1 : i32
        %get3A_1342 = arith.index_cast %get3A_1341 : i32 to index
        %get3A_1343 = arith.index_cast %add3A_1340 : i32 to index
        %get3A_1344 = arith.constant 96 : index
        %get3A_1345 = tpu.vector_load %arg9[%get3A_1342, %get3A_1343, %get3A_1344] {strides = array<i32>} : memref<2x128x128xf32, #tpu.memory_space<vmem>>, vector<1x1x16xf32>,
        %get3A_1346 = vector.shape_cast %get3A_1345 : vector<1x1x16xf32> to vector<16xf32>
        %add3A_1347 = arith.addf %add3A_1336, %get3A_1346 : vector<16xf32>
        %mul3A_1348 = arith.constant 16 : i32
        %mul3A_1349 = arith.muli %scan3A_195, %mul3A_1348 : i32
        %add3A_1350 = arith.constant 7 : i32
        %add3A_1351 = arith.addi %mul3A_1349, %add3A_1350 : i32
        %get3A_1352 = arith.constant 1 : i32
        %get3A_1353 = arith.index_cast %get3A_1352 : i32 to index
        %get3A_1354 = arith.index_cast %add3A_1351 : i32 to index
        %get3A_1355 = arith.constant 96 : index
        %get3A_1356 = tpu.vector_load %arg9[%get3A_1353, %get3A_1354, %get3A_1355] {strides = array<i32>} : memref<2x128x128xf32, #tpu.memory_space<vmem>>, vector<1x1x16xf32>,
        %get3A_1357 = vector.shape_cast %get3A_1356 : vector<1x1x16xf32> to vector<16xf32>
        %add3A_1358 = arith.addf %add3A_1347, %get3A_1357 : vector<16xf32>
        %mul3A_1359 = arith.constant 16 : i32
        %mul3A_1360 = arith.muli %scan3A_195, %mul3A_1359 : i32
        %add3A_1361 = arith.constant 8 : i32
        %add3A_1362 = arith.addi %mul3A_1360, %add3A_1361 : i32
        %get3A_1363 = arith.constant 1 : i32
        %get3A_1364 = arith.index_cast %get3A_1363 : i32 to index
        %get3A_1365 = arith.index_cast %add3A_1362 : i32 to index
        %get3A_1366 = arith.constant 96 : index
        %get3A_1367 = tpu.vector_load %arg9[%get3A_1364, %get3A_1365, %get3A_1366] {strides = array<i32>} : memref<2x128x128xf32, #tpu.memory_space<vmem>>, vector<1x1x16xf32>,
        %get3A_1368 = vector.shape_cast %get3A_1367 : vector<1x1x16xf32> to vector<16xf32>
        %add3A_1369 = arith.addf %add3A_1358, %get3A_1368 : vector<16xf32>
        %mul3A_1370 = arith.constant 16 : i32
        %mul3A_1371 = arith.muli %scan3A_195, %mul3A_1370 : i32
        %add3A_1372 = arith.constant 9 : i32
        %add3A_1373 = arith.addi %mul3A_1371, %add3A_1372 : i32
        %get3A_1374 = arith.constant 1 : i32
        %get3A_1375 = arith.index_cast %get3A_1374 : i32 to index
        %get3A_1376 = arith.index_cast %add3A_1373 : i32 to index
        %get3A_1377 = arith.constant 96 : index
        %get3A_1378 = tpu.vector_load %arg9[%get3A_1375, %get3A_1376, %get3A_1377] {strides = array<i32>} : memref<2x128x128xf32, #tpu.memory_space<vmem>>, vector<1x1x16xf32>,
        %get3A_1379 = vector.shape_cast %get3A_1378 : vector<1x1x16xf32> to vector<16xf32>
        %add3A_1380 = arith.addf %add3A_1369, %get3A_1379 : vector<16xf32>
        %mul3A_1381 = arith.constant 16 : i32
        %mul3A_1382 = arith.muli %scan3A_195, %mul3A_1381 : i32
        %add3A_1383 = arith.constant 10 : i32
        %add3A_1384 = arith.addi %mul3A_1382, %add3A_1383 : i32
        %get3A_1385 = arith.constant 1 : i32
        %get3A_1386 = arith.index_cast %get3A_1385 : i32 to index
        %get3A_1387 = arith.index_cast %add3A_1384 : i32 to index
        %get3A_1388 = arith.constant 96 : index
        %get3A_1389 = tpu.vector_load %arg9[%get3A_1386, %get3A_1387, %get3A_1388] {strides = array<i32>} : memref<2x128x128xf32, #tpu.memory_space<vmem>>, vector<1x1x16xf32>,
        %get3A_1390 = vector.shape_cast %get3A_1389 : vector<1x1x16xf32> to vector<16xf32>
        %add3A_1391 = arith.addf %add3A_1380, %get3A_1390 : vector<16xf32>
        %mul3A_1392 = arith.constant 16 : i32
        %mul3A_1393 = arith.muli %scan3A_195, %mul3A_1392 : i32
        %add3A_1394 = arith.constant 11 : i32
        %add3A_1395 = arith.addi %mul3A_1393, %add3A_1394 : i32
        %get3A_1396 = arith.constant 1 : i32
        %get3A_1397 = arith.index_cast %get3A_1396 : i32 to index
        %get3A_1398 = arith.index_cast %add3A_1395 : i32 to index
        %get3A_1399 = arith.constant 96 : index
        %get3A_1400 = tpu.vector_load %arg9[%get3A_1397, %get3A_1398, %get3A_1399] {strides = array<i32>} : memref<2x128x128xf32, #tpu.memory_space<vmem>>, vector<1x1x16xf32>,
        %get3A_1401 = vector.shape_cast %get3A_1400 : vector<1x1x16xf32> to vector<16xf32>
        %add3A_1402 = arith.addf %add3A_1391, %get3A_1401 : vector<16xf32>
        %mul3A_1403 = arith.constant 16 : i32
        %mul3A_1404 = arith.muli %scan3A_195, %mul3A_1403 : i32
        %add3A_1405 = arith.constant 12 : i32
        %add3A_1406 = arith.addi %mul3A_1404, %add3A_1405 : i32
        %get3A_1407 = arith.constant 1 : i32
        %get3A_1408 = arith.index_cast %get3A_1407 : i32 to index
        %get3A_1409 = arith.index_cast %add3A_1406 : i32 to index
        %get3A_1410 = arith.constant 96 : index
        %get3A_1411 = tpu.vector_load %arg9[%get3A_1408, %get3A_1409, %get3A_1410] {strides = array<i32>} : memref<2x128x128xf32, #tpu.memory_space<vmem>>, vector<1x1x16xf32>,
        %get3A_1412 = vector.shape_cast %get3A_1411 : vector<1x1x16xf32> to vector<16xf32>
        %add3A_1413 = arith.addf %add3A_1402, %get3A_1412 : vector<16xf32>
        %mul3A_1414 = arith.constant 16 : i32
        %mul3A_1415 = arith.muli %scan3A_195, %mul3A_1414 : i32
        %add3A_1416 = arith.constant 13 : i32
        %add3A_1417 = arith.addi %mul3A_1415, %add3A_1416 : i32
        %get3A_1418 = arith.constant 1 : i32
        %get3A_1419 = arith.index_cast %get3A_1418 : i32 to index
        %get3A_1420 = arith.index_cast %add3A_1417 : i32 to index
        %get3A_1421 = arith.constant 96 : index
        %get3A_1422 = tpu.vector_load %arg9[%get3A_1419, %get3A_1420, %get3A_1421] {strides = array<i32>} : memref<2x128x128xf32, #tpu.memory_space<vmem>>, vector<1x1x16xf32>,
        %get3A_1423 = vector.shape_cast %get3A_1422 : vector<1x1x16xf32> to vector<16xf32>
        %add3A_1424 = arith.addf %add3A_1413, %get3A_1423 : vector<16xf32>
        %mul3A_1425 = arith.constant 16 : i32
        %mul3A_1426 = arith.muli %scan3A_195, %mul3A_1425 : i32
        %add3A_1427 = arith.constant 14 : i32
        %add3A_1428 = arith.addi %mul3A_1426, %add3A_1427 : i32
        %get3A_1429 = arith.constant 1 : i32
        %get3A_1430 = arith.index_cast %get3A_1429 : i32 to index
        %get3A_1431 = arith.index_cast %add3A_1428 : i32 to index
        %get3A_1432 = arith.constant 96 : index
        %get3A_1433 = tpu.vector_load %arg9[%get3A_1430, %get3A_1431, %get3A_1432] {strides = array<i32>} : memref<2x128x128xf32, #tpu.memory_space<vmem>>, vector<1x1x16xf32>,
        %get3A_1434 = vector.shape_cast %get3A_1433 : vector<1x1x16xf32> to vector<16xf32>
        %add3A_1435 = arith.addf %add3A_1424, %get3A_1434 : vector<16xf32>
        %mul3A_1436 = arith.constant 16 : i32
        %mul3A_1437 = arith.muli %scan3A_195, %mul3A_1436 : i32
        %add3A_1438 = arith.constant 15 : i32
        %add3A_1439 = arith.addi %mul3A_1437, %add3A_1438 : i32
        %get3A_1440 = arith.constant 1 : i32
        %get3A_1441 = arith.index_cast %get3A_1440 : i32 to index
        %get3A_1442 = arith.index_cast %add3A_1439 : i32 to index
        %get3A_1443 = arith.constant 96 : index
        %get3A_1444 = tpu.vector_load %arg9[%get3A_1441, %get3A_1442, %get3A_1443] {strides = array<i32>} : memref<2x128x128xf32, #tpu.memory_space<vmem>>, vector<1x1x16xf32>,
        %get3A_1445 = vector.shape_cast %get3A_1444 : vector<1x1x16xf32> to vector<16xf32>
        %add3A_1446 = arith.addf %add3A_1435, %get3A_1445 : vector<16xf32>
        %swap3A_1447 = arith.constant 1 : i32
        %swap3A_1448 = arith.index_cast %swap3A_1447 : i32 to index
        %swap3A_1449 = arith.index_cast %scan3A_195 : i32 to index
        %swap3A_1450 = arith.constant 96 : index
        %swap3A_1451 = tpu.vector_load %arg10[%swap3A_1448, %swap3A_1449, %swap3A_1450] {strides = array<i32>} : memref<2x8x128xf32, #tpu.memory_space<vmem>>, vector<1x1x16xf32>,
        %swap3A_1452 = vector.shape_cast %swap3A_1451 : vector<1x1x16xf32> to vector<16xf32>
        %swap3A_1453 = vector.shape_cast %add3A_1446 : vector<16xf32> to vector<1x1x16xf32>
        tpu.vector_store %arg10[%swap3A_1448, %swap3A_1449, %swap3A_1450], %swap3A_1453 {strides = array<i32>} : memref<2x8x128xf32, #tpu.memory_space<vmem>>, vector<1x1x16xf32>,
        %mul3A_1454 = arith.constant 16 : i32
        %mul3A_1455 = arith.muli %scan3A_195, %mul3A_1454 : i32
        %get3A_1456 = arith.constant 1 : i32
        %get3A_1457 = arith.index_cast %get3A_1456 : i32 to index
        %get3A_1458 = arith.index_cast %mul3A_1455 : i32 to index
        %get3A_1459 = arith.constant 112 : index
        %get3A_1460 = tpu.vector_load %arg9[%get3A_1457, %get3A_1458, %get3A_1459] {strides = array<i32>} : memref<2x128x128xf32, #tpu.memory_space<vmem>>, vector<1x1x16xf32>,
        %get3A_1461 = vector.shape_cast %get3A_1460 : vector<1x1x16xf32> to vector<16xf32>
        %mul3A_1462 = arith.constant 16 : i32
        %mul3A_1463 = arith.muli %scan3A_195, %mul3A_1462 : i32
        %add3A_1464 = arith.constant 1 : i32
        %add3A_1465 = arith.addi %mul3A_1463, %add3A_1464 : i32
        %get3A_1466 = arith.constant 1 : i32
        %get3A_1467 = arith.index_cast %get3A_1466 : i32 to index
        %get3A_1468 = arith.index_cast %add3A_1465 : i32 to index
        %get3A_1469 = arith.constant 112 : index
        %get3A_1470 = tpu.vector_load %arg9[%get3A_1467, %get3A_1468, %get3A_1469] {strides = array<i32>} : memref<2x128x128xf32, #tpu.memory_space<vmem>>, vector<1x1x16xf32>,
        %get3A_1471 = vector.shape_cast %get3A_1470 : vector<1x1x16xf32> to vector<16xf32>
        %add3A_1472 = arith.addf %get3A_1461, %get3A_1471 : vector<16xf32>
        %mul3A_1473 = arith.constant 16 : i32
        %mul3A_1474 = arith.muli %scan3A_195, %mul3A_1473 : i32
        %add3A_1475 = arith.constant 2 : i32
        %add3A_1476 = arith.addi %mul3A_1474, %add3A_1475 : i32
        %get3A_1477 = arith.constant 1 : i32
        %get3A_1478 = arith.index_cast %get3A_1477 : i32 to index
        %get3A_1479 = arith.index_cast %add3A_1476 : i32 to index
        %get3A_1480 = arith.constant 112 : index
        %get3A_1481 = tpu.vector_load %arg9[%get3A_1478, %get3A_1479, %get3A_1480] {strides = array<i32>} : memref<2x128x128xf32, #tpu.memory_space<vmem>>, vector<1x1x16xf32>,
        %get3A_1482 = vector.shape_cast %get3A_1481 : vector<1x1x16xf32> to vector<16xf32>
        %add3A_1483 = arith.addf %add3A_1472, %get3A_1482 : vector<16xf32>
        %mul3A_1484 = arith.constant 16 : i32
        %mul3A_1485 = arith.muli %scan3A_195, %mul3A_1484 : i32
        %add3A_1486 = arith.constant 3 : i32
        %add3A_1487 = arith.addi %mul3A_1485, %add3A_1486 : i32
        %get3A_1488 = arith.constant 1 : i32
        %get3A_1489 = arith.index_cast %get3A_1488 : i32 to index
        %get3A_1490 = arith.index_cast %add3A_1487 : i32 to index
        %get3A_1491 = arith.constant 112 : index
        %get3A_1492 = tpu.vector_load %arg9[%get3A_1489, %get3A_1490, %get3A_1491] {strides = array<i32>} : memref<2x128x128xf32, #tpu.memory_space<vmem>>, vector<1x1x16xf32>,
        %get3A_1493 = vector.shape_cast %get3A_1492 : vector<1x1x16xf32> to vector<16xf32>
        %add3A_1494 = arith.addf %add3A_1483, %get3A_1493 : vector<16xf32>
        %mul3A_1495 = arith.constant 16 : i32
        %mul3A_1496 = arith.muli %scan3A_195, %mul3A_1495 : i32
        %add3A_1497 = arith.constant 4 : i32
        %add3A_1498 = arith.addi %mul3A_1496, %add3A_1497 : i32
        %get3A_1499 = arith.constant 1 : i32
        %get3A_1500 = arith.index_cast %get3A_1499 : i32 to index
        %get3A_1501 = arith.index_cast %add3A_1498 : i32 to index
        %get3A_1502 = arith.constant 112 : index
        %get3A_1503 = tpu.vector_load %arg9[%get3A_1500, %get3A_1501, %get3A_1502] {strides = array<i32>} : memref<2x128x128xf32, #tpu.memory_space<vmem>>, vector<1x1x16xf32>,
        %get3A_1504 = vector.shape_cast %get3A_1503 : vector<1x1x16xf32> to vector<16xf32>
        %add3A_1505 = arith.addf %add3A_1494, %get3A_1504 : vector<16xf32>
        %mul3A_1506 = arith.constant 16 : i32
        %mul3A_1507 = arith.muli %scan3A_195, %mul3A_1506 : i32
        %add3A_1508 = arith.constant 5 : i32
        %add3A_1509 = arith.addi %mul3A_1507, %add3A_1508 : i32
        %get3A_1510 = arith.constant 1 : i32
        %get3A_1511 = arith.index_cast %get3A_1510 : i32 to index
        %get3A_1512 = arith.index_cast %add3A_1509 : i32 to index
        %get3A_1513 = arith.constant 112 : index
        %get3A_1514 = tpu.vector_load %arg9[%get3A_1511, %get3A_1512, %get3A_1513] {strides = array<i32>} : memref<2x128x128xf32, #tpu.memory_space<vmem>>, vector<1x1x16xf32>,
        %get3A_1515 = vector.shape_cast %get3A_1514 : vector<1x1x16xf32> to vector<16xf32>
        %add3A_1516 = arith.addf %add3A_1505, %get3A_1515 : vector<16xf32>
        %mul3A_1517 = arith.constant 16 : i32
        %mul3A_1518 = arith.muli %scan3A_195, %mul3A_1517 : i32
        %add3A_1519 = arith.constant 6 : i32
        %add3A_1520 = arith.addi %mul3A_1518, %add3A_1519 : i32
        %get3A_1521 = arith.constant 1 : i32
        %get3A_1522 = arith.index_cast %get3A_1521 : i32 to index
        %get3A_1523 = arith.index_cast %add3A_1520 : i32 to index
        %get3A_1524 = arith.constant 112 : index
        %get3A_1525 = tpu.vector_load %arg9[%get3A_1522, %get3A_1523, %get3A_1524] {strides = array<i32>} : memref<2x128x128xf32, #tpu.memory_space<vmem>>, vector<1x1x16xf32>,
        %get3A_1526 = vector.shape_cast %get3A_1525 : vector<1x1x16xf32> to vector<16xf32>
        %add3A_1527 = arith.addf %add3A_1516, %get3A_1526 : vector<16xf32>
        %mul3A_1528 = arith.constant 16 : i32
        %mul3A_1529 = arith.muli %scan3A_195, %mul3A_1528 : i32
        %add3A_1530 = arith.constant 7 : i32
        %add3A_1531 = arith.addi %mul3A_1529, %add3A_1530 : i32
        %get3A_1532 = arith.constant 1 : i32
        %get3A_1533 = arith.index_cast %get3A_1532 : i32 to index
        %get3A_1534 = arith.index_cast %add3A_1531 : i32 to index
        %get3A_1535 = arith.constant 112 : index
        %get3A_1536 = tpu.vector_load %arg9[%get3A_1533, %get3A_1534, %get3A_1535] {strides = array<i32>} : memref<2x128x128xf32, #tpu.memory_space<vmem>>, vector<1x1x16xf32>,
        %get3A_1537 = vector.shape_cast %get3A_1536 : vector<1x1x16xf32> to vector<16xf32>
        %add3A_1538 = arith.addf %add3A_1527, %get3A_1537 : vector<16xf32>
        %mul3A_1539 = arith.constant 16 : i32
        %mul3A_1540 = arith.muli %scan3A_195, %mul3A_1539 : i32
        %add3A_1541 = arith.constant 8 : i32
        %add3A_1542 = arith.addi %mul3A_1540, %add3A_1541 : i32
        %get3A_1543 = arith.constant 1 : i32
        %get3A_1544 = arith.index_cast %get3A_1543 : i32 to index
        %get3A_1545 = arith.index_cast %add3A_1542 : i32 to index
        %get3A_1546 = arith.constant 112 : index
        %get3A_1547 = tpu.vector_load %arg9[%get3A_1544, %get3A_1545, %get3A_1546] {strides = array<i32>} : memref<2x128x128xf32, #tpu.memory_space<vmem>>, vector<1x1x16xf32>,
        %get3A_1548 = vector.shape_cast %get3A_1547 : vector<1x1x16xf32> to vector<16xf32>
        %add3A_1549 = arith.addf %add3A_1538, %get3A_1548 : vector<16xf32>
        %mul3A_1550 = arith.constant 16 : i32
        %mul3A_1551 = arith.muli %scan3A_195, %mul3A_1550 : i32
        %add3A_1552 = arith.constant 9 : i32
        %add3A_1553 = arith.addi %mul3A_1551, %add3A_1552 : i32
        %get3A_1554 = arith.constant 1 : i32
        %get3A_1555 = arith.index_cast %get3A_1554 : i32 to index
        %get3A_1556 = arith.index_cast %add3A_1553 : i32 to index
        %get3A_1557 = arith.constant 112 : index
        %get3A_1558 = tpu.vector_load %arg9[%get3A_1555, %get3A_1556, %get3A_1557] {strides = array<i32>} : memref<2x128x128xf32, #tpu.memory_space<vmem>>, vector<1x1x16xf32>,
        %get3A_1559 = vector.shape_cast %get3A_1558 : vector<1x1x16xf32> to vector<16xf32>
        %add3A_1560 = arith.addf %add3A_1549, %get3A_1559 : vector<16xf32>
        %mul3A_1561 = arith.constant 16 : i32
        %mul3A_1562 = arith.muli %scan3A_195, %mul3A_1561 : i32
        %add3A_1563 = arith.constant 10 : i32
        %add3A_1564 = arith.addi %mul3A_1562, %add3A_1563 : i32
        %get3A_1565 = arith.constant 1 : i32
        %get3A_1566 = arith.index_cast %get3A_1565 : i32 to index
        %get3A_1567 = arith.index_cast %add3A_1564 : i32 to index
        %get3A_1568 = arith.constant 112 : index
        %get3A_1569 = tpu.vector_load %arg9[%get3A_1566, %get3A_1567, %get3A_1568] {strides = array<i32>} : memref<2x128x128xf32, #tpu.memory_space<vmem>>, vector<1x1x16xf32>,
        %get3A_1570 = vector.shape_cast %get3A_1569 : vector<1x1x16xf32> to vector<16xf32>
        %add3A_1571 = arith.addf %add3A_1560, %get3A_1570 : vector<16xf32>
        %mul3A_1572 = arith.constant 16 : i32
        %mul3A_1573 = arith.muli %scan3A_195, %mul3A_1572 : i32
        %add3A_1574 = arith.constant 11 : i32
        %add3A_1575 = arith.addi %mul3A_1573, %add3A_1574 : i32
        %get3A_1576 = arith.constant 1 : i32
        %get3A_1577 = arith.index_cast %get3A_1576 : i32 to index
        %get3A_1578 = arith.index_cast %add3A_1575 : i32 to index
        %get3A_1579 = arith.constant 112 : index
        %get3A_1580 = tpu.vector_load %arg9[%get3A_1577, %get3A_1578, %get3A_1579] {strides = array<i32>} : memref<2x128x128xf32, #tpu.memory_space<vmem>>, vector<1x1x16xf32>,
        %get3A_1581 = vector.shape_cast %get3A_1580 : vector<1x1x16xf32> to vector<16xf32>
        %add3A_1582 = arith.addf %add3A_1571, %get3A_1581 : vector<16xf32>
        %mul3A_1583 = arith.constant 16 : i32
        %mul3A_1584 = arith.muli %scan3A_195, %mul3A_1583 : i32
        %add3A_1585 = arith.constant 12 : i32
        %add3A_1586 = arith.addi %mul3A_1584, %add3A_1585 : i32
        %get3A_1587 = arith.constant 1 : i32
        %get3A_1588 = arith.index_cast %get3A_1587 : i32 to index
        %get3A_1589 = arith.index_cast %add3A_1586 : i32 to index
        %get3A_1590 = arith.constant 112 : index
        %get3A_1591 = tpu.vector_load %arg9[%get3A_1588, %get3A_1589, %get3A_1590] {strides = array<i32>} : memref<2x128x128xf32, #tpu.memory_space<vmem>>, vector<1x1x16xf32>,
        %get3A_1592 = vector.shape_cast %get3A_1591 : vector<1x1x16xf32> to vector<16xf32>
        %add3A_1593 = arith.addf %add3A_1582, %get3A_1592 : vector<16xf32>
        %mul3A_1594 = arith.constant 16 : i32
        %mul3A_1595 = arith.muli %scan3A_195, %mul3A_1594 : i32
        %add3A_1596 = arith.constant 13 : i32
        %add3A_1597 = arith.addi %mul3A_1595, %add3A_1596 : i32
        %get3A_1598 = arith.constant 1 : i32
        %get3A_1599 = arith.index_cast %get3A_1598 : i32 to index
        %get3A_1600 = arith.index_cast %add3A_1597 : i32 to index
        %get3A_1601 = arith.constant 112 : index
        %get3A_1602 = tpu.vector_load %arg9[%get3A_1599, %get3A_1600, %get3A_1601] {strides = array<i32>} : memref<2x128x128xf32, #tpu.memory_space<vmem>>, vector<1x1x16xf32>,
        %get3A_1603 = vector.shape_cast %get3A_1602 : vector<1x1x16xf32> to vector<16xf32>
        %add3A_1604 = arith.addf %add3A_1593, %get3A_1603 : vector<16xf32>
        %mul3A_1605 = arith.constant 16 : i32
        %mul3A_1606 = arith.muli %scan3A_195, %mul3A_1605 : i32
        %add3A_1607 = arith.constant 14 : i32
        %add3A_1608 = arith.addi %mul3A_1606, %add3A_1607 : i32
        %get3A_1609 = arith.constant 1 : i32
        %get3A_1610 = arith.index_cast %get3A_1609 : i32 to index
        %get3A_1611 = arith.index_cast %add3A_1608 : i32 to index
        %get3A_1612 = arith.constant 112 : index
        %get3A_1613 = tpu.vector_load %arg9[%get3A_1610, %get3A_1611, %get3A_1612] {strides = array<i32>} : memref<2x128x128xf32, #tpu.memory_space<vmem>>, vector<1x1x16xf32>,
        %get3A_1614 = vector.shape_cast %get3A_1613 : vector<1x1x16xf32> to vector<16xf32>
        %add3A_1615 = arith.addf %add3A_1604, %get3A_1614 : vector<16xf32>
        %mul3A_1616 = arith.constant 16 : i32
        %mul3A_1617 = arith.muli %scan3A_195, %mul3A_1616 : i32
        %add3A_1618 = arith.constant 15 : i32
        %add3A_1619 = arith.addi %mul3A_1617, %add3A_1618 : i32
        %get3A_1620 = arith.constant 1 : i32
        %get3A_1621 = arith.index_cast %get3A_1620 : i32 to index
        %get3A_1622 = arith.index_cast %add3A_1619 : i32 to index
        %get3A_1623 = arith.constant 112 : index
        %get3A_1624 = tpu.vector_load %arg9[%get3A_1621, %get3A_1622, %get3A_1623] {strides = array<i32>} : memref<2x128x128xf32, #tpu.memory_space<vmem>>, vector<1x1x16xf32>,
        %get3A_1625 = vector.shape_cast %get3A_1624 : vector<1x1x16xf32> to vector<16xf32>
        %add3A_1626 = arith.addf %add3A_1615, %get3A_1625 : vector<16xf32>
        %swap3A_1627 = arith.constant 1 : i32
        %swap3A_1628 = arith.index_cast %swap3A_1627 : i32 to index
        %swap3A_1629 = arith.index_cast %scan3A_195 : i32 to index
        %swap3A_1630 = arith.constant 112 : index
        %swap3A_1631 = tpu.vector_load %arg10[%swap3A_1628, %swap3A_1629, %swap3A_1630] {strides = array<i32>} : memref<2x8x128xf32, #tpu.memory_space<vmem>>, vector<1x1x16xf32>,
        %swap3A_1632 = vector.shape_cast %swap3A_1631 : vector<1x1x16xf32> to vector<16xf32>
        %swap3A_1633 = vector.shape_cast %add3A_1626 : vector<16xf32> to vector<1x1x16xf32>
        tpu.vector_store %arg10[%swap3A_1628, %swap3A_1629, %swap3A_1630], %swap3A_1633 {strides = array<i32>} : memref<2x8x128xf32, #tpu.memory_space<vmem>>, vector<1x1x16xf32>,
      }
      %scan3A_170 = arith.constant 8 : i32
      %mul3A_171 = arith.constant 8 : i32
      %mul3A_172 = arith.muli %add3A_145, %mul3A_171 : i32
      %add3A_173 = arith.addi %mul3A_2, %mul3A_172 : i32
      %dma_start3A_174 = arith.constant 1 : i32
      %dma_start3A_175 = arith.constant 1 : i32
      %dma_start3A_176 = arith.constant 0 : i32
      %dma_start3A_177 = arith.constant 0 : i32
      %dma_start3A_178 = tpu.memref_slice %arg10[%dma_start3A_174, %dma_start3A_176, %dma_start3A_177] : memref<2x8x128xf32, #tpu.memory_space<vmem>> -> memref<1x8x128xf32, #tpu.memory_space<vmem>>
      %dma_start3A_179 = tpu.memref_squeeze %dma_start3A_178 : memref<1x8x128xf32, #tpu.memory_space<vmem>> -> memref<8x128xf32, #tpu.memory_space<vmem>>
      %dma_start3A_180 = arith.constant 0 : i32
      %dma_start3A_181 = tpu.memref_slice %arg6[%add3A_173, %dma_start3A_180] : memref<32768x128xf32, #tpu.memory_space<hbm>> -> memref<8x128xf32, #tpu.memory_space<hbm>>
      %dma_start3A_182 = tpu.memref_slice %arg13[%dma_start3A_175] : memref<2x!tpu.dma_semaphore, #tpu.memory_space<semaphore_mem>> -> memref<1x!tpu.dma_semaphore, #tpu.memory_space<semaphore_mem>>
      %dma_start3A_183 = tpu.memref_squeeze %dma_start3A_182 : memref<1x!tpu.dma_semaphore, #tpu.memory_space<semaphore_mem>> -> memref<!tpu.dma_semaphore, #tpu.memory_space<semaphore_mem>>
      %dma_start3A_184 = arith.constant 0 : i32
      %dma_start3A_185 = tpu.memref_slice %arg6[%add3A_173, %dma_start3A_184] : memref<32768x128xf32, #tpu.memory_space<hbm>> -> memref<8x128xf32, #tpu.memory_space<hbm>>
      %dma_start3A_186 = arith.constant 0 : i32
      %dma_start3A_187 = arith.constant 0 : i32
      %dma_start3A_188 = tpu.memref_slice %arg10[%dma_start3A_174, %dma_start3A_186, %dma_start3A_187] : memref<2x8x128xf32, #tpu.memory_space<vmem>> -> memref<1x8x128xf32, #tpu.memory_space<vmem>>
      %dma_start3A_189 = tpu.memref_squeeze %dma_start3A_188 : memref<1x8x128xf32, #tpu.memory_space<vmem>> -> memref<8x128xf32, #tpu.memory_space<vmem>>
      tpu.enqueue_dma source(%dma_start3A_189 : memref<8x128xf32, #tpu.memory_space<vmem>>) target(%dma_start3A_185 : memref<8x128xf32, #tpu.memory_space<hbm>>) target_semaphore(%dma_start3A_183 : memref<!tpu.dma_semaphore, #tpu.memory_space<semaphore_mem>>)
      %lt3A_190 = arith.constant 63 : i32
      %lt3A_191 = arith.cmpi slt, %scan3A_79, %lt3A_190 : i32
      %convert_element_type3A_192 = arith.extui %lt3A_191 : i1 to i32
      %cond3A_193 = arith.constant 0 : i32
      %cond3A_194 = arith.cmpi ne, %convert_element_type3A_192, %cond3A_193 : i32
      scf.if %cond3A_194 {
        %add3A_195 = arith.constant 2 : i32
        %add3A_196 = arith.addi %add3A_145, %add3A_195 : i32
        %dma_start3A_197 = arith.constant 1 : i32
        %dma_start3A_198 = arith.constant 1 : i32
        %dma_start3A_199 = arith.constant 0 : i32
        %dma_start3A_200 = arith.constant 0 : i32
        %dma_start3A_201 = tpu.memref_slice %arg9[%dma_start3A_197, %dma_start3A_199, %dma_start3A_200] : memref<2x128x128xf32, #tpu.memory_space<vmem>> -> memref<1x128x128xf32, #tpu.memory_space<vmem>>
        %dma_start3A_202 = tpu.memref_squeeze %dma_start3A_201 : memref<1x128x128xf32, #tpu.memory_space<vmem>> -> memref<128x128xf32, #tpu.memory_space<vmem>>
        %dma_start3A_203 = arith.constant 0 : i32
        %dma_start3A_204 = tpu.memref_slice %arg7[%add3A_196, %dma_start3A_203] : memref<128x128xi32, #tpu.memory_space<vmem>> -> memref<1x128xi32, #tpu.memory_space<vmem>>
        %dma_start3A_205 = tpu.memref_squeeze %dma_start3A_204 : memref<1x128xi32, #tpu.memory_space<vmem>> -> memref<128xi32, #tpu.memory_space<vmem>>
        %dma_start3A_206 = arith.constant 0 : i32
        %dma_start3A_207 = arith.constant 0 : i32
        %dma_start3A_208 = tpu.memref_slice %arg2[%dma_start3A_206, %dma_start3A_207] : memref<100001x128xf32, #tpu.memory_space<hbm>> -> memref<100001x128xf32, #tpu.memory_space<hbm>>
        %dma_start3A_209 = tpu.memref_slice %arg12[%dma_start3A_198] : memref<2x!tpu.dma_semaphore, #tpu.memory_space<semaphore_mem>> -> memref<1x!tpu.dma_semaphore, #tpu.memory_space<semaphore_mem>>
        %dma_start3A_210 = tpu.memref_squeeze %dma_start3A_209 : memref<1x!tpu.dma_semaphore, #tpu.memory_space<semaphore_mem>> -> memref<!tpu.dma_semaphore, #tpu.memory_space<semaphore_mem>>
        tpu.enqueue_indirect_dma source(%dma_start3A_208 : memref<100001x128xf32, #tpu.memory_space<hbm>>) target(%dma_start3A_202 : memref<128x128xf32, #tpu.memory_space<vmem>>) offsets(%dma_start3A_205 : memref<128xi32, #tpu.memory_space<vmem>>) semaphore(%dma_start3A_210 : memref<!tpu.dma_semaphore, #tpu.memory_space<semaphore_mem>>)
      } else {
      }
    }
    %scan3A_47 = arith.constant 64 : i32
    %dma_wait3A = arith.constant 0 : i32
    %dma_wait3A_48 = arith.constant 0 : i32
    %dma_wait3A_49 = arith.constant 0 : i32
    %dma_wait3A_50 = arith.constant 0 : i32
    %dma_wait3A_51 = tpu.memref_slice %arg10[%dma_wait3A, %dma_wait3A_49, %dma_wait3A_50] : memref<2x8x128xf32, #tpu.memory_space<vmem>> -> memref<1x8x128xf32, #tpu.memory_space<vmem>>
    %dma_wait3A_52 = tpu.memref_squeeze %dma_wait3A_51 : memref<1x8x128xf32, #tpu.memory_space<vmem>> -> memref<8x128xf32, #tpu.memory_space<vmem>>
    %dma_wait3A_53 = arith.constant 0 : i32
    %dma_wait3A_54 = tpu.memref_slice %arg6[%mul3A_2, %dma_wait3A_53] : memref<32768x128xf32, #tpu.memory_space<hbm>> -> memref<8x128xf32, #tpu.memory_space<hbm>>
    %dma_wait3A_55 = tpu.memref_slice %arg13[%dma_wait3A_48] : memref<2x!tpu.dma_semaphore, #tpu.memory_space<semaphore_mem>> -> memref<1x!tpu.dma_semaphore, #tpu.memory_space<semaphore_mem>>
    %dma_wait3A_56 = tpu.memref_squeeze %dma_wait3A_55 : memref<1x!tpu.dma_semaphore, #tpu.memory_space<semaphore_mem>> -> memref<!tpu.dma_semaphore, #tpu.memory_space<semaphore_mem>>
    %dma_wait3A_57 = arith.constant 0 : i32
    %dma_wait3A_58 = tpu.memref_slice %arg6[%mul3A_2, %dma_wait3A_57] : memref<32768x128xf32, #tpu.memory_space<hbm>> -> memref<8x128xf32, #tpu.memory_space<hbm>>
    %dma_wait3A_59 = arith.constant 0 : i32
    %dma_wait3A_60 = arith.constant 0 : i32
    %dma_wait3A_61 = tpu.memref_slice %arg10[%dma_wait3A, %dma_wait3A_59, %dma_wait3A_60] : memref<2x8x128xf32, #tpu.memory_space<vmem>> -> memref<1x8x128xf32, #tpu.memory_space<vmem>>
    %dma_wait3A_62 = tpu.memref_squeeze %dma_wait3A_61 : memref<1x8x128xf32, #tpu.memory_space<vmem>> -> memref<8x128xf32, #tpu.memory_space<vmem>>
    tpu.wait_dma2 semaphore(%dma_wait3A_56 : memref<!tpu.dma_semaphore, #tpu.memory_space<semaphore_mem>>) src(%dma_wait3A_62 : memref<8x128xf32, #tpu.memory_space<vmem>>) dst(%dma_wait3A_58 : memref<8x128xf32, #tpu.memory_space<hbm>>)
    %dma_wait3A_63 = arith.constant 1 : i32
    %dma_wait3A_64 = arith.constant 1 : i32
    %dma_wait3A_65 = arith.constant 0 : i32
    %dma_wait3A_66 = arith.constant 0 : i32
    %dma_wait3A_67 = tpu.memref_slice %arg10[%dma_wait3A_63, %dma_wait3A_65, %dma_wait3A_66] : memref<2x8x128xf32, #tpu.memory_space<vmem>> -> memref<1x8x128xf32, #tpu.memory_space<vmem>>
    %dma_wait3A_68 = tpu.memref_squeeze %dma_wait3A_67 : memref<1x8x128xf32, #tpu.memory_space<vmem>> -> memref<8x128xf32, #tpu.memory_space<vmem>>
    %dma_wait3A_69 = arith.constant 0 : i32
    %dma_wait3A_70 = tpu.memref_slice %arg6[%mul3A_2, %dma_wait3A_69] : memref<32768x128xf32, #tpu.memory_space<hbm>> -> memref<8x128xf32, #tpu.memory_space<hbm>>
    %dma_wait3A_71 = tpu.memref_slice %arg13[%dma_wait3A_64] : memref<2x!tpu.dma_semaphore, #tpu.memory_space<semaphore_mem>> -> memref<1x!tpu.dma_semaphore, #tpu.memory_space<semaphore_mem>>
    %dma_wait3A_72 = tpu.memref_squeeze %dma_wait3A_71 : memref<1x!tpu.dma_semaphore, #tpu.memory_space<semaphore_mem>> -> memref<!tpu.dma_semaphore, #tpu.memory_space<semaphore_mem>>
    %dma_wait3A_73 = arith.constant 0 : i32
    %dma_wait3A_74 = tpu.memref_slice %arg6[%mul3A_2, %dma_wait3A_73] : memref<32768x128xf32, #tpu.memory_space<hbm>> -> memref<8x128xf32, #tpu.memory_space<hbm>>
    %dma_wait3A_75 = arith.constant 0 : i32
    %dma_wait3A_76 = arith.constant 0 : i32
    %dma_wait3A_77 = tpu.memref_slice %arg10[%dma_wait3A_63, %dma_wait3A_75, %dma_wait3A_76] : memref<2x8x128xf32, #tpu.memory_space<vmem>> -> memref<1x8x128xf32, #tpu.memory_space<vmem>>
    %dma_wait3A_78 = tpu.memref_squeeze %dma_wait3A_77 : memref<1x8x128xf32, #tpu.memory_space<vmem>> -> memref<8x128xf32, #tpu.memory_space<vmem>>
    tpu.wait_dma2 semaphore(%dma_wait3A_72 : memref<!tpu.dma_semaphore, #tpu.memory_space<semaphore_mem>>) src(%dma_wait3A_78 : memref<8x128xf32, #tpu.memory_space<vmem>>) dst(%dma_wait3A_74 : memref<8x128xf32, #tpu.memory_space<hbm>>)
    return
  }
}

module attributes {stable_mosaic.version = 14 : i64} {
  func.func @_mm_body(%arg0: i32, %arg1: memref<4096x128xf32, #tpu.memory_space<vmem>>, %arg2: memref<4096x128xf32, #tpu.memory_space<vmem>>, %arg3: memref<128x128xf32, #tpu.memory_space<vmem>>, %arg4: memref<128x128xf32, #tpu.memory_space<vmem>>, %arg5: memref<128x128xf32, #tpu.memory_space<vmem>>, %arg6: memref<128x128xf32, #tpu.memory_space<vmem>>, %arg7: memref<4096x128xf32, #tpu.memory_space<vmem>>) attributes {dimension_semantics = [#tpu.dimension_semantics<arbitrary>], iteration_bounds = array<i64: 8>, scalar_prefetch = 0 : i64, scratch_operands = 0 : i64, tpu.core_type = #tpu.core_type<tc>, window_params = [{transform_indices = @transform_0, window_bounds = array<i64: 4096, 128>}, {transform_indices = @transform_1, window_bounds = array<i64: 4096, 128>}, {pipeline_mode = #tpu.pipeline_mode<synchronous>, transform_indices = @transform_2, window_bounds = array<i64: 128, 128>}, {pipeline_mode = #tpu.pipeline_mode<synchronous>, transform_indices = @transform_3, window_bounds = array<i64: 128, 128>}, {pipeline_mode = #tpu.pipeline_mode<synchronous>, transform_indices = @transform_4, window_bounds = array<i64: 128, 128>}, {pipeline_mode = #tpu.pipeline_mode<synchronous>, transform_indices = @transform_5, window_bounds = array<i64: 128, 128>}, {transform_indices = @transform_6, window_bounds = array<i64: 4096, 128>}]} {
    %get3A = arith.constant 0 : index
    %get3A_0 = arith.constant 0 : index
    %get3A_1 = vector.load %arg2[%get3A, %get3A_0] : memref<4096x128xf32, #tpu.memory_space<vmem>>, vector<4096x128xf32>
    %mul3A = arith.constant 6.250000e-02 : f32
    %mul3A_2 = vector.broadcast %mul3A : f32 to vector<4096x128xf32>
    %mul3A_3 = arith.mulf %get3A_1, %mul3A_2 : vector<4096x128xf32>
    %get3A_4 = arith.constant 0 : index
    %get3A_5 = arith.constant 0 : index
    %get3A_6 = vector.load %arg1[%get3A_4, %get3A_5] : memref<4096x128xf32, #tpu.memory_space<vmem>>, vector<4096x128xf32>
    %get3A_7 = arith.constant 0 : index
    %get3A_8 = arith.constant 0 : index
    %get3A_9 = vector.load %arg4[%get3A_7, %get3A_8] : memref<128x128xf32, #tpu.memory_space<vmem>>, vector<128x128xf32>
    %dot_general3A = arith.constant dense<0.000000e+00> : vector<4096x128xf32>
    %dot_general3A_10 = tpu.matmul %get3A_6, %get3A_9, %dot_general3A {dimension_numbers = #tpu.dot_dimension_numbers<[1], [0], [0], [1], [0, 0, 1, 1], [], []>, transpose_lhs_hint = false} : vector<4096x128xf32>, vector<128x128xf32>, vector<4096x128xf32> -> vector<4096x128xf32>
    %get3A_11 = arith.constant 0 : index
    %get3A_12 = arith.constant 0 : index
    %get3A_13 = vector.load %arg3[%get3A_11, %get3A_12] : memref<128x128xf32, #tpu.memory_space<vmem>>, vector<128x128xf32>
    %dot_general3A_14 = arith.constant dense<0.000000e+00> : vector<4096x128xf32>
    %dot_general3A_15 = tpu.matmul %mul3A_3, %get3A_13, %dot_general3A_14 {dimension_numbers = #tpu.dot_dimension_numbers<[1], [0], [0], [1], [0, 0, 1, 1], [], []>, transpose_lhs_hint = false} : vector<4096x128xf32>, vector<128x128xf32>, vector<4096x128xf32> -> vector<4096x128xf32>
    %add3A = arith.addf %dot_general3A_10, %dot_general3A_15 : vector<4096x128xf32>
    %max3A = arith.constant 0.000000e+00 : f32
    %max3A_16 = vector.broadcast %max3A : f32 to vector<4096x128xf32>
    %max3A_17 = arith.maximumf %add3A, %max3A_16 : vector<4096x128xf32>
    %get3A_18 = arith.constant 0 : index
    %get3A_19 = arith.constant 0 : index
    %get3A_20 = vector.load %arg6[%get3A_18, %get3A_19] : memref<128x128xf32, #tpu.memory_space<vmem>>, vector<128x128xf32>
    %dot_general3A_21 = arith.constant dense<0.000000e+00> : vector<4096x128xf32>
    %dot_general3A_22 = tpu.matmul %max3A_17, %get3A_20, %dot_general3A_21 {dimension_numbers = #tpu.dot_dimension_numbers<[1], [0], [0], [1], [0, 0, 1, 1], [], []>, transpose_lhs_hint = false} : vector<4096x128xf32>, vector<128x128xf32>, vector<4096x128xf32> -> vector<4096x128xf32>
    %get3A_23 = arith.constant 0 : index
    %get3A_24 = arith.constant 0 : index
    %get3A_25 = vector.load %arg5[%get3A_23, %get3A_24] : memref<128x128xf32, #tpu.memory_space<vmem>>, vector<128x128xf32>
    %dot_general3A_26 = arith.constant dense<0.000000e+00> : vector<4096x128xf32>
    %dot_general3A_27 = tpu.matmul %mul3A_3, %get3A_25, %dot_general3A_26 {dimension_numbers = #tpu.dot_dimension_numbers<[1], [0], [0], [1], [0, 0, 1, 1], [], []>, transpose_lhs_hint = false} : vector<4096x128xf32>, vector<128x128xf32>, vector<4096x128xf32> -> vector<4096x128xf32>
    %add3A_28 = arith.addf %dot_general3A_22, %dot_general3A_27 : vector<4096x128xf32>
    %max3A_29 = arith.constant 0.000000e+00 : f32
    %max3A_30 = vector.broadcast %max3A_29 : f32 to vector<4096x128xf32>
    %max3A_31 = arith.maximumf %add3A_28, %max3A_30 : vector<4096x128xf32>
    %swap3A = arith.constant 0 : index
    %swap3A_32 = arith.constant 0 : index
    %swap3A_33 = vector.load %arg7[%swap3A, %swap3A_32] : memref<4096x128xf32, #tpu.memory_space<vmem>>, vector<4096x128xf32>
    tpu.vector_store %arg7[%swap3A, %swap3A_32], %max3A_31 {strides = array<i32>} : memref<4096x128xf32, #tpu.memory_space<vmem>>, vector<4096x128xf32>,
    return
  }
  func.func @transform_0(%arg0: i32) -> (i32, i32) {
    %c0_i32 = arith.constant 0 : i32
    %c0_i32_0 = arith.constant 0 : i32
    return %arg0, %c0_i32 : i32, i32
  }
  func.func @transform_1(%arg0: i32) -> (i32, i32) {
    %c0_i32 = arith.constant 0 : i32
    %c0_i32_0 = arith.constant 0 : i32
    return %arg0, %c0_i32 : i32, i32
  }
  func.func @transform_2(%arg0: i32) -> (i32, i32) {
    %c0_i32 = arith.constant 0 : i32
    %c0_i32_0 = arith.constant 0 : i32
    %c0_i32_1 = arith.constant 0 : i32
    return %c0_i32, %c0_i32_0 : i32, i32
  }
  func.func @transform_3(%arg0: i32) -> (i32, i32) {
    %c0_i32 = arith.constant 0 : i32
    %c0_i32_0 = arith.constant 0 : i32
    %c0_i32_1 = arith.constant 0 : i32
    return %c0_i32, %c0_i32_0 : i32, i32
  }
  func.func @transform_4(%arg0: i32) -> (i32, i32) {
    %c0_i32 = arith.constant 0 : i32
    %c0_i32_0 = arith.constant 0 : i32
    %c0_i32_1 = arith.constant 0 : i32
    return %c0_i32, %c0_i32_0 : i32, i32
  }
  func.func @transform_5(%arg0: i32) -> (i32, i32) {
    %c0_i32 = arith.constant 0 : i32
    %c0_i32_0 = arith.constant 0 : i32
    %c0_i32_1 = arith.constant 0 : i32
    return %c0_i32, %c0_i32_0 : i32, i32
  }
  func.func @transform_6(%arg0: i32) -> (i32, i32) {
    %c0_i32 = arith.constant 0 : i32
    %c0_i32_0 = arith.constant 0 : i32
    return %arg0, %c0_i32 : i32, i32
  }
}

</mosaic_0001>

<sc_bundles>
// kernel: kernel.4.cloned.1.call-start
scs
__scs_entry_jumppad:
0x0: {  	(pc) =	sbr.rel $0x88, $3  }
0x1: {  	(tag) =	ssettag $0x0;
	lr =	simm.s32 $0x1  }
0x2: {  	[smem:$0x3F9B] =	sst lr;
	_ =	strace $0xD0000000  }
0x3: {  	_ = 	snop  }
0x4: {  	_ = 	snop  }
0x5: {  	_ = 	snop  }
0x6: {  	_ = 	snop  }
0x7: {  	_ = 	snop  }
__scs_overlays_trampoline_lowered:
0x8: {  	[smem:$0x3FAA] =	sst s0  }
0x9: {  	[smem:$0x3FAB] =	sst s1  }
0xa: {  	[smem:$0x3FAC] =	sst s2  }
0xb: {  	[smem:$0x3FAD] =	sst s3  }
0xc: {  	[smem:$0x3FAE] =	sst s4  }
0xd: {  	[smem:$0x3FAF] =	sst s5  }
0xe: {  	[smem:$0x3FB0] =	sst s6  }
0xf: {  	[smem:$0x3FB1] =	sst s7  }
0x10: {  	[smem:$0x3FB2] =	sst s8  }
0x11: {  	[smem:$0x3FB3] =	sst s9;
	s0 =	simm.s32 @!p0 $0x0  }
0x12: {  	s1 =	sld [smem:$0x3F99];
	s0 =	simm.s32 @p0 $0x1  }
0x13: {  	[smem:$0x3FB4] =	sst s0;
	s0 =	simm.s32 @!p1 $0x0  }
0x14: {  	s2 =	sld [smem:$0x3F98];
	s0 =	simm.s32 @p1 $0x1  }
0x15: {  	[smem:$0x3FB5] =	sst s0;
	s0 =	simm.s32 @!p2 $0x0  }
0x16: {  	s3 =	sld [smem:$0x3FDB];
	s0 =	simm.s32 @p2 $0x1  }
0x17: {  	s4 =	simm.s32 $0x1BF5;
	[smem:$0x3FB7] =	sst s0  }
0x18: {  	s0 =	sld [smem:$0x3F9A];
	_ =	swait.ge [sflag:s4], $0x0  }
0x19: {  	s7 =	sld [smem:$0x3F9B]  }
0x1a: {  	s8 =	sadd.s32 $0xFFFFE003, lr  }
0x1b: {  	s9 =	sadd.s32 $0xFFFFFEF7, lr;
	s5 =	simm.s32 $0xFFFFFFFF;
	p2 =	slt.u32 s8, $0xFFFFF086  }
0x1c: {  	p1 =	slt.u32 s9, $0xF7A;
	s5 =	simm.s32 @!p2 $0x0  }
0x1d: {  	s5 =	simm.s32 @p1 $0x1;
	p0 =	seq.s32 s7, s2  }
0x1e: {  	s7 =	smul.u32 @!p0 $0xF7A, s2;
	p2 =	seq.s32 @!p0 s5, $0x0  }
0x1f: {  	s9 =	smul.u32 $0xF7A, s1;
	s8 =	simm.s32 @!p0 $0x1BF5;
	p2 =	por !p2, p0  }
0x20: {  	[sflag:s8] =	ssyncset.s32 @!p0 $0xFFFFF086;
	s6 =	sadd.s32 @!p0 s3, s7;
	s7 =	simm.s32 @!p0 $0x108  }
0x21: {  	s3 =	sadd.s32 s3, s9;
	s6 =	sadd.s32 @!p0 $0x88, s6;
	s7 =	simm.s32 @p2 $0x1082  }
0x22: {  	[simem:s7], [sflag:s8] =	dma.local @!p0 [hbm:s6], $0xF7A  }
0x23: {  	s9 =	sor.u32 $0xD0000000, s2;
	s6 =	simm.s32 $0x108;
	_ =	swait.ge @!p0 [sflag:s8], $0x0  }
0x24: {  	s3 =	sadd.s32 $0x88, s3;
	s6 =	simm.s32 @!p1 $0x1082;
	[sflag:s4] =	ssyncset.s32 $0xFFFFF086  }
0x25: {  	[simem:s6], [sflag:s4] =	dma.local [hbm:s3], $0xF7A  }
0x26: {  	[smem:$0x3F9B] =	sst s1;
	(tag) =	ssettag s2;
	_ =	strace s9  }
0x27: {  	s1 =	sld [smem:$0x3FAB]  }
0x28: {  	s2 =	sld [smem:$0x3FAC]  }
0x29: {  	s4 =	sld [smem:$0x3FAE]  }
0x2a: {  	p0 =	seq.s32 s5, $0x0;
	s5 =	sld [smem:$0x3FAF]  }
0x2b: {  	s6 =	sld [smem:$0x3FB0]  }
0x2c: {  	s7 =	sld [smem:$0x3FB1]  }
0x2d: {  	s3 =	simm.s32 $0x108;
	s8 =	sld [smem:$0x3FB2]  }
0x2e: {  	s3 =	simm.s32 @!p0 $0x1082;
	s9 =	sld [smem:$0x3FB3]  }
0x2f: {  	lr =	sadd.s32 s0, s3;
	s0 =	sld [smem:$0x3FAA]  }
0x30: {  	s3 =	sld [smem:$0x3FAD]  }
0x31: {  	[smem:$0x3FB6] =	sst s10  }
0x32: {  	s10 =	sld [smem:$0x3FB4];
	_ =	sdelay $0x3  }
0x33: {  	p0 =	seq.s32 s10, $0x1;
	s10 =	sld [smem:$0x3FB6];
	_ =	sdelay $0x3  }
0x34: {  	[smem:$0x3FB6] =	sst s10  }
0x35: {  	s10 =	sld [smem:$0x3FB5];
	_ =	sdelay $0x3  }
0x36: {  	p1 =	seq.s32 s10, $0x1;
	s10 =	sld [smem:$0x3FB6];
	_ =	sdelay $0x3  }
0x37: {  	[smem:$0x3FB6] =	sst s10  }
0x38: {  	s10 =	sld [smem:$0x3FB7]  }
0x39: {  	_ = 	snop;
	(pc) =	sbr.ind lr, $3  }
0x3a: {  	_ = 	snop  }
0x3b: {  	_ = 	snop  }
0x3c: {  	p2 =	seq.s32 s10, $0x1;
	s10 =	sld [smem:$0x3FB6]  }
0x3d: {  	_ =	shalt  }
0x3e: {  	_ =	shalt  }
0x3f: {  	_ =	shalt  }
0x40: {  	_ =	shalt  }
0x41: {  	_ =	shalt  }
0x42: {  	_ =	shalt  }
0x43: {  	_ =	shalt  }
0x44: {  	_ =	shalt  }
0x45: {  	_ =	shalt  }
0x46: {  	_ =	shalt  }
0x47: {  	_ =	shalt  }
0x48: {  	_ =	shalt  }
0x49: {  	_ =	shalt  }
0x4a: {  	_ =	shalt  }
0x4b: {  	_ =	shalt  }
0x4c: {  	_ =	shalt  }
0x4d: {  	_ =	shalt  }
0x4e: {  	_ =	shalt  }
0x4f: {  	_ =	shalt  }
0x50: {  	_ =	shalt  }
0x51: {  	_ =	shalt  }
0x52: {  	_ =	shalt  }
0x53: {  	_ =	shalt  }
0x54: {  	_ =	shalt  }
0x55: {  	_ =	shalt  }
0x56: {  	_ =	shalt  }
0x57: {  	_ =	shalt  }
0x58: {  	_ =	shalt  }
0x59: {  	_ =	shalt  }
0x5a: {  	_ =	shalt  }
0x5b: {  	_ =	shalt  }
0x5c: {  	_ =	shalt  }
0x5d: {  	_ =	shalt  }
0x5e: {  	_ =	shalt  }
0x5f: {  	_ =	shalt  }
0x60: {  	_ =	shalt  }
0x61: {  	_ =	shalt  }
0x62: {  	_ =	shalt  }
0x63: {  	_ =	shalt  }
0x64: {  	_ =	shalt  }
0x65: {  	_ =	shalt  }
0x66: {  	_ =	shalt  }
0x67: {  	_ =	shalt  }
0x68: {  	_ =	shalt  }
0x69: {  	_ =	shalt  }
0x6a: {  	_ =	shalt  }
0x6b: {  	_ =	shalt  }
0x6c: {  	_ =	shalt  }
0x6d: {  	_ =	shalt  }
0x6e: {  	_ =	shalt  }
0x6f: {  	_ =	shalt  }
0x70: {  	_ =	shalt  }
0x71: {  	_ =	shalt  }
0x72: {  	_ =	shalt  }
0x73: {  	_ =	shalt  }
0x74: {  	_ =	shalt  }
0x75: {  	_ =	shalt  }
0x76: {  	_ =	shalt  }
0x77: {  	_ =	shalt  }
0x78: {  	_ =	shalt  }
0x79: {  	_ =	shalt  }
0x7a: {  	_ =	shalt  }
0x7b: {  	_ =	shalt  }
0x7c: {  	_ =	shalt  }
0x7d: {  	_ =	shalt  }
0x7e: {  	_ =	shalt  }
0x7f: {  	_ =	shalt  }
0x80: {  	_ =	shalt  }
0x81: {  	_ =	shalt  }
0x82: {  	_ =	shalt  }
0x83: {  	_ =	shalt  }
0x84: {  	_ =	shalt  }
0x85: {  	_ =	shalt  }
0x86: {  	_ =	shalt  }
0x87: {  	_ =	shalt  }
.Lfunc_end0:
.L_simem_size_0:
called_computation_lowered:
.L_overlay_start_0:
0x88: {  	s2 =	sld [smem:$0x3FD9]  }
0x89: {  	s3 =	sld [smem:$0x3FFE];
	_ =	sdelay $0x1  }
0x8a: {  	s1 =	srdreg.scid  }
0x8b: {  	s0 =	sand.u32 $0x1, s1  }
0x8c: {  	s17 =	sshll.u32 s0, $0xA;
	s2 =	sadd.s32 s3, s2  }
0x8d: {  	s2 =	sadd.s32 s2, s17  }
0x8e: {  	[smem:$0x3FC2] =	sst s2  }
0x8f: {  	_ = 	snop  }
0x90: {  	s2 =	sld [smem:$0x3FC8]  }
0x91: {  	s18 =	sld [smem:$0x3FD0];
	(tm) =	ssettm $0x1  }
0x92: {  	s4 =	sld [smem:$0x3FFB];
	_ =	sdelay $0x3  }
0x93: {  	_ =	strace s4  }
0x94: {  	s4 =	sld [smem:$0x3FFC];
	_ =	sdelay $0x3  }
0x95: {  	_ =	strace s4  }
0x96: {  	s4 =	sld [smem:$0x3FFD];
	_ =	sdelay $0x3  }
0x97: {  	_ =	strace s4  }
0x98: {  	_ =	strace $0x8FFFFFFF  }
0x99: {  	s19 =	sld [smem:$0x3FDB];
	_ =	sdelay $0x1  }
0x9a: {  	s5 =	simm.s32 $_scs_section_size  }
0x9b: {  	s6 =	simm.s32 $_size__tile_overlayer_lowered;
	s7 =	simm.s32 $_tile_overlayer_lowered  }
0x9c: {  	s22 =	simm.s32 $0x1BFF;
	s21 =	sshll.u32 s7, $0x1;
	s4 =	sadd.s32 s5, s19  }
0x9d: {  	s8 =	simm.s32 $0x0;
	s20 =	sshll.u32 s6, $0x1;
	s6 =	sadd.s32 s21, s4  }
0x9e: {  	[timem:s8], [sflag:s22] =	dma.local [hbm:s6], s20  }
0x9f: {  	_ =	swait.ge [sflag:s22], s20  }
0xa0: {  	s5 =	ssub.s32 $0x0, s20;
	[sflag:s22] =	ssyncset.done $0x0  }
0xa1: {  	[sflag:s22] =	ssyncadd.s32 s5;
	_ =	sdelay $0x1  }
0xa2: {  	s23 =	simm.s32 $0x1B8B  }
0xa3: {  	_ =	swait.ge [sflag:s23], $0x1  }
0xa4: {  	[sflag:s23] =	ssyncset.done $0x0  }
0xa5: {  	s25 =	simm.s32 $0x1B8E;
	s24 =	sld [smem:$0x3FFE];
	[sflag:s23] =	ssyncadd.s32 $0xFFFFFFFF  }
0xa6: {  	s26 =	simm.s32 $execute0_lowered;
	[smem:$0x3FD2] =	sst s25  }
0xa7: {  	s6 =	sshll.u32 s26, $0x1;
	_ =	strace $0x80000046;
	[dreg:$0x1] =	wrdreg $0xFFFFFFFF  }
0xa8: {  	s28 =	simm.s32 $_size_execute0_lowered;
	s4 =	sadd.s32 s4, s6;
	[dreg:$0x0] =	wrdreg $0x0  }
0xa9: {  	s6 =	sshll.u32 s28, $0x1;
	[dreg:$0x2] =	wrdreg s4  }
0xaa: {  	[dreg:$0x3] =	wrdreg s6  }
0xab: {  	[dreg:$0x4] =	wrdreg $0xC0  }
0xac: {  	_ =	task [dreg:s8], $0x5FFFF  }
0xad: {  	[dreg:$0x1] =	wrdreg $0xFFFFFFFF  }
0xae: {  	[dreg:$0x0] =	wrdreg $0x60  }
0xaf: {  	[dreg:$0x2] =	wrdreg s2  }
0xb0: {  	[dreg:$0x3] =	wrdreg s24  }
0xb1: {  	[dreg:$0x4] =	wrdreg s18  }
0xb2: {  	[dreg:$0x5] =	wrdreg $0x9  }
0xb3: {  	_ =	task.clear_ibuf [dreg:s8], $0x6FFFF;
	_ =	strace $0x90000046  }
0xb4: {  	s29 =	simm.s32 $0x9;
	_ =	strace $0x80000048  }
0xb5: {  	_ =	swait.ge [sflag:s29], $0x1  }
0xb6: {  	[sflag:s29] =	ssyncadd.s32 $0xFFFFFFFF  }
0xb7: {  	_ =	strace $0x90000048  }
0xb8: {  	_ =	sfence  }
0xb9: {  	s30 =	sld [smem:$0x0];
	_ =	sdelay $0x2  }
0xba: {  	s31 =	sshll.u32 s1, $0xD;
	s1 =	sshrl.u32 s1, $0x2  }
0xbb: {  	s3 =	sand.u32 $0x4000, s31;
	s1 =	sadd.s32 s1, s30  }
0xbc: {  	s0 =	sor.u32 s3, s0;
	s1 =	sshll.u32 s1, $0x11  }
0xbd: {  	s0 =	sor.u32 s1, s0  }
0xbe: {  	s0 =	sadd.s32 $0x8F2B, s0  }
0xbf: {  	[sflag:s0] =	ssyncadd.remote.s32 $0x1  }
0xc0: {  	_ =	sfence.sel $0xFFFF  }
0xc1: {  	[dreg:$0x0] =	wrdreg $0xFFFFFFFF;
	(pc) =	sbr.abs _section_cstart, $3  }
0xc2: {  	[dreg:$0x1] =	wrdreg $0xFFFFFFFF  }
0xc3: {  	_ =	task.clear_ibuf [dreg:s8], $0x2FFFF;
	_ =	strace $0x9FFFFFFF  }
0xc4: {  	(tm) =	ssettm $0x7FFFFFFF  }
0xc5: {  	_ =	shalt  }
tec
execute0_lowered:
.L_overlay_start_1:
0x0: {  	(tag) =	ssettag $0x1  }
0x1: {  	s1 =	rddreg [dreg:$0x0]  }
0x2: {  	s4 =	rddreg [dreg:$0x1]  }
0x3: {  	s2 =	srdreg.scid;
	s0 =	stileid.u32  }
0x4: {  	s6 =	rddreg [dreg:$0x2];
	s3 =	simm.s32 $0x0;
	s12 =	simm.s32 $0x4400  }
0x5: {  	s13 =	simm.s32 $0x8400;
	s14 =	simm.s32 $0xCC00;
	s15 =	simm.s32 $0x1  }
0x6: {  	s16 =	simm.s32 $0xC400;
	s17 =	simm.s32 $0x2;
	s18 =	simm.s32 $0x4  }
0x7: {  	s19 =	simm.s32 $0xC800;
	s20 =	simm.s32 $0x3;
	s21 =	simm.s32 $0x0  }
0x8: {  	s5 =	sand.u32 $0x1, s2;
	s7 =	sshll.u32 s0, $0x1;
	[smem:$0x7FF] =	sst s3  }
0x9: {  	s2 =	rddreg [dreg:$0x3];
	s7 =	sor.u32 s5, s7;
	_ =	strace $0x80000047  }
0xa: {  	s5 =	ssub.s32 $0x2, s5;
	s8 =	sshll.u32 s7, $0xB;
	s9 =	sshll.u32 s7, $0x7  }
.Ltmp0:
0xb: {  	s7 =	sshll.u32 s7, $0xE;
	s10 =	sshrl.u32 s5, $0x1;
	(pc) =	sbr.rel .LBB2_1-.Ltmp0, $4  }
0xc: {  	s8 =	sadd.s32 s8, s4;
	s9 =	sadd.s32 s9, s4;
	s11 =	sadd.s32 s7, s4  }
0xd: {  	s10 =	ssub.s32 s5, s10;
	s6 =	sadd.s32 s6, s7;
	s4 =	sadd.s32 $0x2200, s8  }
0xe: {  	s5 =	sadd.s32 $0x1200, s9;
	s7 =	sadd.s32 $0x12200, s11;
	s8 =	smax.u32 s10, $0x1  }
0xf: {  	s9 =	simm.s32 $0x7;
	s10 =	simm.s32 $0x4000;
	s11 =	simm.s32 $0x80  }
.LBB2_12:
0x10: {  	s21 =	sadd.s32 $0x1, s21  }
0x11: {  	_ =	swait.ge [sflag:s20], $0x400;
	p0 =	sne.s32 s21, s8  }
.Ltmp1:
0x12: {  	[sflag:s20] =	ssyncset.done $0x0;
	(pc) =	sbr.rel @!p0 .LBB2_13-.Ltmp1, $4  }
0x13: {  	[sflag:s20] =	ssyncadd.s32 $0xFFFFFC00  }
0x14: {  	_ =	swait.ge [sflag:s18], $0x400  }
0x15: {  	[sflag:s18] =	ssyncset.done $0x0  }
0x16: {  	[sflag:s18] =	ssyncadd.s32 $0xFFFFFC00  }
.LBB2_1:
0x17: {  	[tilespmem:s3], [sflag:$0x7] =	stream.linear.gather [hbm4b:s4+s3], $0x4000, $0x38;
	[tilespmem:$0x10C00] =	vst v63  }
0x18: {  	_ =	swait.ge [sflag:s9], $0x4000  }
0x19: {  	[sflag:s9] =	ssyncset.done $0x0  }
0x1a: {  	[sflag:s9] =	ssyncadd.s32 $0xFFFFC000  }
0x1b: {  	[tilespmem:s10], [sflag:$0x7] =	stream.linear.gather [hbm4b:s5+s3], $0x400, $0x38;
	[tilespmem:$0x10C00] =	vst v63  }
0x1c: {  	_ =	swait.ge [sflag:s9], $0x400  }
0x1d: {  	[sflag:s9] =	ssyncset.done $0x0  }
0x1e: {  	[sflag:s9] =	ssyncadd.s32 $0xFFFFFC00  }
0x1f: {  	[tilespmem:s12], [sflag:$0x1] =	stream.indirect.gather [hbm4b:s1+s11], $0x80, s3, s11, $0xb8;
	[tilespmem:$0x10C00] =	vst v63  }
0x20: {  	_ = 	snop  }
0x21: {  	[tilespmem:s13], [sflag:$0x2] =	stream.indirect.gather [hbm4b:s1+s11], $0x80, s11, s11, $0xb8;
	[tilespmem:$0x10C00] =	vst v63  }
0x22: {  	s22 =	simm.s32 $0x0  }
0x23: {  	[tilespmem:s14], [sflag:$0x5] =	stream.indirect.gather [hbm4b:s1+s11], $0x80, s10, s11, $0xb8;
	[tilespmem:$0x10C00] =	vst v63  }
.LBB2_2:
0x24: {  	s23 =	sand.u32 $0x7, s22  }
0x25: {  	p0 =	sne.s32 s23, $0x4  }
0x26: {  	s23 =	simm.s32 @!p0 $0x5  }
0x27: {  	_ =	swait.ge @!p0 [sflag:s23], $0x4000  }
0x28: {  	s24 =	sshrl.u32 @!p0 s22, $0x3;
	[sflag:s23] =	ssyncset.done @!p0 $0x0  }
0x29: {  	[sflag:s23] =	ssyncadd.s32 @!p0 $0xFFFFC000;
	s23 =	sshll.u32 @!p0 s24, $0xB  }
0x2a: {  	s25 =	simm.s32 @!p0 $0x0;
	s26 =	simm.s32 @!p0 $0xCC00;
	s23 =	sadd.s32 @!p0 s23, s6  }
0x2b: {  	[hbm4b:s23+s25] =	stream.linear.scatter @!p0 [tilespmem:s26], [sflag:$0x6], $0x4000, $0x38;
	[tilespmem:$0x10C00] =	vst v63  }
0x2c: {  	p1 =	sgt.u32 @!p0 s22, $0x37;
	s23 =	simm.s32 @!p0 $0x6  }
0x2d: {  	p1 =	por p1, p0;
	_ =	swait.ge @!p0 [sflag:s23], $0x4000  }
0x2e: {  	s24 =	sshll.u32 @!p1 s24, $0x7;
	[sflag:s23] =	ssyncset.done @!p0 $0x0  }
0x2f: {  	[sflag:s23] =	ssyncadd.s32 @!p0 $0xFFFFC000;
	s23 =	sand.u32 @!p1 $0x3FFFFF80, s24  }
0x30: {  	s25 =	simm.s32 @!p1 $0xCC00;
	s24 =	simm.s32 @!p1 $0x80;
	s23 =	sadd.s32 @!p1 $0x4080, s23  }
0x31: {  	[tilespmem:s25], [sflag:$0x5] =	stream.indirect.gather @!p1 [hbm4b:s1+s24], $0x80, s23, s24, $0xb8;
	[tilespmem:$0x10C00] =	vst v63  }
0x32: {  	_ =	swait.ge [sflag:s15], $0x4000  }
0x33: {  	p0 =	seq.s32 s22, $0x0;
	[sflag:s15] =	ssyncset.done $0x0  }
0x34: {  	s23 =	simm.s32 @!p0 $0x3;
	[sflag:s15] =	ssyncadd.s32 $0xFFFFC000  }
0x35: {  	_ =	swait.ge @!p0 [sflag:s23], $0x400  }
0x36: {  	[sflag:s23] =	ssyncset.done @!p0 $0x0  }
0x37: {  	[sflag:s23] =	ssyncadd.s32 @!p0 $0xFFFFFC00;
	s23 =	simm.s32 $0x4800  }
0x38: {  	v0 =	vld [tilespmem:s23+$0xFFFFFC80]  }
0x39: {  	v1 =	vld [tilespmem:s23+$0xFFFFFC00];
	_ =	sdelay $0x1  }
0x3a: {  	v2 =	vld [tilespmem:s23+$0xFFFFFD00];
	_ =	sdelay $0x1  }
0x3b: {  	v3 =	vld [tilespmem:s23+$0xFFFFFD80]  }
0x3c: {  	v0 =	vadd.f32 v0, v1  }
0x3d: {  	v1 =	vld [tilespmem:s23+$0xFFFFFE00]  }
0x3e: {  	v0 =	vadd.f32 v2, v0  }
0x3f: {  	v2 =	vld [tilespmem:s23+$0xFFFFFE80]  }
0x40: {  	v0 =	vadd.f32 v3, v0  }
0x41: {  	v3 =	vld [tilespmem:s23+$0xFFFFFF00]  }
0x42: {  	v0 =	vadd.f32 v1, v0  }
0x43: {  	v1 =	vld [tilespmem:s23+$0xFFFFFF80]  }
0x44: {  	v0 =	vadd.f32 v2, v0  }
0x45: {  	v2 =	vld [tilespmem:s23+$0x0]  }
0x46: {  	v0 =	vadd.f32 v3, v0  }
0x47: {  	v3 =	vld [tilespmem:s23+$0x80]  }
0x48: {  	v0 =	vadd.f32 v1, v0  }
0x49: {  	v1 =	vld [tilespmem:s23+$0x100]  }
0x4a: {  	v0 =	vadd.f32 v2, v0  }
0x4b: {  	v2 =	vld [tilespmem:s23+$0x180]  }
0x4c: {  	v0 =	vadd.f32 v3, v0  }
0x4d: {  	v3 =	vld [tilespmem:s23+$0x200]  }
0x4e: {  	v0 =	vadd.f32 v1, v0  }
0x4f: {  	v1 =	vld [tilespmem:s23+$0x280]  }
0x50: {  	v0 =	vadd.f32 v2, v0  }
0x51: {  	v2 =	vld [tilespmem:s23+$0x300]  }
0x52: {  	v0 =	vadd.f32 v3, v0  }
0x53: {  	v3 =	vld [tilespmem:s23+$0x380]  }
0x54: {  	v0 =	vadd.f32 v1, v0;
	_ =	sdelay $0x1  }
0x55: {  	v0 =	vadd.f32 v2, v0;
	_ =	sdelay $0x1  }
0x56: {  	v0 =	vadd.f32 v3, v0  }
0x57: {  	s24 =	simm.s32 $0x0  }
0x58: {  	[tilespmem:s24+$0xC400] =	vst v0  }
0x59: {  	v0 =	vld [tilespmem:s23+$0xFFFFFC10]  }
0x5a: {  	v1 =	vld [tilespmem:s23+$0xFFFFFC90];
	_ =	sdelay $0x1  }
0x5b: {  	v2 =	vld [tilespmem:s23+$0xFFFFFD10];
	_ =	sdelay $0x1  }
0x5c: {  	v3 =	vld [tilespmem:s23+$0xFFFFFD90]  }
0x5d: {  	v0 =	vadd.f32 v1, v0  }
0x5e: {  	v1 =	vld [tilespmem:s23+$0xFFFFFE10]  }
0x5f: {  	v0 =	vadd.f32 v2, v0  }
0x60: {  	v2 =	vld [tilespmem:s23+$0xFFFFFE90]  }
0x61: {  	v0 =	vadd.f32 v3, v0  }
0x62: {  	v3 =	vld [tilespmem:s23+$0xFFFFFF10]  }
0x63: {  	v0 =	vadd.f32 v1, v0  }
0x64: {  	v1 =	vld [tilespmem:s23+$0xFFFFFF90]  }
0x65: {  	v0 =	vadd.f32 v2, v0  }
0x66: {  	v2 =	vld [tilespmem:s23+$0x10]  }
0x67: {  	v0 =	vadd.f32 v3, v0  }
0x68: {  	v3 =	vld [tilespmem:s23+$0x90]  }
0x69: {  	v0 =	vadd.f32 v1, v0  }
0x6a: {  	v1 =	vld [tilespmem:s23+$0x110]  }
0x6b: {  	v0 =	vadd.f32 v2, v0  }
0x6c: {  	v2 =	vld [tilespmem:s23+$0x190]  }
0x6d: {  	v0 =	vadd.f32 v3, v0  }
0x6e: {  	v3 =	vld [tilespmem:s23+$0x210]  }
0x6f: {  	v0 =	vadd.f32 v1, v0  }
0x70: {  	v1 =	vld [tilespmem:s23+$0x290]  }
0x71: {  	v0 =	vadd.f32 v2, v0  }
0x72: {  	v2 =	vld [tilespmem:s23+$0x310]  }
0x73: {  	v0 =	vadd.f32 v3, v0  }
0x74: {  	v3 =	vld [tilespmem:s23+$0x390]  }
0x75: {  	v0 =	vadd.f32 v1, v0;
	_ =	sdelay $0x1  }
0x76: {  	v0 =	vadd.f32 v2, v0;
	_ =	sdelay $0x1  }
0x77: {  	v0 =	vadd.f32 v3, v0;
	_ =	sdelay $0x1  }
0x78: {  	[tilespmem:s24+$0xC410] =	vst v0  }
0x79: {  	v0 =	vld [tilespmem:s23+$0xFFFFFC20]  }
0x7a: {  	v1 =	vld [tilespmem:s23+$0xFFFFFCA0];
	_ =	sdelay $0x1  }
0x7b: {  	v2 =	vld [tilespmem:s23+$0xFFFFFD20];
	_ =	sdelay $0x1  }
0x7c: {  	v3 =	vld [tilespmem:s23+$0xFFFFFDA0]  }
0x7d: {  	v0 =	vadd.f32 v1, v0  }
0x7e: {  	v1 =	vld [tilespmem:s23+$0xFFFFFE20]  }
0x7f: {  	v0 =	vadd.f32 v2, v0  }
0x80: {  	v2 =	vld [tilespmem:s23+$0xFFFFFEA0]  }
0x81: {  	v0 =	vadd.f32 v3, v0  }
0x82: {  	v3 =	vld [tilespmem:s23+$0xFFFFFF20]  }
0x83: {  	v0 =	vadd.f32 v1, v0  }
0x84: {  	v1 =	vld [tilespmem:s23+$0xFFFFFFA0]  }
0x85: {  	v0 =	vadd.f32 v2, v0  }
0x86: {  	v2 =	vld [tilespmem:s23+$0x20]  }
0x87: {  	v0 =	vadd.f32 v3, v0  }
0x88: {  	v3 =	vld [tilespmem:s23+$0xA0]  }
0x89: {  	v0 =	vadd.f32 v1, v0  }
0x8a: {  	v1 =	vld [tilespmem:s23+$0x120]  }
0x8b: {  	v0 =	vadd.f32 v2, v0  }
0x8c: {  	v2 =	vld [tilespmem:s23+$0x1A0]  }
0x8d: {  	v0 =	vadd.f32 v3, v0  }
0x8e: {  	v3 =	vld [tilespmem:s23+$0x220]  }
0x8f: {  	v0 =	vadd.f32 v1, v0  }
0x90: {  	v1 =	vld [tilespmem:s23+$0x2A0]  }
0x91: {  	v0 =	vadd.f32 v2, v0  }
0x92: {  	v2 =	vld [tilespmem:s23+$0x320]  }
0x93: {  	v0 =	vadd.f32 v3, v0  }
0x94: {  	v3 =	vld [tilespmem:s23+$0x3A0]  }
0x95: {  	v0 =	vadd.f32 v1, v0;
	_ =	sdelay $0x1  }
0x96: {  	v0 =	vadd.f32 v2, v0;
	_ =	sdelay $0x1  }
0x97: {  	v0 =	vadd.f32 v3, v0;
	_ =	sdelay $0x1  }
0x98: {  	[tilespmem:s24+$0xC420] =	vst v0  }
0x99: {  	v0 =	vld [tilespmem:s23+$0xFFFFFC30]  }
0x9a: {  	v1 =	vld [tilespmem:s23+$0xFFFFFCB0];
	_ =	sdelay $0x1  }
0x9b: {  	v2 =	vld [tilespmem:s23+$0xFFFFFD30];
	_ =	sdelay $0x1  }
0x9c: {  	v3 =	vld [tilespmem:s23+$0xFFFFFDB0]  }
0x9d: {  	v0 =	vadd.f32 v1, v0  }
0x9e: {  	v1 =	vld [tilespmem:s23+$0xFFFFFE30]  }
0x9f: {  	v0 =	vadd.f32 v2, v0  }
0xa0: {  	v2 =	vld [tilespmem:s23+$0xFFFFFEB0]  }
0xa1: {  	v0 =	vadd.f32 v3, v0  }
0xa2: {  	v3 =	vld [tilespmem:s23+$0xFFFFFF30]  }
0xa3: {  	v0 =	vadd.f32 v1, v0  }
0xa4: {  	v1 =	vld [tilespmem:s23+$0xFFFFFFB0]  }
0xa5: {  	v0 =	vadd.f32 v2, v0  }
0xa6: {  	v2 =	vld [tilespmem:s23+$0x30]  }
0xa7: {  	v0 =	vadd.f32 v3, v0  }
0xa8: {  	v3 =	vld [tilespmem:s23+$0xB0]  }
0xa9: {  	v0 =	vadd.f32 v1, v0  }
0xaa: {  	v1 =	vld [tilespmem:s23+$0x130]  }
0xab: {  	v0 =	vadd.f32 v2, v0  }
0xac: {  	v2 =	vld [tilespmem:s23+$0x1B0]  }
0xad: {  	v0 =	vadd.f32 v3, v0  }
0xae: {  	v3 =	vld [tilespmem:s23+$0x230]  }
0xaf: {  	v0 =	vadd.f32 v1, v0  }
0xb0: {  	v1 =	vld [tilespmem:s23+$0x2B0]  }
0xb1: {  	v0 =	vadd.f32 v2, v0  }
0xb2: {  	v2 =	vld [tilespmem:s23+$0x330]  }
0xb3: {  	v0 =	vadd.f32 v3, v0  }
0xb4: {  	v3 =	vld [tilespmem:s23+$0x3B0]  }
0xb5: {  	v0 =	vadd.f32 v1, v0;
	_ =	sdelay $0x1  }
0xb6: {  	v0 =	vadd.f32 v2, v0;
	_ =	sdelay $0x1  }
0xb7: {  	v0 =	vadd.f32 v3, v0;
	_ =	sdelay $0x1  }
0xb8: {  	[tilespmem:s24+$0xC430] =	vst v0  }
0xb9: {  	v0 =	vld [tilespmem:s23+$0xFFFFFC40]  }
0xba: {  	v1 =	vld [tilespmem:s23+$0xFFFFFCC0];
	_ =	sdelay $0x1  }
0xbb: {  	v2 =	vld [tilespmem:s23+$0xFFFFFD40];
	_ =	sdelay $0x1  }
0xbc: {  	v3 =	vld [tilespmem:s23+$0xFFFFFDC0]  }
0xbd: {  	v0 =	vadd.f32 v1, v0  }
0xbe: {  	v1 =	vld [tilespmem:s23+$0xFFFFFE40]  }
0xbf: {  	v0 =	vadd.f32 v2, v0  }
0xc0: {  	v2 =	vld [tilespmem:s23+$0xFFFFFEC0]  }
0xc1: {  	v0 =	vadd.f32 v3, v0  }
0xc2: {  	v3 =	vld [tilespmem:s23+$0xFFFFFF40]  }
0xc3: {  	v0 =	vadd.f32 v1, v0  }
0xc4: {  	v1 =	vld [tilespmem:s23+$0xFFFFFFC0]  }
0xc5: {  	v0 =	vadd.f32 v2, v0  }
0xc6: {  	v2 =	vld [tilespmem:s23+$0x40]  }
0xc7: {  	v0 =	vadd.f32 v3, v0  }
0xc8: {  	v3 =	vld [tilespmem:s23+$0xC0]  }
0xc9: {  	v0 =	vadd.f32 v1, v0  }
0xca: {  	v1 =	vld [tilespmem:s23+$0x140]  }
0xcb: {  	v0 =	vadd.f32 v2, v0  }
0xcc: {  	v2 =	vld [tilespmem:s23+$0x1C0]  }
0xcd: {  	v0 =	vadd.f32 v3, v0  }
0xce: {  	v3 =	vld [tilespmem:s23+$0x240]  }
0xcf: {  	v0 =	vadd.f32 v1, v0  }
0xd0: {  	v1 =	vld [tilespmem:s23+$0x2C0]  }
0xd1: {  	v0 =	vadd.f32 v2, v0  }
0xd2: {  	v2 =	vld [tilespmem:s23+$0x340]  }
0xd3: {  	v0 =	vadd.f32 v3, v0  }
0xd4: {  	v3 =	vld [tilespmem:s23+$0x3C0]  }
0xd5: {  	v0 =	vadd.f32 v1, v0;
	_ =	sdelay $0x1  }
0xd6: {  	v0 =	vadd.f32 v2, v0;
	_ =	sdelay $0x1  }
0xd7: {  	v0 =	vadd.f32 v3, v0;
	_ =	sdelay $0x1  }
0xd8: {  	[tilespmem:s24+$0xC440] =	vst v0  }
0xd9: {  	v0 =	vld [tilespmem:s23+$0xFFFFFC50]  }
0xda: {  	v1 =	vld [tilespmem:s23+$0xFFFFFCD0];
	_ =	sdelay $0x1  }
0xdb: {  	v2 =	vld [tilespmem:s23+$0xFFFFFD50];
	_ =	sdelay $0x1  }
0xdc: {  	v3 =	vld [tilespmem:s23+$0xFFFFFDD0]  }
0xdd: {  	v0 =	vadd.f32 v1, v0  }
0xde: {  	v1 =	vld [tilespmem:s23+$0xFFFFFE50]  }
0xdf: {  	v0 =	vadd.f32 v2, v0  }
0xe0: {  	v2 =	vld [tilespmem:s23+$0xFFFFFED0]  }
0xe1: {  	v0 =	vadd.f32 v3, v0  }
0xe2: {  	v3 =	vld [tilespmem:s23+$0xFFFFFF50]  }
0xe3: {  	v0 =	vadd.f32 v1, v0  }
0xe4: {  	v1 =	vld [tilespmem:s23+$0xFFFFFFD0]  }
0xe5: {  	v0 =	vadd.f32 v2, v0  }
0xe6: {  	v2 =	vld [tilespmem:s23+$0x50]  }
0xe7: {  	v0 =	vadd.f32 v3, v0  }
0xe8: {  	v3 =	vld [tilespmem:s23+$0xD0]  }
0xe9: {  	v0 =	vadd.f32 v1, v0  }
0xea: {  	v1 =	vld [tilespmem:s23+$0x150]  }
0xeb: {  	v0 =	vadd.f32 v2, v0  }
0xec: {  	v2 =	vld [tilespmem:s23+$0x1D0]  }
0xed: {  	v0 =	vadd.f32 v3, v0  }
0xee: {  	v3 =	vld [tilespmem:s23+$0x250]  }
0xef: {  	v0 =	vadd.f32 v1, v0  }
0xf0: {  	v1 =	vld [tilespmem:s23+$0x2D0]  }
0xf1: {  	v0 =	vadd.f32 v2, v0  }
0xf2: {  	v2 =	vld [tilespmem:s23+$0x350]  }
0xf3: {  	v0 =	vadd.f32 v3, v0  }
0xf4: {  	v3 =	vld [tilespmem:s23+$0x3D0]  }
0xf5: {  	v0 =	vadd.f32 v1, v0;
	_ =	sdelay $0x1  }
0xf6: {  	v0 =	vadd.f32 v2, v0;
	_ =	sdelay $0x1  }
0xf7: {  	v0 =	vadd.f32 v3, v0;
	_ =	sdelay $0x1  }
0xf8: {  	[tilespmem:s24+$0xC450] =	vst v0  }
0xf9: {  	v0 =	vld [tilespmem:s23+$0xFFFFFC60]  }
0xfa: {  	v1 =	vld [tilespmem:s23+$0xFFFFFCE0];
	_ =	sdelay $0x1  }
0xfb: {  	v2 =	vld [tilespmem:s23+$0xFFFFFD60];
	_ =	sdelay $0x1  }
0xfc: {  	v3 =	vld [tilespmem:s23+$0xFFFFFDE0]  }
0xfd: {  	v0 =	vadd.f32 v1, v0  }
0xfe: {  	v1 =	vld [tilespmem:s23+$0xFFFFFE60]  }
0xff: {  	v0 =	vadd.f32 v2, v0  }
0x100: {  	v2 =	vld [tilespmem:s23+$0xFFFFFEE0]  }
0x101: {  	v0 =	vadd.f32 v3, v0  }
0x102: {  	v3 =	vld [tilespmem:s23+$0xFFFFFF60]  }
0x103: {  	v0 =	vadd.f32 v1, v0  }
0x104: {  	v1 =	vld [tilespmem:s23+$0xFFFFFFE0]  }
0x105: {  	v0 =	vadd.f32 v2, v0  }
0x106: {  	v2 =	vld [tilespmem:s23+$0x60]  }
0x107: {  	v0 =	vadd.f32 v3, v0  }
0x108: {  	v3 =	vld [tilespmem:s23+$0xE0]  }
0x109: {  	v0 =	vadd.f32 v1, v0  }
0x10a: {  	v1 =	vld [tilespmem:s23+$0x160]  }
0x10b: {  	v0 =	vadd.f32 v2, v0  }
0x10c: {  	v2 =	vld [tilespmem:s23+$0x1E0]  }
0x10d: {  	v0 =	vadd.f32 v3, v0  }
0x10e: {  	v3 =	vld [tilespmem:s23+$0x260]  }
0x10f: {  	v0 =	vadd.f32 v1, v0  }
0x110: {  	v1 =	vld [tilespmem:s23+$0x2E0]  }
0x111: {  	v0 =	vadd.f32 v2, v0  }
0x112: {  	v2 =	vld [tilespmem:s23+$0x360]  }
0x113: {  	v0 =	vadd.f32 v3, v0  }
0x114: {  	v3 =	vld [tilespmem:s23+$0x3E0]  }
0x115: {  	v0 =	vadd.f32 v1, v0;
	_ =	sdelay $0x1  }
0x116: {  	v0 =	vadd.f32 v2, v0;
	_ =	sdelay $0x1  }
0x117: {  	v0 =	vadd.f32 v3, v0;
	_ =	sdelay $0x1  }
0x118: {  	[tilespmem:s24+$0xC460] =	vst v0  }
0x119: {  	v0 =	vld [tilespmem:s23+$0xFFFFFC70]  }
0x11a: {  	v1 =	vld [tilespmem:s23+$0xFFFFFCF0];
	_ =	sdelay $0x1  }
0x11b: {  	v2 =	vld [tilespmem:s23+$0xFFFFFD70];
	_ =	sdelay $0x1  }
0x11c: {  	v3 =	vld [tilespmem:s23+$0xFFFFFDF0]  }
0x11d: {  	v0 =	vadd.f32 v1, v0  }
0x11e: {  	v1 =	vld [tilespmem:s23+$0xFFFFFE70]  }
0x11f: {  	v0 =	vadd.f32 v2, v0  }
0x120: {  	v2 =	vld [tilespmem:s23+$0xFFFFFEF0]  }
0x121: {  	v0 =	vadd.f32 v3, v0  }
0x122: {  	v3 =	vld [tilespmem:s23+$0xFFFFFF70]  }
0x123: {  	v0 =	vadd.f32 v1, v0  }
0x124: {  	v1 =	vld [tilespmem:s23+$0xFFFFFFF0]  }
0x125: {  	v0 =	vadd.f32 v2, v0  }
0x126: {  	v2 =	vld [tilespmem:s23+$0x70]  }
0x127: {  	v0 =	vadd.f32 v3, v0  }
0x128: {  	v3 =	vld [tilespmem:s23+$0xF0]  }
0x129: {  	v0 =	vadd.f32 v1, v0  }
0x12a: {  	v1 =	vld [tilespmem:s23+$0x170]  }
0x12b: {  	v0 =	vadd.f32 v2, v0  }
0x12c: {  	v4 =	vld [tilespmem:s23+$0x1F0]  }
0x12d: {  	v2 =	vadd.f32 v3, v0  }
0x12e: {  	v3 =	vld [tilespmem:s23+$0x270]  }
0x12f: {  	v0 =	vld [tilespmem:s23+$0x2F0];
	v5 =	vadd.f32 v1, v2  }
0x130: {  	v1 =	vld [tilespmem:s23+$0x370]  }
0x131: {  	s25 =	simm.s32 $0x200;
	v2 =	vld [tilespmem:s23+$0x3F0];
	v4 =	vadd.f32 v4, v5  }
.LBB2_3:
0x132: {  	p1 =	sne.s32 s25, $0xE00  }
0x133: {  	s23 =	sadd.s32 $0x800, s23;
	s26 =	smov.u32 s25;
	s25 =	sadd.s32 $0x200, s25;
	v3 =	vadd.f32 v3, v4  }
0x134: {  	_ = 	snop  }
0x135: {  	v0 =	vadd.f32 v0, v3;
	_ =	sdelay $0x1  }
0x136: {  	v0 =	vadd.f32 v1, v0;
	_ =	sdelay $0x1  }
0x137: {  	v0 =	vadd.f32 v2, v0;
	_ =	sdelay $0x1  }
0x138: {  	[tilespmem:s24+$0xC470] =	vst v0  }
0x139: {  	v0 =	vld [tilespmem:s23+$0xFFFFFC80]  }
0x13a: {  	v1 =	vld [tilespmem:s23+$0xFFFFFC00]  }
0x13b: {  	v2 =	vld [tilespmem:s23+$0xFFFFFD00];
	_ =	sdelay $0x2  }
0x13c: {  	v3 =	vld [tilespmem:s23+$0xFFFFFD80]  }
0x13d: {  	v0 =	vadd.f32 v0, v1  }
0x13e: {  	v1 =	vld [tilespmem:s23+$0xFFFFFE00]  }
0x13f: {  	v0 =	vadd.f32 v2, v0  }
0x140: {  	v2 =	vld [tilespmem:s23+$0xFFFFFE80]  }
0x141: {  	v0 =	vadd.f32 v3, v0  }
0x142: {  	v3 =	vld [tilespmem:s23+$0xFFFFFF00]  }
0x143: {  	v0 =	vadd.f32 v1, v0  }
0x144: {  	v1 =	vld [tilespmem:s23+$0xFFFFFF80]  }
0x145: {  	v0 =	vadd.f32 v2, v0  }
0x146: {  	v2 =	vld [tilespmem:s23+$0x0]  }
0x147: {  	v0 =	vadd.f32 v3, v0  }
0x148: {  	v3 =	vld [tilespmem:s23+$0x80]  }
0x149: {  	v0 =	vadd.f32 v1, v0  }
0x14a: {  	v1 =	vld [tilespmem:s23+$0x100]  }
0x14b: {  	v0 =	vadd.f32 v2, v0  }
0x14c: {  	v2 =	vld [tilespmem:s23+$0x180]  }
0x14d: {  	v0 =	vadd.f32 v3, v0  }
0x14e: {  	v3 =	vld [tilespmem:s23+$0x200]  }
0x14f: {  	v0 =	vadd.f32 v1, v0  }
0x150: {  	v1 =	vld [tilespmem:s23+$0x280]  }
0x151: {  	v0 =	vadd.f32 v2, v0  }
0x152: {  	v2 =	vld [tilespmem:s23+$0x300]  }
0x153: {  	v0 =	vadd.f32 v3, v0  }
0x154: {  	v3 =	vld [tilespmem:s23+$0x380]  }
0x155: {  	v0 =	vadd.f32 v1, v0;
	_ =	sdelay $0x1  }
0x156: {  	v0 =	vadd.f32 v2, v0;
	_ =	sdelay $0x1  }
0x157: {  	v0 =	vadd.f32 v3, v0  }
0x158: {  	s24 =	sshra.s32 s26, $0x2  }
0x159: {  	[tilespmem:s24+$0xC400] =	vst v0  }
0x15a: {  	v0 =	vld [tilespmem:s23+$0xFFFFFC10]  }
0x15b: {  	v1 =	vld [tilespmem:s23+$0xFFFFFC90];
	_ =	sdelay $0x1  }
0x15c: {  	v2 =	vld [tilespmem:s23+$0xFFFFFD10];
	_ =	sdelay $0x1  }
0x15d: {  	v3 =	vld [tilespmem:s23+$0xFFFFFD90]  }
0x15e: {  	v0 =	vadd.f32 v1, v0  }
0x15f: {  	v1 =	vld [tilespmem:s23+$0xFFFFFE10]  }
0x160: {  	v0 =	vadd.f32 v2, v0  }
0x161: {  	v2 =	vld [tilespmem:s23+$0xFFFFFE90]  }
0x162: {  	v0 =	vadd.f32 v3, v0  }
0x163: {  	v3 =	vld [tilespmem:s23+$0xFFFFFF10]  }
0x164: {  	v0 =	vadd.f32 v1, v0  }
0x165: {  	v1 =	vld [tilespmem:s23+$0xFFFFFF90]  }
0x166: {  	v0 =	vadd.f32 v2, v0  }
0x167: {  	v2 =	vld [tilespmem:s23+$0x10]  }
0x168: {  	v0 =	vadd.f32 v3, v0  }
0x169: {  	v3 =	vld [tilespmem:s23+$0x90]  }
0x16a: {  	v0 =	vadd.f32 v1, v0  }
0x16b: {  	v1 =	vld [tilespmem:s23+$0x110]  }
0x16c: {  	v0 =	vadd.f32 v2, v0  }
0x16d: {  	v2 =	vld [tilespmem:s23+$0x190]  }
0x16e: {  	v0 =	vadd.f32 v3, v0  }
0x16f: {  	v3 =	vld [tilespmem:s23+$0x210]  }
0x170: {  	v0 =	vadd.f32 v1, v0  }
0x171: {  	v1 =	vld [tilespmem:s23+$0x290]  }
0x172: {  	v0 =	vadd.f32 v2, v0  }
0x173: {  	v2 =	vld [tilespmem:s23+$0x310]  }
0x174: {  	v0 =	vadd.f32 v3, v0  }
0x175: {  	v3 =	vld [tilespmem:s23+$0x390]  }
0x176: {  	v0 =	vadd.f32 v1, v0;
	_ =	sdelay $0x1  }
0x177: {  	v0 =	vadd.f32 v2, v0;
	_ =	sdelay $0x1  }
0x178: {  	v0 =	vadd.f32 v3, v0;
	_ =	sdelay $0x1  }
0x179: {  	[tilespmem:s24+$0xC410] =	vst v0  }
0x17a: {  	v0 =	vld [tilespmem:s23+$0xFFFFFC20]  }
0x17b: {  	v1 =	vld [tilespmem:s23+$0xFFFFFCA0];
	_ =	sdelay $0x1  }
0x17c: {  	v2 =	vld [tilespmem:s23+$0xFFFFFD20];
	_ =	sdelay $0x1  }
0x17d: {  	v3 =	vld [tilespmem:s23+$0xFFFFFDA0]  }
0x17e: {  	v0 =	vadd.f32 v1, v0  }
0x17f: {  	v1 =	vld [tilespmem:s23+$0xFFFFFE20]  }
0x180: {  	v0 =	vadd.f32 v2, v0  }
0x181: {  	v2 =	vld [tilespmem:s23+$0xFFFFFEA0]  }
0x182: {  	v0 =	vadd.f32 v3, v0  }
0x183: {  	v3 =	vld [tilespmem:s23+$0xFFFFFF20]  }
0x184: {  	v0 =	vadd.f32 v1, v0  }
0x185: {  	v1 =	vld [tilespmem:s23+$0xFFFFFFA0]  }
0x186: {  	v0 =	vadd.f32 v2, v0  }
0x187: {  	v2 =	vld [tilespmem:s23+$0x20]  }
0x188: {  	v0 =	vadd.f32 v3, v0  }
0x189: {  	v3 =	vld [tilespmem:s23+$0xA0]  }
0x18a: {  	v0 =	vadd.f32 v1, v0  }
0x18b: {  	v1 =	vld [tilespmem:s23+$0x120]  }
0x18c: {  	v0 =	vadd.f32 v2, v0  }
0x18d: {  	v2 =	vld [tilespmem:s23+$0x1A0]  }
0x18e: {  	v0 =	vadd.f32 v3, v0  }
0x18f: {  	v3 =	vld [tilespmem:s23+$0x220]  }
0x190: {  	v0 =	vadd.f32 v1, v0  }
0x191: {  	v1 =	vld [tilespmem:s23+$0x2A0]  }
0x192: {  	v0 =	vadd.f32 v2, v0  }
0x193: {  	v2 =	vld [tilespmem:s23+$0x320]  }
0x194: {  	v0 =	vadd.f32 v3, v0  }
0x195: {  	v3 =	vld [tilespmem:s23+$0x3A0]  }
0x196: {  	v0 =	vadd.f32 v1, v0;
	_ =	sdelay $0x1  }
0x197: {  	v0 =	vadd.f32 v2, v0;
	_ =	sdelay $0x1  }
0x198: {  	v0 =	vadd.f32 v3, v0;
	_ =	sdelay $0x1  }
0x199: {  	[tilespmem:s24+$0xC420] =	vst v0  }
0x19a: {  	v0 =	vld [tilespmem:s23+$0xFFFFFC30]  }
0x19b: {  	v1 =	vld [tilespmem:s23+$0xFFFFFCB0]  }
0x19c: {  	v2 =	vld [tilespmem:s23+$0xFFFFFD30];
	_ =	sdelay $0x2  }
0x19d: {  	v3 =	vld [tilespmem:s23+$0xFFFFFDB0]  }
0x19e: {  	v0 =	vadd.f32 v1, v0  }
0x19f: {  	v1 =	vld [tilespmem:s23+$0xFFFFFE30]  }
0x1a0: {  	v0 =	vadd.f32 v2, v0  }
0x1a1: {  	v2 =	vld [tilespmem:s23+$0xFFFFFEB0]  }
0x1a2: {  	v0 =	vadd.f32 v3, v0  }
0x1a3: {  	v3 =	vld [tilespmem:s23+$0xFFFFFF30]  }
0x1a4: {  	v0 =	vadd.f32 v1, v0  }
0x1a5: {  	v1 =	vld [tilespmem:s23+$0xFFFFFFB0]  }
0x1a6: {  	v0 =	vadd.f32 v2, v0  }
0x1a7: {  	v2 =	vld [tilespmem:s23+$0x30]  }
0x1a8: {  	v0 =	vadd.f32 v3, v0  }
0x1a9: {  	v3 =	vld [tilespmem:s23+$0xB0]  }
0x1aa: {  	v0 =	vadd.f32 v1, v0  }
0x1ab: {  	v1 =	vld [tilespmem:s23+$0x130]  }
0x1ac: {  	v0 =	vadd.f32 v2, v0  }
0x1ad: {  	v2 =	vld [tilespmem:s23+$0x1B0]  }
0x1ae: {  	v0 =	vadd.f32 v3, v0  }
0x1af: {  	v3 =	vld [tilespmem:s23+$0x230]  }
0x1b0: {  	v0 =	vadd.f32 v1, v0  }
0x1b1: {  	v1 =	vld [tilespmem:s23+$0x2B0]  }
0x1b2: {  	v0 =	vadd.f32 v2, v0  }
0x1b3: {  	v2 =	vld [tilespmem:s23+$0x330]  }
0x1b4: {  	v0 =	vadd.f32 v3, v0  }
0x1b5: {  	v3 =	vld [tilespmem:s23+$0x3B0]  }
0x1b6: {  	v0 =	vadd.f32 v1, v0;
	_ =	sdelay $0x1  }
0x1b7: {  	v0 =	vadd.f32 v2, v0;
	_ =	sdelay $0x1  }
0x1b8: {  	v0 =	vadd.f32 v3, v0;
	_ =	sdelay $0x1  }
0x1b9: {  	[tilespmem:s24+$0xC430] =	vst v0  }
0x1ba: {  	v0 =	vld [tilespmem:s23+$0xFFFFFC40]  }
0x1bb: {  	v1 =	vld [tilespmem:s23+$0xFFFFFCC0]  }
0x1bc: {  	v2 =	vld [tilespmem:s23+$0xFFFFFD40];
	_ =	sdelay $0x2  }
0x1bd: {  	v3 =	vld [tilespmem:s23+$0xFFFFFDC0]  }
0x1be: {  	v0 =	vadd.f32 v1, v0  }
0x1bf: {  	v1 =	vld [tilespmem:s23+$0xFFFFFE40]  }
0x1c0: {  	v0 =	vadd.f32 v2, v0  }
0x1c1: {  	v2 =	vld [tilespmem:s23+$0xFFFFFEC0]  }
0x1c2: {  	v0 =	vadd.f32 v3, v0  }
0x1c3: {  	v3 =	vld [tilespmem:s23+$0xFFFFFF40]  }
0x1c4: {  	v0 =	vadd.f32 v1, v0  }
0x1c5: {  	v1 =	vld [tilespmem:s23+$0xFFFFFFC0]  }
0x1c6: {  	v0 =	vadd.f32 v2, v0  }
0x1c7: {  	v2 =	vld [tilespmem:s23+$0x40]  }
0x1c8: {  	v0 =	vadd.f32 v3, v0  }
0x1c9: {  	v3 =	vld [tilespmem:s23+$0xC0]  }
0x1ca: {  	v0 =	vadd.f32 v1, v0  }
0x1cb: {  	v1 =	vld [tilespmem:s23+$0x140]  }
0x1cc: {  	v0 =	vadd.f32 v2, v0  }
0x1cd: {  	v2 =	vld [tilespmem:s23+$0x1C0]  }
0x1ce: {  	v0 =	vadd.f32 v3, v0  }
0x1cf: {  	v3 =	vld [tilespmem:s23+$0x240]  }
0x1d0: {  	v0 =	vadd.f32 v1, v0  }
0x1d1: {  	v1 =	vld [tilespmem:s23+$0x2C0]  }
0x1d2: {  	v0 =	vadd.f32 v2, v0  }
0x1d3: {  	v2 =	vld [tilespmem:s23+$0x340]  }
0x1d4: {  	v0 =	vadd.f32 v3, v0  }
0x1d5: {  	v3 =	vld [tilespmem:s23+$0x3C0]  }
0x1d6: {  	v0 =	vadd.f32 v1, v0;
	_ =	sdelay $0x1  }
0x1d7: {  	v0 =	vadd.f32 v2, v0;
	_ =	sdelay $0x1  }
0x1d8: {  	v0 =	vadd.f32 v3, v0;
	_ =	sdelay $0x1  }
0x1d9: {  	[tilespmem:s24+$0xC440] =	vst v0  }
0x1da: {  	v0 =	vld [tilespmem:s23+$0xFFFFFC50]  }
0x1db: {  	v1 =	vld [tilespmem:s23+$0xFFFFFCD0]  }
0x1dc: {  	v2 =	vld [tilespmem:s23+$0xFFFFFD50]  }
0x1dd: {  	v3 =	vld [tilespmem:s23+$0xFFFFFDD0]  }
0x1de: {  	v4 =	vld [tilespmem:s23+$0xFFFFFE50]  }
0x1df: {  	v5 =	vld [tilespmem:s23+$0xFFFFFED0]  }
0x1e0: {  	v0 =	vadd.f32 v1, v0;
	v1 =	vld [tilespmem:s23+$0xFFFFFF50]  }
0x1e1: {  	v6 =	vld [tilespmem:s23+$0xFFFFFFD0]  }
0x1e2: {  	v0 =	vadd.f32 v2, v0;
	v2 =	vld [tilespmem:s23+$0x50]  }
0x1e3: {  	v7 =	vld [tilespmem:s23+$0xD0]  }
0x1e4: {  	v0 =	vadd.f32 v3, v0;
	v3 =	vld [tilespmem:s23+$0x150]  }
0x1e5: {  	v8 =	vld [tilespmem:s23+$0x1D0]  }
0x1e6: {  	v0 =	vadd.f32 v4, v0;
	v4 =	vld [tilespmem:s23+$0x250]  }
0x1e7: {  	v9 =	vld [tilespmem:s23+$0x2D0]  }
0x1e8: {  	v0 =	vadd.f32 v5, v0;
	v5 =	vld [tilespmem:s23+$0x350]  }
0x1e9: {  	v10 =	vld [tilespmem:s23+$0x3D0]  }
0x1ea: {  	v0 =	vadd.f32 v1, v0;
	_ =	sdelay $0x1  }
0x1eb: {  	v0 =	vadd.f32 v6, v0;
	_ =	sdelay $0x1  }
0x1ec: {  	v0 =	vadd.f32 v2, v0;
	_ =	sdelay $0x1  }
0x1ed: {  	v0 =	vadd.f32 v7, v0;
	_ =	sdelay $0x1  }
0x1ee: {  	v0 =	vadd.f32 v3, v0;
	_ =	sdelay $0x1  }
0x1ef: {  	v0 =	vadd.f32 v8, v0;
	_ =	sdelay $0x1  }
0x1f0: {  	v0 =	vadd.f32 v4, v0;
	_ =	sdelay $0x1  }
0x1f1: {  	v0 =	vadd.f32 v9, v0;
	_ =	sdelay $0x1  }
0x1f2: {  	v0 =	vadd.f32 v5, v0;
	_ =	sdelay $0x1  }
0x1f3: {  	v0 =	vadd.f32 v10, v0;
	_ =	sdelay $0x1  }
0x1f4: {  	[tilespmem:s24+$0xC450] =	vst v0  }
0x1f5: {  	v0 =	vld [tilespmem:s23+$0xFFFFFC60]  }
0x1f6: {  	v1 =	vld [tilespmem:s23+$0xFFFFFCE0]  }
0x1f7: {  	v2 =	vld [tilespmem:s23+$0xFFFFFD60]  }
0x1f8: {  	v3 =	vld [tilespmem:s23+$0xFFFFFDE0]  }
0x1f9: {  	v4 =	vld [tilespmem:s23+$0xFFFFFE60]  }
0x1fa: {  	v5 =	vld [tilespmem:s23+$0xFFFFFEE0]  }
0x1fb: {  	v0 =	vadd.f32 v1, v0;
	v1 =	vld [tilespmem:s23+$0xFFFFFF60]  }
0x1fc: {  	v6 =	vld [tilespmem:s23+$0xFFFFFFE0]  }
0x1fd: {  	v0 =	vadd.f32 v2, v0;
	v2 =	vld [tilespmem:s23+$0x60]  }
0x1fe: {  	v7 =	vld [tilespmem:s23+$0xE0]  }
0x1ff: {  	v0 =	vadd.f32 v3, v0;
	v3 =	vld [tilespmem:s23+$0x160]  }
0x200: {  	v8 =	vld [tilespmem:s23+$0x1E0]  }
0x201: {  	v0 =	vadd.f32 v4, v0;
	v4 =	vld [tilespmem:s23+$0x260]  }
0x202: {  	v9 =	vld [tilespmem:s23+$0x2E0]  }
0x203: {  	v0 =	vadd.f32 v5, v0;
	v5 =	vld [tilespmem:s23+$0x360]  }
0x204: {  	v10 =	vld [tilespmem:s23+$0x3E0]  }
0x205: {  	v0 =	vadd.f32 v1, v0;
	_ =	sdelay $0x1  }
0x206: {  	v0 =	vadd.f32 v6, v0;
	_ =	sdelay $0x1  }
0x207: {  	v0 =	vadd.f32 v2, v0;
	_ =	sdelay $0x1  }
0x208: {  	v0 =	vadd.f32 v7, v0;
	_ =	sdelay $0x1  }
0x209: {  	v0 =	vadd.f32 v3, v0;
	_ =	sdelay $0x1  }
0x20a: {  	v0 =	vadd.f32 v8, v0;
	_ =	sdelay $0x1  }
0x20b: {  	v0 =	vadd.f32 v4, v0;
	_ =	sdelay $0x1  }
0x20c: {  	v0 =	vadd.f32 v9, v0;
	_ =	sdelay $0x1  }
0x20d: {  	v0 =	vadd.f32 v5, v0;
	_ =	sdelay $0x1  }
0x20e: {  	v0 =	vadd.f32 v10, v0;
	_ =	sdelay $0x1  }
0x20f: {  	[tilespmem:s24+$0xC460] =	vst v0  }
0x210: {  	v0 =	vld [tilespmem:s23+$0xFFFFFC70]  }
0x211: {  	v1 =	vld [tilespmem:s23+$0xFFFFFCF0]  }
0x212: {  	v2 =	vld [tilespmem:s23+$0xFFFFFD70]  }
0x213: {  	v3 =	vld [tilespmem:s23+$0xFFFFFDF0]  }
0x214: {  	v4 =	vld [tilespmem:s23+$0xFFFFFE70]  }
0x215: {  	v5 =	vld [tilespmem:s23+$0xFFFFFEF0]  }
0x216: {  	v0 =	vadd.f32 v1, v0;
	v6 =	vld [tilespmem:s23+$0xFFFFFF70]  }
0x217: {  	v7 =	vld [tilespmem:s23+$0xFFFFFFF0]  }
0x218: {  	v0 =	vadd.f32 v2, v0;
	v8 =	vld [tilespmem:s23+$0x70]  }
0x219: {  	v9 =	vld [tilespmem:s23+$0xF0]  }
0x21a: {  	v0 =	vadd.f32 v3, v0;
	v10 =	vld [tilespmem:s23+$0x170]  }
0x21b: {  	v11 =	vld [tilespmem:s23+$0x1F0]  }
0x21c: {  	v1 =	vadd.f32 v4, v0;
	v3 =	vld [tilespmem:s23+$0x270]  }
0x21d: {  	v0 =	vld [tilespmem:s23+$0x2F0]  }
0x21e: {  	v4 =	vadd.f32 v5, v1;
	v1 =	vld [tilespmem:s23+$0x370]  }
0x21f: {  	v2 =	vld [tilespmem:s23+$0x3F0]  }
0x220: {  	v4 =	vadd.f32 v6, v4;
	_ =	sdelay $0x1  }
0x221: {  	v4 =	vadd.f32 v7, v4;
	_ =	sdelay $0x1  }
0x222: {  	v4 =	vadd.f32 v8, v4;
	_ =	sdelay $0x1  }
.Ltmp2:
0x223: {  	v4 =	vadd.f32 v9, v4;
	(pc) =	sbr.rel @p1 .LBB2_3-.Ltmp2, $3  }
0x224: {  	_ = 	snop  }
0x225: {  	v4 =	vadd.f32 v10, v4;
	_ =	sdelay $0x1  }
0x226: {  	v4 =	vadd.f32 v11, v4  }
0x227: {  	_ = 	snop  }
0x228: {  	v3 =	vadd.f32 v3, v4;
	_ =	sdelay $0x1  }
0x229: {  	v0 =	vadd.f32 v0, v3;
	_ =	sdelay $0x1  }
0x22a: {  	p1 =	sne.s32 s22, $0x3F;
	v0 =	vadd.f32 v1, v0  }
.Ltmp3:
0x22b: {  	_ = 	snop;
	(pc) =	sbr.rel @p1 .LBB2_6-.Ltmp3, $4  }
0x22c: {  	v0 =	vadd.f32 v2, v0  }
0x22d: {  	s23 =	sshll.u32 s22, $0x8  }
0x22e: {  	[tilespmem:s24+$0xC470] =	vst v0;
	s24 =	sadd.s32 s23, s7  }
0x22f: {  	[hbm4b:s24+s3] =	stream.linear.scatter [tilespmem:s16], [sflag:$0x3], $0x400, $0x38;
	[tilespmem:$0x10C00] =	vst v63  }
.Ltmp4:
0x230: {  	(pc) =	sbr.rel .LBB2_7-.Ltmp4, $4  }
0x231: {  	_ = 	snop  }
0x232: {  	_ =	swait.ge [sflag:s17], $0x4000  }
0x233: {  	[sflag:s17] =	ssyncset.done $0x0  }
0x234: {  	[sflag:s17] =	ssyncadd.s32 $0xFFFFC000  }
.LBB2_6:
0x235: {  	s25 =	sand.u32 $0x3FFFFF00, s23  }
.Ltmp5:
0x236: {  	s25 =	sadd.s32 $0x100, s25;
	(pc) =	sbr.rel @p0 .LBB2_8-.Ltmp5, $4  }
0x237: {  	[tilespmem:s12], [sflag:$0x1] =	stream.indirect.gather [hbm4b:s1+s11], $0x80, s25, s11, $0xb8;
	[tilespmem:$0x10C00] =	vst v63  }
0x238: {  	_ =	swait.ge [sflag:s17], $0x4000  }
0x239: {  	[sflag:s17] =	ssyncset.done $0x0  }
0x23a: {  	[sflag:s17] =	ssyncadd.s32 $0xFFFFC000  }
.LBB2_7:
0x23b: {  	_ =	swait.ge [sflag:s18], $0x400  }
0x23c: {  	[sflag:s18] =	ssyncset.done $0x0  }
0x23d: {  	[sflag:s18] =	ssyncadd.s32 $0xFFFFFC00  }
.LBB2_8:
0x23e: {  	s26 =	simm.s32 $0x0  }
0x23f: {  	v0 =	vld [tilespmem:s26+$0x8400]  }
0x240: {  	v1 =	vld [tilespmem:s26+$0x8480];
	_ =	sdelay $0x1  }
0x241: {  	v2 =	vld [tilespmem:s26+$0x8500];
	_ =	sdelay $0x1  }
0x242: {  	v3 =	vld [tilespmem:s26+$0x8580]  }
0x243: {  	v0 =	vadd.f32 v1, v0  }
0x244: {  	v1 =	vld [tilespmem:s26+$0x8600]  }
0x245: {  	v0 =	vadd.f32 v2, v0  }
0x246: {  	v2 =	vld [tilespmem:s26+$0x8680]  }
0x247: {  	v0 =	vadd.f32 v3, v0  }
0x248: {  	v3 =	vld [tilespmem:s26+$0x8700]  }
0x249: {  	v0 =	vadd.f32 v1, v0  }
0x24a: {  	v1 =	vld [tilespmem:s26+$0x8780]  }
0x24b: {  	v0 =	vadd.f32 v2, v0  }
0x24c: {  	v2 =	vld [tilespmem:s26+$0x8800]  }
0x24d: {  	v0 =	vadd.f32 v3, v0  }
0x24e: {  	v3 =	vld [tilespmem:s26+$0x8880]  }
0x24f: {  	v0 =	vadd.f32 v1, v0  }
0x250: {  	v1 =	vld [tilespmem:s26+$0x8900]  }
0x251: {  	v0 =	vadd.f32 v2, v0  }
0x252: {  	v2 =	vld [tilespmem:s26+$0x8980]  }
0x253: {  	v0 =	vadd.f32 v3, v0  }
0x254: {  	v3 =	vld [tilespmem:s26+$0x8A00]  }
0x255: {  	v0 =	vadd.f32 v1, v0  }
0x256: {  	v1 =	vld [tilespmem:s26+$0x8A80]  }
0x257: {  	v0 =	vadd.f32 v2, v0  }
0x258: {  	v2 =	vld [tilespmem:s26+$0x8B00]  }
0x259: {  	v0 =	vadd.f32 v3, v0  }
0x25a: {  	v3 =	vld [tilespmem:s26+$0x8B80]  }
0x25b: {  	v0 =	vadd.f32 v1, v0;
	_ =	sdelay $0x1  }
0x25c: {  	v0 =	vadd.f32 v2, v0;
	_ =	sdelay $0x1  }
0x25d: {  	v0 =	vadd.f32 v3, v0  }
0x25e: {  	s25 =	simm.s32 $0xC870  }
0x25f: {  	[tilespmem:s25+$0xFFFFFF90] =	vst v0  }
0x260: {  	v0 =	vld [tilespmem:s26+$0x8410]  }
0x261: {  	v1 =	vld [tilespmem:s26+$0x8490];
	_ =	sdelay $0x1  }
0x262: {  	v2 =	vld [tilespmem:s26+$0x8510];
	_ =	sdelay $0x1  }
0x263: {  	v3 =	vld [tilespmem:s26+$0x8590]  }
0x264: {  	v0 =	vadd.f32 v1, v0  }
0x265: {  	v1 =	vld [tilespmem:s26+$0x8610]  }
0x266: {  	v0 =	vadd.f32 v2, v0  }
0x267: {  	v2 =	vld [tilespmem:s26+$0x8690]  }
0x268: {  	v0 =	vadd.f32 v3, v0  }
0x269: {  	v3 =	vld [tilespmem:s26+$0x8710]  }
0x26a: {  	v0 =	vadd.f32 v1, v0  }
0x26b: {  	v1 =	vld [tilespmem:s26+$0x8790]  }
0x26c: {  	v0 =	vadd.f32 v2, v0  }
0x26d: {  	v2 =	vld [tilespmem:s26+$0x8810]  }
0x26e: {  	v0 =	vadd.f32 v3, v0  }
0x26f: {  	v3 =	vld [tilespmem:s26+$0x8890]  }
0x270: {  	v0 =	vadd.f32 v1, v0  }
0x271: {  	v1 =	vld [tilespmem:s26+$0x8910]  }
0x272: {  	v0 =	vadd.f32 v2, v0  }
0x273: {  	v2 =	vld [tilespmem:s26+$0x8990]  }
0x274: {  	v0 =	vadd.f32 v3, v0  }
0x275: {  	v3 =	vld [tilespmem:s26+$0x8A10]  }
0x276: {  	v0 =	vadd.f32 v1, v0  }
0x277: {  	v1 =	vld [tilespmem:s26+$0x8A90]  }
0x278: {  	v0 =	vadd.f32 v2, v0  }
0x279: {  	v2 =	vld [tilespmem:s26+$0x8B10]  }
0x27a: {  	v0 =	vadd.f32 v3, v0  }
0x27b: {  	v3 =	vld [tilespmem:s26+$0x8B90]  }
0x27c: {  	v0 =	vadd.f32 v1, v0;
	_ =	sdelay $0x1  }
0x27d: {  	v0 =	vadd.f32 v2, v0;
	_ =	sdelay $0x1  }
0x27e: {  	v0 =	vadd.f32 v3, v0;
	_ =	sdelay $0x1  }
0x27f: {  	[tilespmem:s25+$0xFFFFFFA0] =	vst v0  }
0x280: {  	v0 =	vld [tilespmem:s26+$0x8420]  }
0x281: {  	v1 =	vld [tilespmem:s26+$0x84A0];
	_ =	sdelay $0x1  }
0x282: {  	v2 =	vld [tilespmem:s26+$0x8520];
	_ =	sdelay $0x1  }
0x283: {  	v3 =	vld [tilespmem:s26+$0x85A0]  }
0x284: {  	v0 =	vadd.f32 v1, v0  }
0x285: {  	v1 =	vld [tilespmem:s26+$0x8620]  }
0x286: {  	v0 =	vadd.f32 v2, v0  }
0x287: {  	v2 =	vld [tilespmem:s26+$0x86A0]  }
0x288: {  	v0 =	vadd.f32 v3, v0  }
0x289: {  	v3 =	vld [tilespmem:s26+$0x8720]  }
0x28a: {  	v0 =	vadd.f32 v1, v0  }
0x28b: {  	v1 =	vld [tilespmem:s26+$0x87A0]  }
0x28c: {  	v0 =	vadd.f32 v2, v0  }
0x28d: {  	v2 =	vld [tilespmem:s26+$0x8820]  }
0x28e: {  	v0 =	vadd.f32 v3, v0  }
0x28f: {  	v3 =	vld [tilespmem:s26+$0x88A0]  }
0x290: {  	v0 =	vadd.f32 v1, v0  }
0x291: {  	v1 =	vld [tilespmem:s26+$0x8920]  }
0x292: {  	v0 =	vadd.f32 v2, v0  }
0x293: {  	v2 =	vld [tilespmem:s26+$0x89A0]  }
0x294: {  	v0 =	vadd.f32 v3, v0  }
0x295: {  	v3 =	vld [tilespmem:s26+$0x8A20]  }
0x296: {  	v0 =	vadd.f32 v1, v0  }
0x297: {  	v1 =	vld [tilespmem:s26+$0x8AA0]  }
0x298: {  	v0 =	vadd.f32 v2, v0  }
0x299: {  	v2 =	vld [tilespmem:s26+$0x8B20]  }
0x29a: {  	v0 =	vadd.f32 v3, v0  }
0x29b: {  	v3 =	vld [tilespmem:s26+$0x8BA0]  }
0x29c: {  	v0 =	vadd.f32 v1, v0;
	_ =	sdelay $0x1  }
0x29d: {  	v0 =	vadd.f32 v2, v0;
	_ =	sdelay $0x1  }
0x29e: {  	v0 =	vadd.f32 v3, v0;
	_ =	sdelay $0x1  }
0x29f: {  	[tilespmem:s25+$0xFFFFFFB0] =	vst v0  }
0x2a0: {  	v0 =	vld [tilespmem:s26+$0x8430]  }
0x2a1: {  	v1 =	vld [tilespmem:s26+$0x84B0];
	_ =	sdelay $0x1  }
0x2a2: {  	v2 =	vld [tilespmem:s26+$0x8530];
	_ =	sdelay $0x1  }
0x2a3: {  	v3 =	vld [tilespmem:s26+$0x85B0]  }
0x2a4: {  	v0 =	vadd.f32 v1, v0  }
0x2a5: {  	v1 =	vld [tilespmem:s26+$0x8630]  }
0x2a6: {  	v0 =	vadd.f32 v2, v0  }
0x2a7: {  	v2 =	vld [tilespmem:s26+$0x86B0]  }
0x2a8: {  	v0 =	vadd.f32 v3, v0  }
0x2a9: {  	v3 =	vld [tilespmem:s26+$0x8730]  }
0x2aa: {  	v0 =	vadd.f32 v1, v0  }
0x2ab: {  	v1 =	vld [tilespmem:s26+$0x87B0]  }
0x2ac: {  	v0 =	vadd.f32 v2, v0  }
0x2ad: {  	v2 =	vld [tilespmem:s26+$0x8830]  }
0x2ae: {  	v0 =	vadd.f32 v3, v0  }
0x2af: {  	v3 =	vld [tilespmem:s26+$0x88B0]  }
0x2b0: {  	v0 =	vadd.f32 v1, v0  }
0x2b1: {  	v1 =	vld [tilespmem:s26+$0x8930]  }
0x2b2: {  	v0 =	vadd.f32 v2, v0  }
0x2b3: {  	v2 =	vld [tilespmem:s26+$0x89B0]  }
0x2b4: {  	v0 =	vadd.f32 v3, v0  }
0x2b5: {  	v3 =	vld [tilespmem:s26+$0x8A30]  }
0x2b6: {  	v0 =	vadd.f32 v1, v0  }
0x2b7: {  	v1 =	vld [tilespmem:s26+$0x8AB0]  }
0x2b8: {  	v0 =	vadd.f32 v2, v0  }
0x2b9: {  	v2 =	vld [tilespmem:s26+$0x8B30]  }
0x2ba: {  	v0 =	vadd.f32 v3, v0  }
0x2bb: {  	v3 =	vld [tilespmem:s26+$0x8BB0]  }
0x2bc: {  	v0 =	vadd.f32 v1, v0;
	_ =	sdelay $0x1  }
0x2bd: {  	v0 =	vadd.f32 v2, v0;
	_ =	sdelay $0x1  }
0x2be: {  	v0 =	vadd.f32 v3, v0;
	_ =	sdelay $0x1  }
0x2bf: {  	[tilespmem:s25+$0xFFFFFFC0] =	vst v0  }
0x2c0: {  	v0 =	vld [tilespmem:s26+$0x8440]  }
0x2c1: {  	v1 =	vld [tilespmem:s26+$0x84C0];
	_ =	sdelay $0x1  }
0x2c2: {  	v2 =	vld [tilespmem:s26+$0x8540];
	_ =	sdelay $0x1  }
0x2c3: {  	v3 =	vld [tilespmem:s26+$0x85C0]  }
0x2c4: {  	v0 =	vadd.f32 v1, v0  }
0x2c5: {  	v1 =	vld [tilespmem:s26+$0x8640]  }
0x2c6: {  	v0 =	vadd.f32 v2, v0  }
0x2c7: {  	v2 =	vld [tilespmem:s26+$0x86C0]  }
0x2c8: {  	v0 =	vadd.f32 v3, v0  }
0x2c9: {  	v3 =	vld [tilespmem:s26+$0x8740]  }
0x2ca: {  	v0 =	vadd.f32 v1, v0  }
0x2cb: {  	v1 =	vld [tilespmem:s26+$0x87C0]  }
0x2cc: {  	v0 =	vadd.f32 v2, v0  }
0x2cd: {  	v2 =	vld [tilespmem:s26+$0x8840]  }
0x2ce: {  	v0 =	vadd.f32 v3, v0  }
0x2cf: {  	v3 =	vld [tilespmem:s26+$0x88C0]  }
0x2d0: {  	v0 =	vadd.f32 v1, v0  }
0x2d1: {  	v1 =	vld [tilespmem:s26+$0x8940]  }
0x2d2: {  	v0 =	vadd.f32 v2, v0  }
0x2d3: {  	v2 =	vld [tilespmem:s26+$0x89C0]  }
0x2d4: {  	v0 =	vadd.f32 v3, v0  }
0x2d5: {  	v3 =	vld [tilespmem:s26+$0x8A40]  }
0x2d6: {  	v0 =	vadd.f32 v1, v0  }
0x2d7: {  	v1 =	vld [tilespmem:s26+$0x8AC0]  }
0x2d8: {  	v0 =	vadd.f32 v2, v0  }
0x2d9: {  	v2 =	vld [tilespmem:s26+$0x8B40]  }
0x2da: {  	v0 =	vadd.f32 v3, v0  }
0x2db: {  	v3 =	vld [tilespmem:s26+$0x8BC0]  }
0x2dc: {  	v0 =	vadd.f32 v1, v0;
	_ =	sdelay $0x1  }
0x2dd: {  	v0 =	vadd.f32 v2, v0;
	_ =	sdelay $0x1  }
0x2de: {  	v0 =	vadd.f32 v3, v0;
	_ =	sdelay $0x1  }
0x2df: {  	[tilespmem:s25+$0xFFFFFFD0] =	vst v0  }
0x2e0: {  	v0 =	vld [tilespmem:s26+$0x8450]  }
0x2e1: {  	v1 =	vld [tilespmem:s26+$0x84D0];
	_ =	sdelay $0x1  }
0x2e2: {  	v2 =	vld [tilespmem:s26+$0x8550];
	_ =	sdelay $0x1  }
0x2e3: {  	v3 =	vld [tilespmem:s26+$0x85D0]  }
0x2e4: {  	v0 =	vadd.f32 v1, v0  }
0x2e5: {  	v1 =	vld [tilespmem:s26+$0x8650]  }
0x2e6: {  	v0 =	vadd.f32 v2, v0  }
0x2e7: {  	v2 =	vld [tilespmem:s26+$0x86D0]  }
0x2e8: {  	v0 =	vadd.f32 v3, v0  }
0x2e9: {  	v3 =	vld [tilespmem:s26+$0x8750]  }
0x2ea: {  	v0 =	vadd.f32 v1, v0  }
0x2eb: {  	v1 =	vld [tilespmem:s26+$0x87D0]  }
0x2ec: {  	v0 =	vadd.f32 v2, v0  }
0x2ed: {  	v2 =	vld [tilespmem:s26+$0x8850]  }
0x2ee: {  	v0 =	vadd.f32 v3, v0  }
0x2ef: {  	v3 =	vld [tilespmem:s26+$0x88D0]  }
0x2f0: {  	v0 =	vadd.f32 v1, v0  }
0x2f1: {  	v1 =	vld [tilespmem:s26+$0x8950]  }
0x2f2: {  	v0 =	vadd.f32 v2, v0  }
0x2f3: {  	v2 =	vld [tilespmem:s26+$0x89D0]  }
0x2f4: {  	v0 =	vadd.f32 v3, v0  }
0x2f5: {  	v3 =	vld [tilespmem:s26+$0x8A50]  }
0x2f6: {  	v0 =	vadd.f32 v1, v0  }
0x2f7: {  	v1 =	vld [tilespmem:s26+$0x8AD0]  }
0x2f8: {  	v0 =	vadd.f32 v2, v0  }
0x2f9: {  	v2 =	vld [tilespmem:s26+$0x8B50]  }
0x2fa: {  	v0 =	vadd.f32 v3, v0  }
0x2fb: {  	v3 =	vld [tilespmem:s26+$0x8BD0]  }
0x2fc: {  	v0 =	vadd.f32 v1, v0;
	_ =	sdelay $0x1  }
0x2fd: {  	v0 =	vadd.f32 v2, v0;
	_ =	sdelay $0x1  }
0x2fe: {  	v0 =	vadd.f32 v3, v0;
	_ =	sdelay $0x1  }
0x2ff: {  	[tilespmem:s25+$0xFFFFFFE0] =	vst v0  }
0x300: {  	v0 =	vld [tilespmem:s26+$0x8460]  }
0x301: {  	v1 =	vld [tilespmem:s26+$0x84E0];
	_ =	sdelay $0x1  }
0x302: {  	v2 =	vld [tilespmem:s26+$0x8560];
	_ =	sdelay $0x1  }
0x303: {  	v3 =	vld [tilespmem:s26+$0x85E0]  }
0x304: {  	v0 =	vadd.f32 v1, v0  }
0x305: {  	v1 =	vld [tilespmem:s26+$0x8660]  }
0x306: {  	v0 =	vadd.f32 v2, v0  }
0x307: {  	v2 =	vld [tilespmem:s26+$0x86E0]  }
0x308: {  	v0 =	vadd.f32 v3, v0  }
0x309: {  	v3 =	vld [tilespmem:s26+$0x8760]  }
0x30a: {  	v0 =	vadd.f32 v1, v0  }
0x30b: {  	v1 =	vld [tilespmem:s26+$0x87E0]  }
0x30c: {  	v0 =	vadd.f32 v2, v0  }
0x30d: {  	v2 =	vld [tilespmem:s26+$0x8860]  }
0x30e: {  	v0 =	vadd.f32 v3, v0  }
0x30f: {  	v3 =	vld [tilespmem:s26+$0x88E0]  }
0x310: {  	v0 =	vadd.f32 v1, v0  }
0x311: {  	v1 =	vld [tilespmem:s26+$0x8960]  }
0x312: {  	v0 =	vadd.f32 v2, v0  }
0x313: {  	v2 =	vld [tilespmem:s26+$0x89E0]  }
0x314: {  	v0 =	vadd.f32 v3, v0  }
0x315: {  	v3 =	vld [tilespmem:s26+$0x8A60]  }
0x316: {  	v0 =	vadd.f32 v1, v0  }
0x317: {  	v1 =	vld [tilespmem:s26+$0x8AE0]  }
0x318: {  	v0 =	vadd.f32 v2, v0  }
0x319: {  	v2 =	vld [tilespmem:s26+$0x8B60]  }
0x31a: {  	v0 =	vadd.f32 v3, v0  }
0x31b: {  	v3 =	vld [tilespmem:s26+$0x8BE0]  }
0x31c: {  	v0 =	vadd.f32 v1, v0;
	_ =	sdelay $0x1  }
0x31d: {  	v0 =	vadd.f32 v2, v0;
	_ =	sdelay $0x1  }
0x31e: {  	v0 =	vadd.f32 v3, v0;
	_ =	sdelay $0x1  }
0x31f: {  	[tilespmem:s25+$0xFFFFFFF0] =	vst v0  }
0x320: {  	v0 =	vld [tilespmem:s26+$0x8470]  }
0x321: {  	v1 =	vld [tilespmem:s26+$0x84F0];
	_ =	sdelay $0x1  }
0x322: {  	v2 =	vld [tilespmem:s26+$0x8570];
	_ =	sdelay $0x1  }
0x323: {  	v3 =	vld [tilespmem:s26+$0x85F0]  }
0x324: {  	v0 =	vadd.f32 v1, v0  }
0x325: {  	v1 =	vld [tilespmem:s26+$0x8670]  }
0x326: {  	v0 =	vadd.f32 v2, v0  }
0x327: {  	v2 =	vld [tilespmem:s26+$0x86F0]  }
0x328: {  	v0 =	vadd.f32 v3, v0  }
0x329: {  	v3 =	vld [tilespmem:s26+$0x8770]  }
0x32a: {  	v0 =	vadd.f32 v1, v0  }
0x32b: {  	v1 =	vld [tilespmem:s26+$0x87F0]  }
0x32c: {  	v0 =	vadd.f32 v2, v0  }
0x32d: {  	v2 =	vld [tilespmem:s26+$0x8870]  }
0x32e: {  	v0 =	vadd.f32 v3, v0  }
0x32f: {  	v3 =	vld [tilespmem:s26+$0x88F0]  }
0x330: {  	v0 =	vadd.f32 v1, v0  }
0x331: {  	v4 =	vld [tilespmem:s26+$0x8970]  }
0x332: {  	v0 =	vadd.f32 v2, v0  }
0x333: {  	v5 =	vld [tilespmem:s26+$0x89F0]  }
0x334: {  	v2 =	vadd.f32 v3, v0  }
0x335: {  	v1 =	vld [tilespmem:s26+$0x8A70]  }
0x336: {  	v0 =	vld [tilespmem:s26+$0x8AF0];
	v4 =	vadd.f32 v4, v2  }
0x337: {  	v3 =	vld [tilespmem:s26+$0x8BF0]  }
0x338: {  	s28 =	simm.s32 $0x2000;
	v2 =	vld [tilespmem:s26+$0x8B70];
	s26 =	simm.s32 $0xC870;
	v4 =	vadd.f32 v5, v4  }
.LBB2_9:
0x339: {  	p0 =	sne.s32 s28, $0xE000  }
0x33a: {  	s25 =	sadd.s32 $0x80, s25;
	s29 =	smov.u32 s28;
	s28 =	sadd.s32 $0x2000, s28  }
0x33b: {  	v1 =	vadd.f32 v1, v4;
	_ =	sdelay $0x1  }
0x33c: {  	v0 =	vadd.f32 v0, v1;
	_ =	sdelay $0x1  }
0x33d: {  	v0 =	vadd.f32 v2, v0;
	_ =	sdelay $0x1  }
0x33e: {  	v0 =	vadd.f32 v3, v0  }
0x33f: {  	s29 =	sshra.s32 s29, $0x2  }
0x340: {  	[tilespmem:s26+$0x0] =	vst v0;
	s26 =	smov.u32 s25  }
0x341: {  	v0 =	vld [tilespmem:s29+$0x8400]  }
0x342: {  	v1 =	vld [tilespmem:s29+$0x8480]  }
0x343: {  	v2 =	vld [tilespmem:s29+$0x8500];
	_ =	sdelay $0x1  }
0x344: {  	v3 =	vld [tilespmem:s29+$0x8580];
	_ =	sdelay $0x1  }
0x345: {  	v0 =	vadd.f32 v1, v0  }
0x346: {  	v1 =	vld [tilespmem:s29+$0x8600]  }
0x347: {  	v0 =	vadd.f32 v2, v0  }
0x348: {  	v2 =	vld [tilespmem:s29+$0x8680]  }
0x349: {  	v0 =	vadd.f32 v3, v0  }
0x34a: {  	v3 =	vld [tilespmem:s29+$0x8700]  }
0x34b: {  	v0 =	vadd.f32 v1, v0  }
0x34c: {  	v1 =	vld [tilespmem:s29+$0x8780]  }
0x34d: {  	v0 =	vadd.f32 v2, v0  }
0x34e: {  	v2 =	vld [tilespmem:s29+$0x8800]  }
0x34f: {  	v0 =	vadd.f32 v3, v0  }
0x350: {  	v3 =	vld [tilespmem:s29+$0x8880]  }
0x351: {  	v0 =	vadd.f32 v1, v0  }
0x352: {  	v1 =	vld [tilespmem:s29+$0x8900]  }
0x353: {  	v0 =	vadd.f32 v2, v0  }
0x354: {  	v2 =	vld [tilespmem:s29+$0x8980]  }
0x355: {  	v0 =	vadd.f32 v3, v0  }
0x356: {  	v3 =	vld [tilespmem:s29+$0x8A00]  }
0x357: {  	v0 =	vadd.f32 v1, v0  }
0x358: {  	v1 =	vld [tilespmem:s29+$0x8A80]  }
0x359: {  	v0 =	vadd.f32 v2, v0  }
0x35a: {  	v2 =	vld [tilespmem:s29+$0x8B00]  }
0x35b: {  	v0 =	vadd.f32 v3, v0  }
0x35c: {  	v3 =	vld [tilespmem:s29+$0x8B80]  }
0x35d: {  	v0 =	vadd.f32 v1, v0;
	_ =	sdelay $0x1  }
0x35e: {  	v0 =	vadd.f32 v2, v0;
	_ =	sdelay $0x1  }
0x35f: {  	v0 =	vadd.f32 v3, v0;
	_ =	sdelay $0x1  }
0x360: {  	[tilespmem:s25+$0xFFFFFF90] =	vst v0  }
0x361: {  	v0 =	vld [tilespmem:s29+$0x8410]  }
0x362: {  	v1 =	vld [tilespmem:s29+$0x8490];
	_ =	sdelay $0x1  }
0x363: {  	v2 =	vld [tilespmem:s29+$0x8510];
	_ =	sdelay $0x1  }
0x364: {  	v3 =	vld [tilespmem:s29+$0x8590]  }
0x365: {  	v0 =	vadd.f32 v1, v0  }
0x366: {  	v1 =	vld [tilespmem:s29+$0x8610]  }
0x367: {  	v0 =	vadd.f32 v2, v0  }
0x368: {  	v2 =	vld [tilespmem:s29+$0x8690]  }
0x369: {  	v0 =	vadd.f32 v3, v0  }
0x36a: {  	v3 =	vld [tilespmem:s29+$0x8710]  }
0x36b: {  	v0 =	vadd.f32 v1, v0  }
0x36c: {  	v1 =	vld [tilespmem:s29+$0x8790]  }
0x36d: {  	v0 =	vadd.f32 v2, v0  }
0x36e: {  	v2 =	vld [tilespmem:s29+$0x8810]  }
0x36f: {  	v0 =	vadd.f32 v3, v0  }
0x370: {  	v3 =	vld [tilespmem:s29+$0x8890]  }
0x371: {  	v0 =	vadd.f32 v1, v0  }
0x372: {  	v1 =	vld [tilespmem:s29+$0x8910]  }
0x373: {  	v0 =	vadd.f32 v2, v0  }
0x374: {  	v2 =	vld [tilespmem:s29+$0x8990]  }
0x375: {  	v0 =	vadd.f32 v3, v0  }
0x376: {  	v3 =	vld [tilespmem:s29+$0x8A10]  }
0x377: {  	v0 =	vadd.f32 v1, v0  }
0x378: {  	v1 =	vld [tilespmem:s29+$0x8A90]  }
0x379: {  	v0 =	vadd.f32 v2, v0  }
0x37a: {  	v2 =	vld [tilespmem:s29+$0x8B10]  }
0x37b: {  	v0 =	vadd.f32 v3, v0  }
0x37c: {  	v3 =	vld [tilespmem:s29+$0x8B90]  }
0x37d: {  	v0 =	vadd.f32 v1, v0;
	_ =	sdelay $0x1  }
0x37e: {  	v0 =	vadd.f32 v2, v0;
	_ =	sdelay $0x1  }
0x37f: {  	v0 =	vadd.f32 v3, v0;
	_ =	sdelay $0x1  }
0x380: {  	[tilespmem:s25+$0xFFFFFFA0] =	vst v0  }
0x381: {  	v0 =	vld [tilespmem:s29+$0x8420]  }
0x382: {  	v1 =	vld [tilespmem:s29+$0x84A0];
	_ =	sdelay $0x1  }
0x383: {  	v2 =	vld [tilespmem:s29+$0x8520];
	_ =	sdelay $0x1  }
0x384: {  	v3 =	vld [tilespmem:s29+$0x85A0]  }
0x385: {  	v0 =	vadd.f32 v1, v0  }
0x386: {  	v1 =	vld [tilespmem:s29+$0x8620]  }
0x387: {  	v0 =	vadd.f32 v2, v0  }
0x388: {  	v2 =	vld [tilespmem:s29+$0x86A0]  }
0x389: {  	v0 =	vadd.f32 v3, v0  }
0x38a: {  	v3 =	vld [tilespmem:s29+$0x8720]  }
0x38b: {  	v0 =	vadd.f32 v1, v0  }
0x38c: {  	v1 =	vld [tilespmem:s29+$0x87A0]  }
0x38d: {  	v0 =	vadd.f32 v2, v0  }
0x38e: {  	v2 =	vld [tilespmem:s29+$0x8820]  }
0x38f: {  	v0 =	vadd.f32 v3, v0  }
0x390: {  	v3 =	vld [tilespmem:s29+$0x88A0]  }
0x391: {  	v0 =	vadd.f32 v1, v0  }
0x392: {  	v1 =	vld [tilespmem:s29+$0x8920]  }
0x393: {  	v0 =	vadd.f32 v2, v0  }
0x394: {  	v2 =	vld [tilespmem:s29+$0x89A0]  }
0x395: {  	v0 =	vadd.f32 v3, v0  }
0x396: {  	v3 =	vld [tilespmem:s29+$0x8A20]  }
0x397: {  	v0 =	vadd.f32 v1, v0  }
0x398: {  	v1 =	vld [tilespmem:s29+$0x8AA0]  }
0x399: {  	v0 =	vadd.f32 v2, v0  }
0x39a: {  	v2 =	vld [tilespmem:s29+$0x8B20]  }
0x39b: {  	v0 =	vadd.f32 v3, v0  }
0x39c: {  	v3 =	vld [tilespmem:s29+$0x8BA0]  }
0x39d: {  	v0 =	vadd.f32 v1, v0;
	_ =	sdelay $0x1  }
0x39e: {  	v0 =	vadd.f32 v2, v0;
	_ =	sdelay $0x1  }
0x39f: {  	v0 =	vadd.f32 v3, v0;
	_ =	sdelay $0x1  }
0x3a0: {  	[tilespmem:s25+$0xFFFFFFB0] =	vst v0  }
0x3a1: {  	v0 =	vld [tilespmem:s29+$0x8430]  }
0x3a2: {  	v1 =	vld [tilespmem:s29+$0x84B0];
	_ =	sdelay $0x1  }
0x3a3: {  	v2 =	vld [tilespmem:s29+$0x8530];
	_ =	sdelay $0x1  }
0x3a4: {  	v3 =	vld [tilespmem:s29+$0x85B0]  }
0x3a5: {  	v0 =	vadd.f32 v1, v0  }
0x3a6: {  	v1 =	vld [tilespmem:s29+$0x8630]  }
0x3a7: {  	v0 =	vadd.f32 v2, v0  }
0x3a8: {  	v2 =	vld [tilespmem:s29+$0x86B0]  }
0x3a9: {  	v0 =	vadd.f32 v3, v0  }
0x3aa: {  	v3 =	vld [tilespmem:s29+$0x8730]  }
0x3ab: {  	v0 =	vadd.f32 v1, v0  }
0x3ac: {  	v1 =	vld [tilespmem:s29+$0x87B0]  }
0x3ad: {  	v0 =	vadd.f32 v2, v0  }
0x3ae: {  	v2 =	vld [tilespmem:s29+$0x8830]  }
0x3af: {  	v0 =	vadd.f32 v3, v0  }
0x3b0: {  	v3 =	vld [tilespmem:s29+$0x88B0]  }
0x3b1: {  	v0 =	vadd.f32 v1, v0  }
0x3b2: {  	v1 =	vld [tilespmem:s29+$0x8930]  }
0x3b3: {  	v0 =	vadd.f32 v2, v0  }
0x3b4: {  	v2 =	vld [tilespmem:s29+$0x89B0]  }
0x3b5: {  	v0 =	vadd.f32 v3, v0  }
0x3b6: {  	v3 =	vld [tilespmem:s29+$0x8A30]  }
0x3b7: {  	v0 =	vadd.f32 v1, v0  }
0x3b8: {  	v1 =	vld [tilespmem:s29+$0x8AB0]  }
0x3b9: {  	v0 =	vadd.f32 v2, v0  }
0x3ba: {  	v2 =	vld [tilespmem:s29+$0x8B30]  }
0x3bb: {  	v0 =	vadd.f32 v3, v0  }
0x3bc: {  	v3 =	vld [tilespmem:s29+$0x8BB0]  }
0x3bd: {  	v0 =	vadd.f32 v1, v0;
	_ =	sdelay $0x1  }
0x3be: {  	v0 =	vadd.f32 v2, v0;
	_ =	sdelay $0x1  }
0x3bf: {  	v0 =	vadd.f32 v3, v0;
	_ =	sdelay $0x1  }
0x3c0: {  	[tilespmem:s25+$0xFFFFFFC0] =	vst v0  }
0x3c1: {  	v0 =	vld [tilespmem:s29+$0x8440]  }
0x3c2: {  	v1 =	vld [tilespmem:s29+$0x84C0]  }
0x3c3: {  	v2 =	vld [tilespmem:s29+$0x8540];
	_ =	sdelay $0x2  }
0x3c4: {  	v3 =	vld [tilespmem:s29+$0x85C0]  }
0x3c5: {  	v0 =	vadd.f32 v1, v0  }
0x3c6: {  	v1 =	vld [tilespmem:s29+$0x8640]  }
0x3c7: {  	v0 =	vadd.f32 v2, v0  }
0x3c8: {  	v2 =	vld [tilespmem:s29+$0x86C0]  }
0x3c9: {  	v0 =	vadd.f32 v3, v0  }
0x3ca: {  	v3 =	vld [tilespmem:s29+$0x8740]  }
0x3cb: {  	v0 =	vadd.f32 v1, v0  }
0x3cc: {  	v1 =	vld [tilespmem:s29+$0x87C0]  }
0x3cd: {  	v0 =	vadd.f32 v2, v0  }
0x3ce: {  	v2 =	vld [tilespmem:s29+$0x8840]  }
0x3cf: {  	v0 =	vadd.f32 v3, v0  }
0x3d0: {  	v3 =	vld [tilespmem:s29+$0x88C0]  }
0x3d1: {  	v0 =	vadd.f32 v1, v0  }
0x3d2: {  	v1 =	vld [tilespmem:s29+$0x8940]  }
0x3d3: {  	v0 =	vadd.f32 v2, v0  }
0x3d4: {  	v2 =	vld [tilespmem:s29+$0x89C0]  }
0x3d5: {  	v0 =	vadd.f32 v3, v0  }
0x3d6: {  	v3 =	vld [tilespmem:s29+$0x8A40]  }
0x3d7: {  	v0 =	vadd.f32 v1, v0  }
0x3d8: {  	v1 =	vld [tilespmem:s29+$0x8AC0]  }
0x3d9: {  	v0 =	vadd.f32 v2, v0  }
0x3da: {  	v2 =	vld [tilespmem:s29+$0x8B40]  }
0x3db: {  	v0 =	vadd.f32 v3, v0  }
0x3dc: {  	v3 =	vld [tilespmem:s29+$0x8BC0]  }
0x3dd: {  	v0 =	vadd.f32 v1, v0;
	_ =	sdelay $0x1  }
0x3de: {  	v0 =	vadd.f32 v2, v0;
	_ =	sdelay $0x1  }
0x3df: {  	v0 =	vadd.f32 v3, v0;
	_ =	sdelay $0x1  }
0x3e0: {  	[tilespmem:s25+$0xFFFFFFD0] =	vst v0  }
0x3e1: {  	v0 =	vld [tilespmem:s29+$0x8450]  }
0x3e2: {  	v1 =	vld [tilespmem:s29+$0x84D0]  }
0x3e3: {  	v2 =	vld [tilespmem:s29+$0x8550]  }
0x3e4: {  	v3 =	vld [tilespmem:s29+$0x85D0]  }
0x3e5: {  	v4 =	vld [tilespmem:s29+$0x8650]  }
0x3e6: {  	v5 =	vld [tilespmem:s29+$0x86D0]  }
0x3e7: {  	v0 =	vadd.f32 v1, v0;
	v1 =	vld [tilespmem:s29+$0x8750]  }
0x3e8: {  	v6 =	vld [tilespmem:s29+$0x87D0]  }
0x3e9: {  	v0 =	vadd.f32 v2, v0;
	v2 =	vld [tilespmem:s29+$0x8850]  }
0x3ea: {  	v7 =	vld [tilespmem:s29+$0x88D0]  }
0x3eb: {  	v0 =	vadd.f32 v3, v0;
	v3 =	vld [tilespmem:s29+$0x8950]  }
0x3ec: {  	v8 =	vld [tilespmem:s29+$0x89D0]  }
0x3ed: {  	v0 =	vadd.f32 v4, v0;
	v4 =	vld [tilespmem:s29+$0x8A50]  }
0x3ee: {  	v9 =	vld [tilespmem:s29+$0x8AD0]  }
0x3ef: {  	v0 =	vadd.f32 v5, v0;
	v5 =	vld [tilespmem:s29+$0x8B50]  }
0x3f0: {  	v10 =	vld [tilespmem:s29+$0x8BD0]  }
0x3f1: {  	v0 =	vadd.f32 v1, v0;
	_ =	sdelay $0x1  }
0x3f2: {  	v0 =	vadd.f32 v6, v0;
	_ =	sdelay $0x1  }
0x3f3: {  	v0 =	vadd.f32 v2, v0;
	_ =	sdelay $0x1  }
0x3f4: {  	v0 =	vadd.f32 v7, v0;
	_ =	sdelay $0x1  }
0x3f5: {  	v0 =	vadd.f32 v3, v0;
	_ =	sdelay $0x1  }
0x3f6: {  	v0 =	vadd.f32 v8, v0;
	_ =	sdelay $0x1  }
0x3f7: {  	v0 =	vadd.f32 v4, v0;
	_ =	sdelay $0x1  }
0x3f8: {  	v0 =	vadd.f32 v9, v0;
	_ =	sdelay $0x1  }
0x3f9: {  	v0 =	vadd.f32 v5, v0;
	_ =	sdelay $0x1  }
0x3fa: {  	v0 =	vadd.f32 v10, v0;
	_ =	sdelay $0x1  }
0x3fb: {  	[tilespmem:s25+$0xFFFFFFE0] =	vst v0  }
0x3fc: {  	v0 =	vld [tilespmem:s29+$0x8460]  }
0x3fd: {  	v1 =	vld [tilespmem:s29+$0x84E0]  }
0x3fe: {  	v2 =	vld [tilespmem:s29+$0x8560]  }
0x3ff: {  	v3 =	vld [tilespmem:s29+$0x85E0]  }
0x400: {  	v4 =	vld [tilespmem:s29+$0x8660]  }
0x401: {  	v5 =	vld [tilespmem:s29+$0x86E0]  }
0x402: {  	v0 =	vadd.f32 v1, v0;
	v1 =	vld [tilespmem:s29+$0x8760]  }
0x403: {  	v6 =	vld [tilespmem:s29+$0x87E0]  }
0x404: {  	v0 =	vadd.f32 v2, v0;
	v2 =	vld [tilespmem:s29+$0x8860]  }
0x405: {  	v7 =	vld [tilespmem:s29+$0x88E0]  }
0x406: {  	v0 =	vadd.f32 v3, v0;
	v3 =	vld [tilespmem:s29+$0x8960]  }
0x407: {  	v8 =	vld [tilespmem:s29+$0x89E0]  }
0x408: {  	v0 =	vadd.f32 v4, v0;
	v4 =	vld [tilespmem:s29+$0x8A60]  }
0x409: {  	v9 =	vld [tilespmem:s29+$0x8AE0]  }
0x40a: {  	v0 =	vadd.f32 v5, v0;
	v5 =	vld [tilespmem:s29+$0x8B60]  }
0x40b: {  	v10 =	vld [tilespmem:s29+$0x8BE0]  }
0x40c: {  	v0 =	vadd.f32 v1, v0;
	_ =	sdelay $0x1  }
0x40d: {  	v0 =	vadd.f32 v6, v0;
	_ =	sdelay $0x1  }
0x40e: {  	v0 =	vadd.f32 v2, v0;
	_ =	sdelay $0x1  }
0x40f: {  	v0 =	vadd.f32 v7, v0;
	_ =	sdelay $0x1  }
0x410: {  	v0 =	vadd.f32 v3, v0;
	_ =	sdelay $0x1  }
0x411: {  	v0 =	vadd.f32 v8, v0;
	_ =	sdelay $0x1  }
0x412: {  	v0 =	vadd.f32 v4, v0;
	_ =	sdelay $0x1  }
0x413: {  	v0 =	vadd.f32 v9, v0;
	_ =	sdelay $0x1  }
0x414: {  	v0 =	vadd.f32 v5, v0;
	_ =	sdelay $0x1  }
0x415: {  	v0 =	vadd.f32 v10, v0;
	_ =	sdelay $0x1  }
0x416: {  	[tilespmem:s25+$0xFFFFFFF0] =	vst v0  }
0x417: {  	v0 =	vld [tilespmem:s29+$0x8470]  }
0x418: {  	v1 =	vld [tilespmem:s29+$0x84F0]  }
0x419: {  	v2 =	vld [tilespmem:s29+$0x8570]  }
0x41a: {  	v3 =	vld [tilespmem:s29+$0x85F0]  }
0x41b: {  	v4 =	vld [tilespmem:s29+$0x8670]  }
0x41c: {  	v5 =	vld [tilespmem:s29+$0x86F0]  }
0x41d: {  	v0 =	vadd.f32 v1, v0;
	v6 =	vld [tilespmem:s29+$0x8770]  }
0x41e: {  	v7 =	vld [tilespmem:s29+$0x87F0]  }
0x41f: {  	v0 =	vadd.f32 v2, v0;
	v8 =	vld [tilespmem:s29+$0x8870]  }
0x420: {  	v9 =	vld [tilespmem:s29+$0x88F0]  }
0x421: {  	v0 =	vadd.f32 v3, v0;
	v10 =	vld [tilespmem:s29+$0x8970]  }
0x422: {  	v11 =	vld [tilespmem:s29+$0x89F0]  }
0x423: {  	v2 =	vadd.f32 v4, v0;
	v1 =	vld [tilespmem:s29+$0x8A70]  }
0x424: {  	v0 =	vld [tilespmem:s29+$0x8AF0]  }
0x425: {  	v4 =	vadd.f32 v5, v2;
	v2 =	vld [tilespmem:s29+$0x8B70]  }
0x426: {  	v3 =	vld [tilespmem:s29+$0x8BF0]  }
0x427: {  	v4 =	vadd.f32 v6, v4;
	_ =	sdelay $0x1  }
0x428: {  	v4 =	vadd.f32 v7, v4;
	_ =	sdelay $0x1  }
0x429: {  	v4 =	vadd.f32 v8, v4;
	_ =	sdelay $0x1  }
.Ltmp6:
0x42a: {  	v4 =	vadd.f32 v9, v4;
	(pc) =	sbr.rel @p0 .LBB2_9-.Ltmp6, $3  }
0x42b: {  	_ = 	snop  }
0x42c: {  	v4 =	vadd.f32 v10, v4;
	_ =	sdelay $0x1  }
0x42d: {  	v4 =	vadd.f32 v11, v4  }
0x42e: {  	_ = 	snop  }
0x42f: {  	v1 =	vadd.f32 v1, v4;
	_ =	sdelay $0x1  }
0x430: {  	v0 =	vadd.f32 v0, v1;
	_ =	sdelay $0x1  }
0x431: {  	p0 =	seq.s32 s22, $0x3F;
	v0 =	vadd.f32 v2, v0  }
.Ltmp7:
0x432: {  	_ = 	snop;
	(pc) =	sbr.rel @p0 .LBB2_12-.Ltmp7, $3  }
0x433: {  	v0 =	vadd.f32 v3, v0;
	_ =	sdelay $0x1  }
0x434: {  	s24 =	sadd.s32 $0x80, s24;
	[tilespmem:s26+$0x0] =	vst v0  }
0x435: {  	[hbm4b:s24+s3] =	stream.linear.scatter [tilespmem:s19], [sflag:$0x4], $0x400, $0x38;
	[tilespmem:$0x10C00] =	vst v63  }
.Ltmp8:
0x436: {  	(pc) =	sbr.rel .LBB2_2-.Ltmp8, $4  }
0x437: {  	_ = 	snop  }
0x438: {  	s23 =	sand.u32 $0x3FFFFF00, s23  }
0x439: {  	s22 =	sadd.s32 $0x1, s22;
	s23 =	sadd.s32 $0x180, s23  }
0x43a: {  	[tilespmem:s13], [sflag:$0x2] =	stream.indirect.gather [hbm4b:s1+s11], $0x80, s23, s11, $0xb8;
	[tilespmem:$0x10C00] =	vst v63  }
.LBB2_13:
0x43b: {  	_ =	sfence.sel $0x180000  }
0x43c: {  	[bflag:$0x0] =	sbarrier.arrive $0xFFFF  }
0x43d: {  	p0 =	sne.s32 s0, $0x0;
	_ =	strace $0x90000047  }
0x43e: {  	s0 =	sadd.s32 @!p0 $0x100000, s2;
	[bflag:$0x2] =	sbarrier.arrive $0xFFFF  }
0x43f: {  	[sflag:s0] =	ssyncadd.tile.s32 @!p0 $0x1;
	_ =	shalt  }
.Lfunc_end2:
_tile_overlayer_lowered:
.L_overlay_start_2:
0x440: {  	(tag) =	ssettag $0x2  }
0x441: {  	s0 =	rddreg [dreg:$0x0];
	s2 =	stileid.u32  }
0x442: {  	s1 =	rddreg [dreg:$0x1];
	p0 =	sne.s32 s2, $0x0  }
0x443: {  	s3 =	rddreg [dreg:$0x2];
	[bflag:$0x3] =	sbarrier.arrive $0xFFFF;
	s2 =	simm.s32 @!p0 $0x1C07  }
0x444: {  	[timem:s3], [sflag:s2] =	dma.local @!p0 [hbm:s0], s1  }
0x445: {  	s0 =	simm.s32 @!p0 $0x7  }
0x446: {  	_ =	swait.ge @!p0 [sflag:s0], s1  }
0x447: {  	s1 =	ssub.s32 @!p0 $0x0, s1;
	[sflag:s0] =	ssyncset.done @!p0 $0x0  }
0x448: {  	[sflag:s0] =	ssyncadd.s32 @!p0 s1  }
0x449: {  	[bflag:$0x3] =	sbarrier.arrive $0xFFFF  }
0x44a: {  	_ =	shalt  }

</sc_bundles>
